<compile_context>
chip_gen: v7x
topology: tpu7x:2x2x1
jax: 0.10.2.dev20260603
libtpu: 0.0.44.dev20260713+nightly
codegen_flags: <defaults>
</compile_context>

<pallas_src>
import functools

import jax
import jax.numpy as jnp
from jax import lax
from jax.experimental import pallas as pl
from jax.experimental.pallas import tpu as pltpu
from jax.experimental.pallas import tpu_sc as plsc

N = 10000
E = 320000
NFEAT = 128
NHID = 128
NCLASS = 40

NCORES = 2
NSUB = 16
NW = NCORES * NSUB
EPW = E // NW
K = 64
NCH = 160
EPW_PAD = NCH * K
NPAD = 10240
RPT = NPAD // NSUB
NBUF = 3
NCHL = 157
DK = 128
DCH = 80
DCHL = 79

_mesh = plsc.VectorSubcoreMesh(core_axis_name="c", subcore_axis_name="s")


def _deg_body(dst_hbm, cnt_hbm, dst_v, ones_v, zbuf, deg_sh):
    c = lax.axis_index("c")
    s = lax.axis_index("s")
    w = c * NSUB + s
    off = pl.multiple_of(s * RPT, RPT)
    zeros16 = jnp.zeros((16,), jnp.float32)
    ones16 = jnp.ones((16,), jnp.float32)
    for i in range(RPT // 16):
        zbuf[pl.ds(i * 16, 16)] = zeros16
    for i in range(DK // 16):
        ones_v[pl.ds(i * 16, 16)] = ones16
    pltpu.sync_copy(zbuf, deg_sh.at[pl.ds(off, RPT)])
    plsc.subcore_barrier()
    pltpu.sync_copy(dst_hbm.at[w], dst_v)

    def body(j, carry):
        pltpu.sync_copy(ones_v, deg_sh.at[dst_v.at[j]], add=True)
        return carry

    lax.fori_loop(0, DCHL, body, 0)
    plsc.subcore_barrier()
    pltpu.sync_copy(deg_sh.at[pl.ds(off, RPT)],
                    cnt_hbm.at[pl.multiple_of(c * 8, 8), pl.ds(off, RPT)])


_deg_kernel = functools.partial(
    pl.kernel,
    out_type=jax.ShapeDtypeStruct((16, NPAD), jnp.float32),
    mesh=_mesh,
    scratch_types=[
        pltpu.VMEM((DCH, DK), jnp.int32),
        pltpu.VMEM((DK,), jnp.float32),
        pltpu.VMEM((RPT,), jnp.float32),
        pltpu.VMEM_SHARED((NPAD,), jnp.float32),
    ],
)(_deg_body)


def _agg_body(pk_hbm, xs_hbm, acc_hbm, pk_v, sidx, didx, bufs,
              gsems, g2sems, ssems, zsem, acc_sh):
    c = lax.axis_index("c")
    s = lax.axis_index("s")
    w = c * NSUB + s
    off = pl.multiple_of(s * RPT, RPT)
    zeros16 = jnp.zeros((16,), jnp.float32)

    def unpack(j, b):
        for g in range(K // 16):
            v = pk_v[j, pl.ds(g * 16, 16)]
            sidx[b, pl.ds(g * 16, 16)] = lax.shift_right_logical(v, 16)
            didx[b, pl.ds(g * 16, 16)] = lax.bitwise_and(v, 0xFFFF)

    def zbody(r, carry):
        for cc in range(NHID // 16):
            bufs[0, r, pl.ds(cc * 16, 16)] = zeros16
        return carry

    lax.fori_loop(0, K, zbody, 0)
    for t in range(RPT // K):
        pltpu.async_copy(bufs.at[0], acc_sh.at[pl.ds(off + t * K, K)], zsem)
    pltpu.sync_copy(pk_hbm.at[w], pk_v)
    for t in range(RPT // K):
        pltpu.make_async_copy(bufs.at[0],
                              acc_sh.at[pl.ds(off + t * K, K)], zsem).wait()

    H = K // 2

    def prime(b, carry):
        unpack(b, b)
        pltpu.async_copy(xs_hbm.at[sidx.at[b, pl.ds(0, H)]],
                         bufs.at[b, pl.ds(0, H)], gsems.at[b])
        pltpu.async_copy(xs_hbm.at[sidx.at[b, pl.ds(H, H)]],
                         bufs.at[b, pl.ds(H, H)], g2sems.at[b])
        return carry

    lax.fori_loop(0, NBUF, prime, 0)
    plsc.subcore_barrier()

    def body(j, carry):
        b = lax.rem(j, NBUF)
        bp = lax.rem(j + NBUF - 1, NBUF)
        pltpu.make_async_copy(xs_hbm.at[sidx.at[b, pl.ds(0, H)]],
                              bufs.at[b, pl.ds(0, H)], gsems.at[b]).wait()
        pltpu.make_async_copy(xs_hbm.at[sidx.at[b, pl.ds(H, H)]],
                              bufs.at[b, pl.ds(H, H)], g2sems.at[b]).wait()
        pltpu.async_copy(bufs.at[b], acc_sh.at[didx.at[b]], ssems.at[b],
                         add=True)

        @pl.when(j >= 1)
        def _():
            pltpu.make_async_copy(bufs.at[bp], acc_sh.at[didx.at[bp]],
                                  ssems.at[bp]).wait()

            @pl.when(j - 1 + NBUF < NCHL)
            def _():
                unpack(j - 1 + NBUF, bp)
                pltpu.async_copy(xs_hbm.at[sidx.at[bp, pl.ds(0, H)]],
                                 bufs.at[bp, pl.ds(0, H)], gsems.at[bp])
                pltpu.async_copy(xs_hbm.at[sidx.at[bp, pl.ds(H, H)]],
                                 bufs.at[bp, pl.ds(H, H)], g2sems.at[bp])

        return carry

    lax.fori_loop(0, NCHL, body, 0)
    bl = (NCHL - 1) % NBUF
    pltpu.make_async_copy(bufs.at[bl], acc_sh.at[didx.at[bl]],
                          ssems.at[bl]).wait()

    plsc.subcore_barrier()
    pltpu.sync_copy(acc_sh.at[pl.ds(off, RPT)],
                    acc_hbm.at[c, pl.ds(off, RPT)])


_agg_kernel = functools.partial(
    pl.kernel,
    out_type=jax.ShapeDtypeStruct((NCORES, NPAD, NHID), jnp.float32),
    mesh=_mesh,
    scratch_types=[
        pltpu.VMEM((NCH, K), jnp.int32),
        pltpu.VMEM((NBUF, K), jnp.int32),
        pltpu.VMEM((NBUF, K), jnp.int32),
        pltpu.VMEM((NBUF, K, NHID), jnp.float32),
        pltpu.SemaphoreType.DMA((NBUF,)),
        pltpu.SemaphoreType.DMA((NBUF,)),
        pltpu.SemaphoreType.DMA((NBUF,)),
        pltpu.SemaphoreType.DMA,
        pltpu.VMEM_SHARED((NPAD, NHID), jnp.float32),
    ],
)(_agg_body)


def _dinv_from_cnt(cnt_blk):
    deg = cnt_blk[:, 0:1] + cnt_blk[:, 1:2] + 1.0
    return lax.rsqrt(deg)


def _tcmm_body(x_ref, w1_ref, o_ref):
    xw = lax.dot_general(x_ref[...], w1_ref[...], (((1,), (0,)), ((), ())),
                         precision=lax.Precision.HIGHEST,
                         preferred_element_type=jnp.float32)
    o_ref[...] = xw


def _tcscale_body(xw_ref, cnt_ref, o_ref):
    dinv = _dinv_from_cnt(cnt_ref[...])
    o_ref[...] = xw_ref[...] * dinv


def _tc2_body(acc_ref, xs_ref, cnt_ref, b1_ref, o_ref):
    dinv = _dinv_from_cnt(cnt_ref[...])
    t = (acc_ref[0] + acc_ref[1] + xs_ref[...]) * dinv + b1_ref[...]
    h = jnp.maximum(t, 0.0)
    o_ref[...] = h * dinv


def _tc3_body(acc_ref, xs_ref, cnt_ref, w2_ref, b2_ref, o_ref):
    dinv = _dinv_from_cnt(cnt_ref[...])
    g = (acc_ref[0] + acc_ref[1] + xs_ref[...]) * dinv
    o = lax.dot_general(g, w2_ref[...], (((1,), (0,)), ((), ())),
                        precision=lax.Precision.HIGHEST,
                        preferred_element_type=jnp.float32) + b2_ref[...]
    m = jnp.max(o, axis=1, keepdims=True)
    ex = jnp.exp(o - m)
    lse = jnp.log(jnp.sum(ex, axis=1, keepdims=True))
    o_ref[...] = o - m - lse


_BLK = 1024
_GRID = NPAD // _BLK


def kernel(x, edge_index, W1, b1, W2, b2):
    e2 = edge_index.reshape(2, NW, EPW)
    pad = jnp.full((2, NW, EPW_PAD - EPW), N, dtype=jnp.int32)
    er = jnp.concatenate([e2, pad], axis=2).reshape(2, NW, NCH, K)
    dst_r = er[1].reshape(NW, DCH, DK)
    packed_r = jnp.left_shift(er[0], 16) | er[1]

    xw1 = pl.pallas_call(
        _tcmm_body,
        grid=(_GRID,),
        in_specs=[
            pl.BlockSpec((_BLK, NFEAT), lambda i: (i, 0)),
            pl.BlockSpec((NFEAT, NHID), lambda i: (0, 0)),
        ],
        out_specs=pl.BlockSpec((_BLK, NHID), lambda i: (i, 0)),
        out_shape=jax.ShapeDtypeStruct((NPAD, NHID), jnp.float32),
    )(x, W1)
    cnt = _deg_kernel(dst_r)
    cnt_t = jnp.stack([cnt[0], cnt[8]], axis=1)

    xs1 = pl.pallas_call(
        _tcscale_body,
        grid=(_GRID,),
        in_specs=[
            pl.BlockSpec((_BLK, NHID), lambda i: (i, 0)),
            pl.BlockSpec((_BLK, 2), lambda i: (i, 0)),
        ],
        out_specs=pl.BlockSpec((_BLK, NHID), lambda i: (i, 0)),
        out_shape=jax.ShapeDtypeStruct((NPAD, NHID), jnp.float32),
    )(xw1, cnt_t)

    acc1 = _agg_kernel(packed_r, xs1)

    b1r = b1.reshape(1, NHID)
    xs2 = pl.pallas_call(
        _tc2_body,
        grid=(_GRID,),
        in_specs=[
            pl.BlockSpec((NCORES, _BLK, NHID), lambda i: (0, i, 0)),
            pl.BlockSpec((_BLK, NHID), lambda i: (i, 0)),
            pl.BlockSpec((_BLK, 2), lambda i: (i, 0)),
            pl.BlockSpec((1, NHID), lambda i: (0, 0)),
        ],
        out_specs=pl.BlockSpec((_BLK, NHID), lambda i: (i, 0)),
        out_shape=jax.ShapeDtypeStruct((NPAD, NHID), jnp.float32),
    )(acc1, xs1, cnt_t, b1r)

    acc2 = _agg_kernel(packed_r, xs2)

    b2r = b2.reshape(1, NCLASS)
    out = pl.pallas_call(
        _tc3_body,
        grid=(_GRID,),
        in_specs=[
            pl.BlockSpec((NCORES, _BLK, NHID), lambda i: (0, i, 0)),
            pl.BlockSpec((_BLK, NHID), lambda i: (i, 0)),
            pl.BlockSpec((_BLK, 2), lambda i: (i, 0)),
            pl.BlockSpec((NHID, NCLASS), lambda i: (0, 0)),
            pl.BlockSpec((1, NCLASS), lambda i: (0, 0)),
        ],
        out_specs=pl.BlockSpec((_BLK, NCLASS), lambda i: (i, 0)),
        out_shape=jax.ShapeDtypeStruct((N, NCLASS), jnp.float32),
    )(acc2, xs2, cnt_t, W2, b2r)
    return out

# --- scband reference (transcript-rebuilt; emitter-appended) ---
"""Pipeline reference for scband-gcn-59622736003658 (READ-ONLY COPY).

The authoritative reference and input builder live on the scoring server;
editing this copy changes nothing except your own understanding.
"""

import jax, jax.numpy as jnp
import numpy as np

N = 10000
E = 320000
NFEAT = 128
NHID = 128
NCLASS = 40


def setup_inputs(seed: int = 0) -> dict:
    key = jax.random.key(seed)
    ks = jax.random.split(key, 6)
    x = jax.random.normal(ks[0], (N, NFEAT), dtype=jnp.float32)
    edge_index = jax.random.randint(ks[1], (2, E), 0, N, dtype=jnp.int32)
    W1 = jax.random.normal(ks[2], (NFEAT, NHID), dtype=jnp.float32) * 0.05
    b1 = jnp.zeros((NHID,), dtype=jnp.float32)
    W2 = jax.random.normal(ks[3], (NHID, NCLASS), dtype=jnp.float32) * 0.05
    b2 = jnp.zeros((NCLASS,), dtype=jnp.float32)
    return {"x": x, "edge_index": edge_index, "W1": W1, "b1": b1, "W2": W2, "b2": b2}


def gcn_conv(x, W, b, edge_index, num_nodes):
    # PyG-style GCNConv: add self-loops, symmetric normalization, linear + scatter-add
    src = edge_index[0]
    dst = edge_index[1]
    loop = jnp.arange(num_nodes, dtype=src.dtype)
    src = jnp.concatenate([src, loop], axis=0)
    dst = jnp.concatenate([dst, loop], axis=0)
    xw = x @ W
    ones = jnp.ones(dst.shape, dtype=xw.dtype)
    deg = jax.ops.segment_sum(ones, dst, num_segments=num_nodes)
    dinv = jnp.where(deg > 0, jax.lax.rsqrt(jnp.maximum(deg, 1e-12)), 0.0)
    norm = dinv[src] * dinv[dst]
    msgs = jnp.take(xw, src, axis=0) * norm[:, None]
    out = jax.ops.segment_sum(msgs, dst, num_segments=num_nodes)
    return out + b


def reference(x, edge_index, W1, b1, W2, b2):
    h = gcn_conv(x, W1, b1, edge_index, N)
    h = jax.nn.relu(h)
    # dropout is identity in eval mode
    h = gcn_conv(h, W2, b2, edge_index, N)
    return jax.nn.log_softmax(h, axis=1)

if __name__ == "__main__":
    import jax
    _d = setup_inputs()
    print(jax.jit(kernel)(*tuple(_d.values())))

</pallas_src>

<mosaic_0001>
#map = affine_map<(d0, d1) -> (0, 0, 0)>
#map1 = affine_map<(d0, d1) -> (0, 0)>
module attributes {stable_mosaic.version = 14 : i64} {
  func.func @_agg_body(%arg0: i32, %arg1: i32, %arg2: memref<32x160x64xi32, #tpu.memory_space<hbm>>, %arg3: memref<10240x128xf32, #tpu.memory_space<hbm>>, %arg4: memref<2x10240x128xf32, #tpu.memory_space<hbm>>, %arg5: memref<160x64xi32, #tpu.memory_space<vmem>>, %arg6: memref<3x64xi32, #tpu.memory_space<vmem>>, %arg7: memref<3x64xi32, #tpu.memory_space<vmem>>, %arg8: memref<3x64x128xf32, #tpu.memory_space<vmem>>, %arg9: memref<3x!tpu.dma_semaphore, #tpu.memory_space<semaphore_mem>>, %arg10: memref<3x!tpu.dma_semaphore, #tpu.memory_space<semaphore_mem>>, %arg11: memref<3x!tpu.dma_semaphore, #tpu.memory_space<semaphore_mem>>, %arg12: memref<!tpu.dma_semaphore, #tpu.memory_space<semaphore_mem>>, %arg13: memref<10240x128xf32, #tpu.memory_space<vmem_shared>>) attributes {dimension_semantics = [#tpu.dimension_semantics<core_parallel>, #tpu.dimension_semantics<subcore_parallel>], iteration_bounds = array<i64: 2, 16>, scalar_prefetch = 0 : i64, scratch_operands = 9 : i64, tpu.core_type = #tpu.core_type<sc_vector_subcore>, window_params = [{transform_indices = #map}, {transform_indices = #map1}, {transform_indices = #map}]} {
    %mul3A = arith.constant 16 : i32
    %mul3A_0 = arith.muli %arg0, %mul3A : i32
    %add3A = arith.addi %mul3A_0, %arg1 : i32
    %mul3A_1 = arith.constant 640 : i32
    %mul3A_2 = arith.muli %arg1, %mul3A_1 : i32
    %multiple_of3A = tpu.assume_multiple %mul3A_2, 640 : i32
    %broadcast_in_dim3A = arith.constant 0.000000e+00 : f32
    %broadcast_in_dim3A_3 = vector.broadcast %broadcast_in_dim3A : f32 to vector<16xf32>
    %scan3A = arith.constant 0 : i32
    %scan3A_4 = arith.constant 0 : i32
    %scan3A_5 = arith.constant 64 : i32
    %scan3A_6 = arith.addi %scan3A_4, %scan3A_5 : i32
    %scan3A_7 = arith.constant 1 : i32
    scf.for %scan3A_335 = %scan3A_4 to %scan3A_6 step %scan3A_7  : i32 {
      %swap3A = arith.constant 0 : i32
      %swap3A_336 = arith.index_cast %swap3A : i32 to index
      %swap3A_337 = arith.index_cast %scan3A_335 : i32 to index
      %swap3A_338 = arith.constant 0 : index
      %swap3A_339 = tpu.vector_load %arg8[%swap3A_336, %swap3A_337, %swap3A_338] {strides = array<i32>} : memref<3x64x128xf32, #tpu.memory_space<vmem>>, vector<1x1x16xf32>,
      %swap3A_340 = vector.shape_cast %swap3A_339 : vector<1x1x16xf32> to vector<16xf32>
      %swap3A_341 = vector.shape_cast %broadcast_in_dim3A_3 : vector<16xf32> to vector<1x1x16xf32>
      tpu.vector_store %arg8[%swap3A_336, %swap3A_337, %swap3A_338], %swap3A_341 {strides = array<i32>} : memref<3x64x128xf32, #tpu.memory_space<vmem>>, vector<1x1x16xf32>,
      %swap3A_342 = arith.constant 0 : i32
      %swap3A_343 = arith.index_cast %swap3A_342 : i32 to index
      %swap3A_344 = arith.index_cast %scan3A_335 : i32 to index
      %swap3A_345 = arith.constant 16 : index
      %swap3A_346 = tpu.vector_load %arg8[%swap3A_343, %swap3A_344, %swap3A_345] {strides = array<i32>} : memref<3x64x128xf32, #tpu.memory_space<vmem>>, vector<1x1x16xf32>,
      %swap3A_347 = vector.shape_cast %swap3A_346 : vector<1x1x16xf32> to vector<16xf32>
      %swap3A_348 = vector.shape_cast %broadcast_in_dim3A_3 : vector<16xf32> to vector<1x1x16xf32>
      tpu.vector_store %arg8[%swap3A_343, %swap3A_344, %swap3A_345], %swap3A_348 {strides = array<i32>} : memref<3x64x128xf32, #tpu.memory_space<vmem>>, vector<1x1x16xf32>,
      %swap3A_349 = arith.constant 0 : i32
      %swap3A_350 = arith.index_cast %swap3A_349 : i32 to index
      %swap3A_351 = arith.index_cast %scan3A_335 : i32 to index
      %swap3A_352 = arith.constant 32 : index
      %swap3A_353 = tpu.vector_load %arg8[%swap3A_350, %swap3A_351, %swap3A_352] {strides = array<i32>} : memref<3x64x128xf32, #tpu.memory_space<vmem>>, vector<1x1x16xf32>,
      %swap3A_354 = vector.shape_cast %swap3A_353 : vector<1x1x16xf32> to vector<16xf32>
      %swap3A_355 = vector.shape_cast %broadcast_in_dim3A_3 : vector<16xf32> to vector<1x1x16xf32>
      tpu.vector_store %arg8[%swap3A_350, %swap3A_351, %swap3A_352], %swap3A_355 {strides = array<i32>} : memref<3x64x128xf32, #tpu.memory_space<vmem>>, vector<1x1x16xf32>,
      %swap3A_356 = arith.constant 0 : i32
      %swap3A_357 = arith.index_cast %swap3A_356 : i32 to index
      %swap3A_358 = arith.index_cast %scan3A_335 : i32 to index
      %swap3A_359 = arith.constant 48 : index
      %swap3A_360 = tpu.vector_load %arg8[%swap3A_357, %swap3A_358, %swap3A_359] {strides = array<i32>} : memref<3x64x128xf32, #tpu.memory_space<vmem>>, vector<1x1x16xf32>,
      %swap3A_361 = vector.shape_cast %swap3A_360 : vector<1x1x16xf32> to vector<16xf32>
      %swap3A_362 = vector.shape_cast %broadcast_in_dim3A_3 : vector<16xf32> to vector<1x1x16xf32>
      tpu.vector_store %arg8[%swap3A_357, %swap3A_358, %swap3A_359], %swap3A_362 {strides = array<i32>} : memref<3x64x128xf32, #tpu.memory_space<vmem>>, vector<1x1x16xf32>,
      %swap3A_363 = arith.constant 0 : i32
      %swap3A_364 = arith.index_cast %swap3A_363 : i32 to index
      %swap3A_365 = arith.index_cast %scan3A_335 : i32 to index
      %swap3A_366 = arith.constant 64 : index
      %swap3A_367 = tpu.vector_load %arg8[%swap3A_364, %swap3A_365, %swap3A_366] {strides = array<i32>} : memref<3x64x128xf32, #tpu.memory_space<vmem>>, vector<1x1x16xf32>,
      %swap3A_368 = vector.shape_cast %swap3A_367 : vector<1x1x16xf32> to vector<16xf32>
      %swap3A_369 = vector.shape_cast %broadcast_in_dim3A_3 : vector<16xf32> to vector<1x1x16xf32>
      tpu.vector_store %arg8[%swap3A_364, %swap3A_365, %swap3A_366], %swap3A_369 {strides = array<i32>} : memref<3x64x128xf32, #tpu.memory_space<vmem>>, vector<1x1x16xf32>,
      %swap3A_370 = arith.constant 0 : i32
      %swap3A_371 = arith.index_cast %swap3A_370 : i32 to index
      %swap3A_372 = arith.index_cast %scan3A_335 : i32 to index
      %swap3A_373 = arith.constant 80 : index
      %swap3A_374 = tpu.vector_load %arg8[%swap3A_371, %swap3A_372, %swap3A_373] {strides = array<i32>} : memref<3x64x128xf32, #tpu.memory_space<vmem>>, vector<1x1x16xf32>,
      %swap3A_375 = vector.shape_cast %swap3A_374 : vector<1x1x16xf32> to vector<16xf32>
      %swap3A_376 = vector.shape_cast %broadcast_in_dim3A_3 : vector<16xf32> to vector<1x1x16xf32>
      tpu.vector_store %arg8[%swap3A_371, %swap3A_372, %swap3A_373], %swap3A_376 {strides = array<i32>} : memref<3x64x128xf32, #tpu.memory_space<vmem>>, vector<1x1x16xf32>,
      %swap3A_377 = arith.constant 0 : i32
      %swap3A_378 = arith.index_cast %swap3A_377 : i32 to index
      %swap3A_379 = arith.index_cast %scan3A_335 : i32 to index
      %swap3A_380 = arith.constant 96 : index
      %swap3A_381 = tpu.vector_load %arg8[%swap3A_378, %swap3A_379, %swap3A_380] {strides = array<i32>} : memref<3x64x128xf32, #tpu.memory_space<vmem>>, vector<1x1x16xf32>,
      %swap3A_382 = vector.shape_cast %swap3A_381 : vector<1x1x16xf32> to vector<16xf32>
      %swap3A_383 = vector.shape_cast %broadcast_in_dim3A_3 : vector<16xf32> to vector<1x1x16xf32>
      tpu.vector_store %arg8[%swap3A_378, %swap3A_379, %swap3A_380], %swap3A_383 {strides = array<i32>} : memref<3x64x128xf32, #tpu.memory_space<vmem>>, vector<1x1x16xf32>,
      %swap3A_384 = arith.constant 0 : i32
      %swap3A_385 = arith.index_cast %swap3A_384 : i32 to index
      %swap3A_386 = arith.index_cast %scan3A_335 : i32 to index
      %swap3A_387 = arith.constant 112 : index
      %swap3A_388 = tpu.vector_load %arg8[%swap3A_385, %swap3A_386, %swap3A_387] {strides = array<i32>} : memref<3x64x128xf32, #tpu.memory_space<vmem>>, vector<1x1x16xf32>,
      %swap3A_389 = vector.shape_cast %swap3A_388 : vector<1x1x16xf32> to vector<16xf32>
      %swap3A_390 = vector.shape_cast %broadcast_in_dim3A_3 : vector<16xf32> to vector<1x1x16xf32>
      tpu.vector_store %arg8[%swap3A_385, %swap3A_386, %swap3A_387], %swap3A_390 {strides = array<i32>} : memref<3x64x128xf32, #tpu.memory_space<vmem>>, vector<1x1x16xf32>,
    }
    %scan3A_8 = arith.constant 64 : i32
    %add3A_9 = arith.constant 0 : i32
    %add3A_10 = arith.addi %multiple_of3A, %add3A_9 : i32
    %dma_start3A = arith.constant 0 : i32
    %dma_start3A_11 = arith.constant 0 : i32
    %dma_start3A_12 = arith.constant 0 : i32
    %dma_start3A_13 = tpu.memref_slice %arg8[%dma_start3A, %dma_start3A_11, %dma_start3A_12] : memref<3x64x128xf32, #tpu.memory_space<vmem>> -> memref<1x64x128xf32, #tpu.memory_space<vmem>>
    %dma_start3A_14 = tpu.memref_squeeze %dma_start3A_13 : memref<1x64x128xf32, #tpu.memory_space<vmem>> -> memref<64x128xf32, #tpu.memory_space<vmem>>
    %dma_start3A_15 = arith.constant 0 : i32
    %dma_start3A_16 = tpu.memref_slice %arg13[%add3A_10, %dma_start3A_15] : memref<10240x128xf32, #tpu.memory_space<vmem_shared>> -> memref<64x128xf32, #tpu.memory_space<vmem_shared>>
    %dma_start3A_17 = arith.constant 0 : i32
    %dma_start3A_18 = tpu.memref_slice %arg13[%add3A_10, %dma_start3A_17] : memref<10240x128xf32, #tpu.memory_space<vmem_shared>> -> memref<64x128xf32, #tpu.memory_space<vmem_shared>>
    %dma_start3A_19 = arith.constant 0 : i32
    %dma_start3A_20 = arith.constant 0 : i32
    %dma_start3A_21 = tpu.memref_slice %arg8[%dma_start3A, %dma_start3A_19, %dma_start3A_20] : memref<3x64x128xf32, #tpu.memory_space<vmem>> -> memref<1x64x128xf32, #tpu.memory_space<vmem>>
    %dma_start3A_22 = tpu.memref_squeeze %dma_start3A_21 : memref<1x64x128xf32, #tpu.memory_space<vmem>> -> memref<64x128xf32, #tpu.memory_space<vmem>>
    tpu.enqueue_dma source(%dma_start3A_22 : memref<64x128xf32, #tpu.memory_space<vmem>>) target(%dma_start3A_18 : memref<64x128xf32, #tpu.memory_space<vmem_shared>>) target_semaphore(%arg12 : memref<!tpu.dma_semaphore, #tpu.memory_space<semaphore_mem>>)
    %add3A_23 = arith.constant 64 : i32
    %add3A_24 = arith.addi %multiple_of3A, %add3A_23 : i32
    %dma_start3A_25 = arith.constant 0 : i32
    %dma_start3A_26 = arith.constant 0 : i32
    %dma_start3A_27 = arith.constant 0 : i32
    %dma_start3A_28 = tpu.memref_slice %arg8[%dma_start3A_25, %dma_start3A_26, %dma_start3A_27] : memref<3x64x128xf32, #tpu.memory_space<vmem>> -> memref<1x64x128xf32, #tpu.memory_space<vmem>>
    %dma_start3A_29 = tpu.memref_squeeze %dma_start3A_28 : memref<1x64x128xf32, #tpu.memory_space<vmem>> -> memref<64x128xf32, #tpu.memory_space<vmem>>
    %dma_start3A_30 = arith.constant 0 : i32
    %dma_start3A_31 = tpu.memref_slice %arg13[%add3A_24, %dma_start3A_30] : memref<10240x128xf32, #tpu.memory_space<vmem_shared>> -> memref<64x128xf32, #tpu.memory_space<vmem_shared>>
    %dma_start3A_32 = arith.constant 0 : i32
    %dma_start3A_33 = tpu.memref_slice %arg13[%add3A_24, %dma_start3A_32] : memref<10240x128xf32, #tpu.memory_space<vmem_shared>> -> memref<64x128xf32, #tpu.memory_space<vmem_shared>>
    %dma_start3A_34 = arith.constant 0 : i32
    %dma_start3A_35 = arith.constant 0 : i32
    %dma_start3A_36 = tpu.memref_slice %arg8[%dma_start3A_25, %dma_start3A_34, %dma_start3A_35] : memref<3x64x128xf32, #tpu.memory_space<vmem>> -> memref<1x64x128xf32, #tpu.memory_space<vmem>>
    %dma_start3A_37 = tpu.memref_squeeze %dma_start3A_36 : memref<1x64x128xf32, #tpu.memory_space<vmem>> -> memref<64x128xf32, #tpu.memory_space<vmem>>
    tpu.enqueue_dma source(%dma_start3A_37 : memref<64x128xf32, #tpu.memory_space<vmem>>) target(%dma_start3A_33 : memref<64x128xf32, #tpu.memory_space<vmem_shared>>) target_semaphore(%arg12 : memref<!tpu.dma_semaphore, #tpu.memory_space<semaphore_mem>>)
    %add3A_38 = arith.constant 128 : i32
    %add3A_39 = arith.addi %multiple_of3A, %add3A_38 : i32
    %dma_start3A_40 = arith.constant 0 : i32
    %dma_start3A_41 = arith.constant 0 : i32
    %dma_start3A_42 = arith.constant 0 : i32
    %dma_start3A_43 = tpu.memref_slice %arg8[%dma_start3A_40, %dma_start3A_41, %dma_start3A_42] : memref<3x64x128xf32, #tpu.memory_space<vmem>> -> memref<1x64x128xf32, #tpu.memory_space<vmem>>
    %dma_start3A_44 = tpu.memref_squeeze %dma_start3A_43 : memref<1x64x128xf32, #tpu.memory_space<vmem>> -> memref<64x128xf32, #tpu.memory_space<vmem>>
    %dma_start3A_45 = arith.constant 0 : i32
    %dma_start3A_46 = tpu.memref_slice %arg13[%add3A_39, %dma_start3A_45] : memref<10240x128xf32, #tpu.memory_space<vmem_shared>> -> memref<64x128xf32, #tpu.memory_space<vmem_shared>>
    %dma_start3A_47 = arith.constant 0 : i32
    %dma_start3A_48 = tpu.memref_slice %arg13[%add3A_39, %dma_start3A_47] : memref<10240x128xf32, #tpu.memory_space<vmem_shared>> -> memref<64x128xf32, #tpu.memory_space<vmem_shared>>
    %dma_start3A_49 = arith.constant 0 : i32
    %dma_start3A_50 = arith.constant 0 : i32
    %dma_start3A_51 = tpu.memref_slice %arg8[%dma_start3A_40, %dma_start3A_49, %dma_start3A_50] : memref<3x64x128xf32, #tpu.memory_space<vmem>> -> memref<1x64x128xf32, #tpu.memory_space<vmem>>
    %dma_start3A_52 = tpu.memref_squeeze %dma_start3A_51 : memref<1x64x128xf32, #tpu.memory_space<vmem>> -> memref<64x128xf32, #tpu.memory_space<vmem>>
    tpu.enqueue_dma source(%dma_start3A_52 : memref<64x128xf32, #tpu.memory_space<vmem>>) target(%dma_start3A_48 : memref<64x128xf32, #tpu.memory_space<vmem_shared>>) target_semaphore(%arg12 : memref<!tpu.dma_semaphore, #tpu.memory_space<semaphore_mem>>)
    %add3A_53 = arith.constant 192 : i32
    %add3A_54 = arith.addi %multiple_of3A, %add3A_53 : i32
    %dma_start3A_55 = arith.constant 0 : i32
    %dma_start3A_56 = arith.constant 0 : i32
    %dma_start3A_57 = arith.constant 0 : i32
    %dma_start3A_58 = tpu.memref_slice %arg8[%dma_start3A_55, %dma_start3A_56, %dma_start3A_57] : memref<3x64x128xf32, #tpu.memory_space<vmem>> -> memref<1x64x128xf32, #tpu.memory_space<vmem>>
    %dma_start3A_59 = tpu.memref_squeeze %dma_start3A_58 : memref<1x64x128xf32, #tpu.memory_space<vmem>> -> memref<64x128xf32, #tpu.memory_space<vmem>>
    %dma_start3A_60 = arith.constant 0 : i32
    %dma_start3A_61 = tpu.memref_slice %arg13[%add3A_54, %dma_start3A_60] : memref<10240x128xf32, #tpu.memory_space<vmem_shared>> -> memref<64x128xf32, #tpu.memory_space<vmem_shared>>
    %dma_start3A_62 = arith.constant 0 : i32
    %dma_start3A_63 = tpu.memref_slice %arg13[%add3A_54, %dma_start3A_62] : memref<10240x128xf32, #tpu.memory_space<vmem_shared>> -> memref<64x128xf32, #tpu.memory_space<vmem_shared>>
    %dma_start3A_64 = arith.constant 0 : i32
    %dma_start3A_65 = arith.constant 0 : i32
    %dma_start3A_66 = tpu.memref_slice %arg8[%dma_start3A_55, %dma_start3A_64, %dma_start3A_65] : memref<3x64x128xf32, #tpu.memory_space<vmem>> -> memref<1x64x128xf32, #tpu.memory_space<vmem>>
    %dma_start3A_67 = tpu.memref_squeeze %dma_start3A_66 : memref<1x64x128xf32, #tpu.memory_space<vmem>> -> memref<64x128xf32, #tpu.memory_space<vmem>>
    tpu.enqueue_dma source(%dma_start3A_67 : memref<64x128xf32, #tpu.memory_space<vmem>>) target(%dma_start3A_63 : memref<64x128xf32, #tpu.memory_space<vmem_shared>>) target_semaphore(%arg12 : memref<!tpu.dma_semaphore, #tpu.memory_space<semaphore_mem>>)
    %add3A_68 = arith.constant 256 : i32
    %add3A_69 = arith.addi %multiple_of3A, %add3A_68 : i32
    %dma_start3A_70 = arith.constant 0 : i32
    %dma_start3A_71 = arith.constant 0 : i32
    %dma_start3A_72 = arith.constant 0 : i32
    %dma_start3A_73 = tpu.memref_slice %arg8[%dma_start3A_70, %dma_start3A_71, %dma_start3A_72] : memref<3x64x128xf32, #tpu.memory_space<vmem>> -> memref<1x64x128xf32, #tpu.memory_space<vmem>>
    %dma_start3A_74 = tpu.memref_squeeze %dma_start3A_73 : memref<1x64x128xf32, #tpu.memory_space<vmem>> -> memref<64x128xf32, #tpu.memory_space<vmem>>
    %dma_start3A_75 = arith.constant 0 : i32
    %dma_start3A_76 = tpu.memref_slice %arg13[%add3A_69, %dma_start3A_75] : memref<10240x128xf32, #tpu.memory_space<vmem_shared>> -> memref<64x128xf32, #tpu.memory_space<vmem_shared>>
    %dma_start3A_77 = arith.constant 0 : i32
    %dma_start3A_78 = tpu.memref_slice %arg13[%add3A_69, %dma_start3A_77] : memref<10240x128xf32, #tpu.memory_space<vmem_shared>> -> memref<64x128xf32, #tpu.memory_space<vmem_shared>>
    %dma_start3A_79 = arith.constant 0 : i32
    %dma_start3A_80 = arith.constant 0 : i32
    %dma_start3A_81 = tpu.memref_slice %arg8[%dma_start3A_70, %dma_start3A_79, %dma_start3A_80] : memref<3x64x128xf32, #tpu.memory_space<vmem>> -> memref<1x64x128xf32, #tpu.memory_space<vmem>>
    %dma_start3A_82 = tpu.memref_squeeze %dma_start3A_81 : memref<1x64x128xf32, #tpu.memory_space<vmem>> -> memref<64x128xf32, #tpu.memory_space<vmem>>
    tpu.enqueue_dma source(%dma_start3A_82 : memref<64x128xf32, #tpu.memory_space<vmem>>) target(%dma_start3A_78 : memref<64x128xf32, #tpu.memory_space<vmem_shared>>) target_semaphore(%arg12 : memref<!tpu.dma_semaphore, #tpu.memory_space<semaphore_mem>>)
    %add3A_83 = arith.constant 320 : i32
    %add3A_84 = arith.addi %multiple_of3A, %add3A_83 : i32
    %dma_start3A_85 = arith.constant 0 : i32
    %dma_start3A_86 = arith.constant 0 : i32
    %dma_start3A_87 = arith.constant 0 : i32
    %dma_start3A_88 = tpu.memref_slice %arg8[%dma_start3A_85, %dma_start3A_86, %dma_start3A_87] : memref<3x64x128xf32, #tpu.memory_space<vmem>> -> memref<1x64x128xf32, #tpu.memory_space<vmem>>
    %dma_start3A_89 = tpu.memref_squeeze %dma_start3A_88 : memref<1x64x128xf32, #tpu.memory_space<vmem>> -> memref<64x128xf32, #tpu.memory_space<vmem>>
    %dma_start3A_90 = arith.constant 0 : i32
    %dma_start3A_91 = tpu.memref_slice %arg13[%add3A_84, %dma_start3A_90] : memref<10240x128xf32, #tpu.memory_space<vmem_shared>> -> memref<64x128xf32, #tpu.memory_space<vmem_shared>>
    %dma_start3A_92 = arith.constant 0 : i32
    %dma_start3A_93 = tpu.memref_slice %arg13[%add3A_84, %dma_start3A_92] : memref<10240x128xf32, #tpu.memory_space<vmem_shared>> -> memref<64x128xf32, #tpu.memory_space<vmem_shared>>
    %dma_start3A_94 = arith.constant 0 : i32
    %dma_start3A_95 = arith.constant 0 : i32
    %dma_start3A_96 = tpu.memref_slice %arg8[%dma_start3A_85, %dma_start3A_94, %dma_start3A_95] : memref<3x64x128xf32, #tpu.memory_space<vmem>> -> memref<1x64x128xf32, #tpu.memory_space<vmem>>
    %dma_start3A_97 = tpu.memref_squeeze %dma_start3A_96 : memref<1x64x128xf32, #tpu.memory_space<vmem>> -> memref<64x128xf32, #tpu.memory_space<vmem>>
    tpu.enqueue_dma source(%dma_start3A_97 : memref<64x128xf32, #tpu.memory_space<vmem>>) target(%dma_start3A_93 : memref<64x128xf32, #tpu.memory_space<vmem_shared>>) target_semaphore(%arg12 : memref<!tpu.dma_semaphore, #tpu.memory_space<semaphore_mem>>)
    %add3A_98 = arith.constant 384 : i32
    %add3A_99 = arith.addi %multiple_of3A, %add3A_98 : i32
    %dma_start3A_100 = arith.constant 0 : i32
    %dma_start3A_101 = arith.constant 0 : i32
    %dma_start3A_102 = arith.constant 0 : i32
    %dma_start3A_103 = tpu.memref_slice %arg8[%dma_start3A_100, %dma_start3A_101, %dma_start3A_102] : memref<3x64x128xf32, #tpu.memory_space<vmem>> -> memref<1x64x128xf32, #tpu.memory_space<vmem>>
    %dma_start3A_104 = tpu.memref_squeeze %dma_start3A_103 : memref<1x64x128xf32, #tpu.memory_space<vmem>> -> memref<64x128xf32, #tpu.memory_space<vmem>>
    %dma_start3A_105 = arith.constant 0 : i32
    %dma_start3A_106 = tpu.memref_slice %arg13[%add3A_99, %dma_start3A_105] : memref<10240x128xf32, #tpu.memory_space<vmem_shared>> -> memref<64x128xf32, #tpu.memory_space<vmem_shared>>
    %dma_start3A_107 = arith.constant 0 : i32
    %dma_start3A_108 = tpu.memref_slice %arg13[%add3A_99, %dma_start3A_107] : memref<10240x128xf32, #tpu.memory_space<vmem_shared>> -> memref<64x128xf32, #tpu.memory_space<vmem_shared>>
    %dma_start3A_109 = arith.constant 0 : i32
    %dma_start3A_110 = arith.constant 0 : i32
    %dma_start3A_111 = tpu.memref_slice %arg8[%dma_start3A_100, %dma_start3A_109, %dma_start3A_110] : memref<3x64x128xf32, #tpu.memory_space<vmem>> -> memref<1x64x128xf32, #tpu.memory_space<vmem>>
    %dma_start3A_112 = tpu.memref_squeeze %dma_start3A_111 : memref<1x64x128xf32, #tpu.memory_space<vmem>> -> memref<64x128xf32, #tpu.memory_space<vmem>>
    tpu.enqueue_dma source(%dma_start3A_112 : memref<64x128xf32, #tpu.memory_space<vmem>>) target(%dma_start3A_108 : memref<64x128xf32, #tpu.memory_space<vmem_shared>>) target_semaphore(%arg12 : memref<!tpu.dma_semaphore, #tpu.memory_space<semaphore_mem>>)
    %add3A_113 = arith.constant 448 : i32
    %add3A_114 = arith.addi %multiple_of3A, %add3A_113 : i32
    %dma_start3A_115 = arith.constant 0 : i32
    %dma_start3A_116 = arith.constant 0 : i32
    %dma_start3A_117 = arith.constant 0 : i32
    %dma_start3A_118 = tpu.memref_slice %arg8[%dma_start3A_115, %dma_start3A_116, %dma_start3A_117] : memref<3x64x128xf32, #tpu.memory_space<vmem>> -> memref<1x64x128xf32, #tpu.memory_space<vmem>>
    %dma_start3A_119 = tpu.memref_squeeze %dma_start3A_118 : memref<1x64x128xf32, #tpu.memory_space<vmem>> -> memref<64x128xf32, #tpu.memory_space<vmem>>
    %dma_start3A_120 = arith.constant 0 : i32
    %dma_start3A_121 = tpu.memref_slice %arg13[%add3A_114, %dma_start3A_120] : memref<10240x128xf32, #tpu.memory_space<vmem_shared>> -> memref<64x128xf32, #tpu.memory_space<vmem_shared>>
    %dma_start3A_122 = arith.constant 0 : i32
    %dma_start3A_123 = tpu.memref_slice %arg13[%add3A_114, %dma_start3A_122] : memref<10240x128xf32, #tpu.memory_space<vmem_shared>> -> memref<64x128xf32, #tpu.memory_space<vmem_shared>>
    %dma_start3A_124 = arith.constant 0 : i32
    %dma_start3A_125 = arith.constant 0 : i32
    %dma_start3A_126 = tpu.memref_slice %arg8[%dma_start3A_115, %dma_start3A_124, %dma_start3A_125] : memref<3x64x128xf32, #tpu.memory_space<vmem>> -> memref<1x64x128xf32, #tpu.memory_space<vmem>>
    %dma_start3A_127 = tpu.memref_squeeze %dma_start3A_126 : memref<1x64x128xf32, #tpu.memory_space<vmem>> -> memref<64x128xf32, #tpu.memory_space<vmem>>
    tpu.enqueue_dma source(%dma_start3A_127 : memref<64x128xf32, #tpu.memory_space<vmem>>) target(%dma_start3A_123 : memref<64x128xf32, #tpu.memory_space<vmem_shared>>) target_semaphore(%arg12 : memref<!tpu.dma_semaphore, #tpu.memory_space<semaphore_mem>>)
    %add3A_128 = arith.constant 512 : i32
    %add3A_129 = arith.addi %multiple_of3A, %add3A_128 : i32
    %dma_start3A_130 = arith.constant 0 : i32
    %dma_start3A_131 = arith.constant 0 : i32
    %dma_start3A_132 = arith.constant 0 : i32
    %dma_start3A_133 = tpu.memref_slice %arg8[%dma_start3A_130, %dma_start3A_131, %dma_start3A_132] : memref<3x64x128xf32, #tpu.memory_space<vmem>> -> memref<1x64x128xf32, #tpu.memory_space<vmem>>
    %dma_start3A_134 = tpu.memref_squeeze %dma_start3A_133 : memref<1x64x128xf32, #tpu.memory_space<vmem>> -> memref<64x128xf32, #tpu.memory_space<vmem>>
    %dma_start3A_135 = arith.constant 0 : i32
    %dma_start3A_136 = tpu.memref_slice %arg13[%add3A_129, %dma_start3A_135] : memref<10240x128xf32, #tpu.memory_space<vmem_shared>> -> memref<64x128xf32, #tpu.memory_space<vmem_shared>>
    %dma_start3A_137 = arith.constant 0 : i32
    %dma_start3A_138 = tpu.memref_slice %arg13[%add3A_129, %dma_start3A_137] : memref<10240x128xf32, #tpu.memory_space<vmem_shared>> -> memref<64x128xf32, #tpu.memory_space<vmem_shared>>
    %dma_start3A_139 = arith.constant 0 : i32
    %dma_start3A_140 = arith.constant 0 : i32
    %dma_start3A_141 = tpu.memref_slice %arg8[%dma_start3A_130, %dma_start3A_139, %dma_start3A_140] : memref<3x64x128xf32, #tpu.memory_space<vmem>> -> memref<1x64x128xf32, #tpu.memory_space<vmem>>
    %dma_start3A_142 = tpu.memref_squeeze %dma_start3A_141 : memref<1x64x128xf32, #tpu.memory_space<vmem>> -> memref<64x128xf32, #tpu.memory_space<vmem>>
    tpu.enqueue_dma source(%dma_start3A_142 : memref<64x128xf32, #tpu.memory_space<vmem>>) target(%dma_start3A_138 : memref<64x128xf32, #tpu.memory_space<vmem_shared>>) target_semaphore(%arg12 : memref<!tpu.dma_semaphore, #tpu.memory_space<semaphore_mem>>)
    %add3A_143 = arith.constant 576 : i32
    %add3A_144 = arith.addi %multiple_of3A, %add3A_143 : i32
    %dma_start3A_145 = arith.constant 0 : i32
    %dma_start3A_146 = arith.constant 0 : i32
    %dma_start3A_147 = arith.constant 0 : i32
    %dma_start3A_148 = tpu.memref_slice %arg8[%dma_start3A_145, %dma_start3A_146, %dma_start3A_147] : memref<3x64x128xf32, #tpu.memory_space<vmem>> -> memref<1x64x128xf32, #tpu.memory_space<vmem>>
    %dma_start3A_149 = tpu.memref_squeeze %dma_start3A_148 : memref<1x64x128xf32, #tpu.memory_space<vmem>> -> memref<64x128xf32, #tpu.memory_space<vmem>>
    %dma_start3A_150 = arith.constant 0 : i32
    %dma_start3A_151 = tpu.memref_slice %arg13[%add3A_144, %dma_start3A_150] : memref<10240x128xf32, #tpu.memory_space<vmem_shared>> -> memref<64x128xf32, #tpu.memory_space<vmem_shared>>
    %dma_start3A_152 = arith.constant 0 : i32
    %dma_start3A_153 = tpu.memref_slice %arg13[%add3A_144, %dma_start3A_152] : memref<10240x128xf32, #tpu.memory_space<vmem_shared>> -> memref<64x128xf32, #tpu.memory_space<vmem_shared>>
    %dma_start3A_154 = arith.constant 0 : i32
    %dma_start3A_155 = arith.constant 0 : i32
    %dma_start3A_156 = tpu.memref_slice %arg8[%dma_start3A_145, %dma_start3A_154, %dma_start3A_155] : memref<3x64x128xf32, #tpu.memory_space<vmem>> -> memref<1x64x128xf32, #tpu.memory_space<vmem>>
    %dma_start3A_157 = tpu.memref_squeeze %dma_start3A_156 : memref<1x64x128xf32, #tpu.memory_space<vmem>> -> memref<64x128xf32, #tpu.memory_space<vmem>>
    tpu.enqueue_dma source(%dma_start3A_157 : memref<64x128xf32, #tpu.memory_space<vmem>>) target(%dma_start3A_153 : memref<64x128xf32, #tpu.memory_space<vmem_shared>>) target_semaphore(%arg12 : memref<!tpu.dma_semaphore, #tpu.memory_space<semaphore_mem>>)
    "tpu.region"() ({
      %run_scoped3A = tpu.sem_alloc : memref<!tpu.dma_semaphore, #tpu.memory_space<semaphore_mem>>
      %dma_start3A_335 = arith.constant 0 : i32
      %dma_start3A_336 = arith.constant 0 : i32
      %dma_start3A_337 = tpu.memref_slice %arg2[%add3A, %dma_start3A_335, %dma_start3A_336] : memref<32x160x64xi32, #tpu.memory_space<hbm>> -> memref<1x160x64xi32, #tpu.memory_space<hbm>>
      %dma_start3A_338 = tpu.memref_squeeze %dma_start3A_337 : memref<1x160x64xi32, #tpu.memory_space<hbm>> -> memref<160x64xi32, #tpu.memory_space<hbm>>
      %dma_start3A_339 = arith.constant 0 : i32
      %dma_start3A_340 = arith.constant 0 : i32
      %dma_start3A_341 = tpu.memref_slice %arg2[%add3A, %dma_start3A_339, %dma_start3A_340] : memref<32x160x64xi32, #tpu.memory_space<hbm>> -> memref<1x160x64xi32, #tpu.memory_space<hbm>>
      %dma_start3A_342 = tpu.memref_squeeze %dma_start3A_341 : memref<1x160x64xi32, #tpu.memory_space<hbm>> -> memref<160x64xi32, #tpu.memory_space<hbm>>
      tpu.enqueue_dma source(%dma_start3A_342 : memref<160x64xi32, #tpu.memory_space<hbm>>) target(%arg5 : memref<160x64xi32, #tpu.memory_space<vmem>>) target_semaphore(%run_scoped3A : memref<!tpu.dma_semaphore, #tpu.memory_space<semaphore_mem>>)
      %dma_wait3A_343 = arith.constant 0 : i32
      %dma_wait3A_344 = arith.constant 0 : i32
      %dma_wait3A_345 = tpu.memref_slice %arg2[%add3A, %dma_wait3A_343, %dma_wait3A_344] : memref<32x160x64xi32, #tpu.memory_space<hbm>> -> memref<1x160x64xi32, #tpu.memory_space<hbm>>
      %dma_wait3A_346 = tpu.memref_squeeze %dma_wait3A_345 : memref<1x160x64xi32, #tpu.memory_space<hbm>> -> memref<160x64xi32, #tpu.memory_space<hbm>>
      %dma_wait3A_347 = arith.constant 0 : i32
      %dma_wait3A_348 = arith.constant 0 : i32
      %dma_wait3A_349 = tpu.memref_slice %arg2[%add3A, %dma_wait3A_347, %dma_wait3A_348] : memref<32x160x64xi32, #tpu.memory_space<hbm>> -> memref<1x160x64xi32, #tpu.memory_space<hbm>>
      %dma_wait3A_350 = tpu.memref_squeeze %dma_wait3A_349 : memref<1x160x64xi32, #tpu.memory_space<hbm>> -> memref<160x64xi32, #tpu.memory_space<hbm>>
      tpu.wait_dma2 semaphore(%run_scoped3A : memref<!tpu.dma_semaphore, #tpu.memory_space<semaphore_mem>>) src(%dma_wait3A_350 : memref<160x64xi32, #tpu.memory_space<hbm>>) dst(%arg5 : memref<160x64xi32, #tpu.memory_space<vmem>>)
      tpu.yield
    }) : () -> ()
    %add3A_158 = arith.constant 0 : i32
    %add3A_159 = arith.addi %multiple_of3A, %add3A_158 : i32
    %dma_wait3A = arith.constant 0 : i32
    %dma_wait3A_160 = arith.constant 0 : i32
    %dma_wait3A_161 = arith.constant 0 : i32
    %dma_wait3A_162 = tpu.memref_slice %arg8[%dma_wait3A, %dma_wait3A_160, %dma_wait3A_161] : memref<3x64x128xf32, #tpu.memory_space<vmem>> -> memref<1x64x128xf32, #tpu.memory_space<vmem>>
    %dma_wait3A_163 = tpu.memref_squeeze %dma_wait3A_162 : memref<1x64x128xf32, #tpu.memory_space<vmem>> -> memref<64x128xf32, #tpu.memory_space<vmem>>
    %dma_wait3A_164 = arith.constant 0 : i32
    %dma_wait3A_165 = tpu.memref_slice %arg13[%add3A_159, %dma_wait3A_164] : memref<10240x128xf32, #tpu.memory_space<vmem_shared>> -> memref<64x128xf32, #tpu.memory_space<vmem_shared>>
    %dma_wait3A_166 = arith.constant 0 : i32
    %dma_wait3A_167 = tpu.memref_slice %arg13[%add3A_159, %dma_wait3A_166] : memref<10240x128xf32, #tpu.memory_space<vmem_shared>> -> memref<64x128xf32, #tpu.memory_space<vmem_shared>>
    %dma_wait3A_168 = arith.constant 0 : i32
    %dma_wait3A_169 = arith.constant 0 : i32
    %dma_wait3A_170 = tpu.memref_slice %arg8[%dma_wait3A, %dma_wait3A_168, %dma_wait3A_169] : memref<3x64x128xf32, #tpu.memory_space<vmem>> -> memref<1x64x128xf32, #tpu.memory_space<vmem>>
    %dma_wait3A_171 = tpu.memref_squeeze %dma_wait3A_170 : memref<1x64x128xf32, #tpu.memory_space<vmem>> -> memref<64x128xf32, #tpu.memory_space<vmem>>
    tpu.wait_dma2 semaphore(%arg12 : memref<!tpu.dma_semaphore, #tpu.memory_space<semaphore_mem>>) src(%dma_wait3A_171 : memref<64x128xf32, #tpu.memory_space<vmem>>) dst(%dma_wait3A_167 : memref<64x128xf32, #tpu.memory_space<vmem_shared>>)
    %add3A_172 = arith.constant 64 : i32
    %add3A_173 = arith.addi %multiple_of3A, %add3A_172 : i32
    %dma_wait3A_174 = arith.constant 0 : i32
    %dma_wait3A_175 = arith.constant 0 : i32
    %dma_wait3A_176 = arith.constant 0 : i32
    %dma_wait3A_177 = tpu.memref_slice %arg8[%dma_wait3A_174, %dma_wait3A_175, %dma_wait3A_176] : memref<3x64x128xf32, #tpu.memory_space<vmem>> -> memref<1x64x128xf32, #tpu.memory_space<vmem>>
    %dma_wait3A_178 = tpu.memref_squeeze %dma_wait3A_177 : memref<1x64x128xf32, #tpu.memory_space<vmem>> -> memref<64x128xf32, #tpu.memory_space<vmem>>
    %dma_wait3A_179 = arith.constant 0 : i32
    %dma_wait3A_180 = tpu.memref_slice %arg13[%add3A_173, %dma_wait3A_179] : memref<10240x128xf32, #tpu.memory_space<vmem_shared>> -> memref<64x128xf32, #tpu.memory_space<vmem_shared>>
    %dma_wait3A_181 = arith.constant 0 : i32
    %dma_wait3A_182 = tpu.memref_slice %arg13[%add3A_173, %dma_wait3A_181] : memref<10240x128xf32, #tpu.memory_space<vmem_shared>> -> memref<64x128xf32, #tpu.memory_space<vmem_shared>>
    %dma_wait3A_183 = arith.constant 0 : i32
    %dma_wait3A_184 = arith.constant 0 : i32
    %dma_wait3A_185 = tpu.memref_slice %arg8[%dma_wait3A_174, %dma_wait3A_183, %dma_wait3A_184] : memref<3x64x128xf32, #tpu.memory_space<vmem>> -> memref<1x64x128xf32, #tpu.memory_space<vmem>>
    %dma_wait3A_186 = tpu.memref_squeeze %dma_wait3A_185 : memref<1x64x128xf32, #tpu.memory_space<vmem>> -> memref<64x128xf32, #tpu.memory_space<vmem>>
    tpu.wait_dma2 semaphore(%arg12 : memref<!tpu.dma_semaphore, #tpu.memory_space<semaphore_mem>>) src(%dma_wait3A_186 : memref<64x128xf32, #tpu.memory_space<vmem>>) dst(%dma_wait3A_182 : memref<64x128xf32, #tpu.memory_space<vmem_shared>>)
    %add3A_187 = arith.constant 128 : i32
    %add3A_188 = arith.addi %multiple_of3A, %add3A_187 : i32
    %dma_wait3A_189 = arith.constant 0 : i32
    %dma_wait3A_190 = arith.constant 0 : i32
    %dma_wait3A_191 = arith.constant 0 : i32
    %dma_wait3A_192 = tpu.memref_slice %arg8[%dma_wait3A_189, %dma_wait3A_190, %dma_wait3A_191] : memref<3x64x128xf32, #tpu.memory_space<vmem>> -> memref<1x64x128xf32, #tpu.memory_space<vmem>>
    %dma_wait3A_193 = tpu.memref_squeeze %dma_wait3A_192 : memref<1x64x128xf32, #tpu.memory_space<vmem>> -> memref<64x128xf32, #tpu.memory_space<vmem>>
    %dma_wait3A_194 = arith.constant 0 : i32
    %dma_wait3A_195 = tpu.memref_slice %arg13[%add3A_188, %dma_wait3A_194] : memref<10240x128xf32, #tpu.memory_space<vmem_shared>> -> memref<64x128xf32, #tpu.memory_space<vmem_shared>>
    %dma_wait3A_196 = arith.constant 0 : i32
    %dma_wait3A_197 = tpu.memref_slice %arg13[%add3A_188, %dma_wait3A_196] : memref<10240x128xf32, #tpu.memory_space<vmem_shared>> -> memref<64x128xf32, #tpu.memory_space<vmem_shared>>
    %dma_wait3A_198 = arith.constant 0 : i32
    %dma_wait3A_199 = arith.constant 0 : i32
    %dma_wait3A_200 = tpu.memref_slice %arg8[%dma_wait3A_189, %dma_wait3A_198, %dma_wait3A_199] : memref<3x64x128xf32, #tpu.memory_space<vmem>> -> memref<1x64x128xf32, #tpu.memory_space<vmem>>
    %dma_wait3A_201 = tpu.memref_squeeze %dma_wait3A_200 : memref<1x64x128xf32, #tpu.memory_space<vmem>> -> memref<64x128xf32, #tpu.memory_space<vmem>>
    tpu.wait_dma2 semaphore(%arg12 : memref<!tpu.dma_semaphore, #tpu.memory_space<semaphore_mem>>) src(%dma_wait3A_201 : memref<64x128xf32, #tpu.memory_space<vmem>>) dst(%dma_wait3A_197 : memref<64x128xf32, #tpu.memory_space<vmem_shared>>)
    %add3A_202 = arith.constant 192 : i32
    %add3A_203 = arith.addi %multiple_of3A, %add3A_202 : i32
    %dma_wait3A_204 = arith.constant 0 : i32
    %dma_wait3A_205 = arith.constant 0 : i32
    %dma_wait3A_206 = arith.constant 0 : i32
    %dma_wait3A_207 = tpu.memref_slice %arg8[%dma_wait3A_204, %dma_wait3A_205, %dma_wait3A_206] : memref<3x64x128xf32, #tpu.memory_space<vmem>> -> memref<1x64x128xf32, #tpu.memory_space<vmem>>
    %dma_wait3A_208 = tpu.memref_squeeze %dma_wait3A_207 : memref<1x64x128xf32, #tpu.memory_space<vmem>> -> memref<64x128xf32, #tpu.memory_space<vmem>>
    %dma_wait3A_209 = arith.constant 0 : i32
    %dma_wait3A_210 = tpu.memref_slice %arg13[%add3A_203, %dma_wait3A_209] : memref<10240x128xf32, #tpu.memory_space<vmem_shared>> -> memref<64x128xf32, #tpu.memory_space<vmem_shared>>
    %dma_wait3A_211 = arith.constant 0 : i32
    %dma_wait3A_212 = tpu.memref_slice %arg13[%add3A_203, %dma_wait3A_211] : memref<10240x128xf32, #tpu.memory_space<vmem_shared>> -> memref<64x128xf32, #tpu.memory_space<vmem_shared>>
    %dma_wait3A_213 = arith.constant 0 : i32
    %dma_wait3A_214 = arith.constant 0 : i32
    %dma_wait3A_215 = tpu.memref_slice %arg8[%dma_wait3A_204, %dma_wait3A_213, %dma_wait3A_214] : memref<3x64x128xf32, #tpu.memory_space<vmem>> -> memref<1x64x128xf32, #tpu.memory_space<vmem>>
    %dma_wait3A_216 = tpu.memref_squeeze %dma_wait3A_215 : memref<1x64x128xf32, #tpu.memory_space<vmem>> -> memref<64x128xf32, #tpu.memory_space<vmem>>
    tpu.wait_dma2 semaphore(%arg12 : memref<!tpu.dma_semaphore, #tpu.memory_space<semaphore_mem>>) src(%dma_wait3A_216 : memref<64x128xf32, #tpu.memory_space<vmem>>) dst(%dma_wait3A_212 : memref<64x128xf32, #tpu.memory_space<vmem_shared>>)
    %add3A_217 = arith.constant 256 : i32
    %add3A_218 = arith.addi %multiple_of3A, %add3A_217 : i32
    %dma_wait3A_219 = arith.constant 0 : i32
    %dma_wait3A_220 = arith.constant 0 : i32
    %dma_wait3A_221 = arith.constant 0 : i32
    %dma_wait3A_222 = tpu.memref_slice %arg8[%dma_wait3A_219, %dma_wait3A_220, %dma_wait3A_221] : memref<3x64x128xf32, #tpu.memory_space<vmem>> -> memref<1x64x128xf32, #tpu.memory_space<vmem>>
    %dma_wait3A_223 = tpu.memref_squeeze %dma_wait3A_222 : memref<1x64x128xf32, #tpu.memory_space<vmem>> -> memref<64x128xf32, #tpu.memory_space<vmem>>
    %dma_wait3A_224 = arith.constant 0 : i32
    %dma_wait3A_225 = tpu.memref_slice %arg13[%add3A_218, %dma_wait3A_224] : memref<10240x128xf32, #tpu.memory_space<vmem_shared>> -> memref<64x128xf32, #tpu.memory_space<vmem_shared>>
    %dma_wait3A_226 = arith.constant 0 : i32
    %dma_wait3A_227 = tpu.memref_slice %arg13[%add3A_218, %dma_wait3A_226] : memref<10240x128xf32, #tpu.memory_space<vmem_shared>> -> memref<64x128xf32, #tpu.memory_space<vmem_shared>>
    %dma_wait3A_228 = arith.constant 0 : i32
    %dma_wait3A_229 = arith.constant 0 : i32
    %dma_wait3A_230 = tpu.memref_slice %arg8[%dma_wait3A_219, %dma_wait3A_228, %dma_wait3A_229] : memref<3x64x128xf32, #tpu.memory_space<vmem>> -> memref<1x64x128xf32, #tpu.memory_space<vmem>>
    %dma_wait3A_231 = tpu.memref_squeeze %dma_wait3A_230 : memref<1x64x128xf32, #tpu.memory_space<vmem>> -> memref<64x128xf32, #tpu.memory_space<vmem>>
    tpu.wait_dma2 semaphore(%arg12 : memref<!tpu.dma_semaphore, #tpu.memory_space<semaphore_mem>>) src(%dma_wait3A_231 : memref<64x128xf32, #tpu.memory_space<vmem>>) dst(%dma_wait3A_227 : memref<64x128xf32, #tpu.memory_space<vmem_shared>>)
    %add3A_232 = arith.constant 320 : i32
    %add3A_233 = arith.addi %multiple_of3A, %add3A_232 : i32
    %dma_wait3A_234 = arith.constant 0 : i32
    %dma_wait3A_235 = arith.constant 0 : i32
    %dma_wait3A_236 = arith.constant 0 : i32
    %dma_wait3A_237 = tpu.memref_slice %arg8[%dma_wait3A_234, %dma_wait3A_235, %dma_wait3A_236] : memref<3x64x128xf32, #tpu.memory_space<vmem>> -> memref<1x64x128xf32, #tpu.memory_space<vmem>>
    %dma_wait3A_238 = tpu.memref_squeeze %dma_wait3A_237 : memref<1x64x128xf32, #tpu.memory_space<vmem>> -> memref<64x128xf32, #tpu.memory_space<vmem>>
    %dma_wait3A_239 = arith.constant 0 : i32
    %dma_wait3A_240 = tpu.memref_slice %arg13[%add3A_233, %dma_wait3A_239] : memref<10240x128xf32, #tpu.memory_space<vmem_shared>> -> memref<64x128xf32, #tpu.memory_space<vmem_shared>>
    %dma_wait3A_241 = arith.constant 0 : i32
    %dma_wait3A_242 = tpu.memref_slice %arg13[%add3A_233, %dma_wait3A_241] : memref<10240x128xf32, #tpu.memory_space<vmem_shared>> -> memref<64x128xf32, #tpu.memory_space<vmem_shared>>
    %dma_wait3A_243 = arith.constant 0 : i32
    %dma_wait3A_244 = arith.constant 0 : i32
    %dma_wait3A_245 = tpu.memref_slice %arg8[%dma_wait3A_234, %dma_wait3A_243, %dma_wait3A_244] : memref<3x64x128xf32, #tpu.memory_space<vmem>> -> memref<1x64x128xf32, #tpu.memory_space<vmem>>
    %dma_wait3A_246 = tpu.memref_squeeze %dma_wait3A_245 : memref<1x64x128xf32, #tpu.memory_space<vmem>> -> memref<64x128xf32, #tpu.memory_space<vmem>>
    tpu.wait_dma2 semaphore(%arg12 : memref<!tpu.dma_semaphore, #tpu.memory_space<semaphore_mem>>) src(%dma_wait3A_246 : memref<64x128xf32, #tpu.memory_space<vmem>>) dst(%dma_wait3A_242 : memref<64x128xf32, #tpu.memory_space<vmem_shared>>)
    %add3A_247 = arith.constant 384 : i32
    %add3A_248 = arith.addi %multiple_of3A, %add3A_247 : i32
    %dma_wait3A_249 = arith.constant 0 : i32
    %dma_wait3A_250 = arith.constant 0 : i32
    %dma_wait3A_251 = arith.constant 0 : i32
    %dma_wait3A_252 = tpu.memref_slice %arg8[%dma_wait3A_249, %dma_wait3A_250, %dma_wait3A_251] : memref<3x64x128xf32, #tpu.memory_space<vmem>> -> memref<1x64x128xf32, #tpu.memory_space<vmem>>
    %dma_wait3A_253 = tpu.memref_squeeze %dma_wait3A_252 : memref<1x64x128xf32, #tpu.memory_space<vmem>> -> memref<64x128xf32, #tpu.memory_space<vmem>>
    %dma_wait3A_254 = arith.constant 0 : i32
    %dma_wait3A_255 = tpu.memref_slice %arg13[%add3A_248, %dma_wait3A_254] : memref<10240x128xf32, #tpu.memory_space<vmem_shared>> -> memref<64x128xf32, #tpu.memory_space<vmem_shared>>
    %dma_wait3A_256 = arith.constant 0 : i32
    %dma_wait3A_257 = tpu.memref_slice %arg13[%add3A_248, %dma_wait3A_256] : memref<10240x128xf32, #tpu.memory_space<vmem_shared>> -> memref<64x128xf32, #tpu.memory_space<vmem_shared>>
    %dma_wait3A_258 = arith.constant 0 : i32
    %dma_wait3A_259 = arith.constant 0 : i32
    %dma_wait3A_260 = tpu.memref_slice %arg8[%dma_wait3A_249, %dma_wait3A_258, %dma_wait3A_259] : memref<3x64x128xf32, #tpu.memory_space<vmem>> -> memref<1x64x128xf32, #tpu.memory_space<vmem>>
    %dma_wait3A_261 = tpu.memref_squeeze %dma_wait3A_260 : memref<1x64x128xf32, #tpu.memory_space<vmem>> -> memref<64x128xf32, #tpu.memory_space<vmem>>
    tpu.wait_dma2 semaphore(%arg12 : memref<!tpu.dma_semaphore, #tpu.memory_space<semaphore_mem>>) src(%dma_wait3A_261 : memref<64x128xf32, #tpu.memory_space<vmem>>) dst(%dma_wait3A_257 : memref<64x128xf32, #tpu.memory_space<vmem_shared>>)
    %add3A_262 = arith.constant 448 : i32
    %add3A_263 = arith.addi %multiple_of3A, %add3A_262 : i32
    %dma_wait3A_264 = arith.constant 0 : i32
    %dma_wait3A_265 = arith.constant 0 : i32
    %dma_wait3A_266 = arith.constant 0 : i32
    %dma_wait3A_267 = tpu.memref_slice %arg8[%dma_wait3A_264, %dma_wait3A_265, %dma_wait3A_266] : memref<3x64x128xf32, #tpu.memory_space<vmem>> -> memref<1x64x128xf32, #tpu.memory_space<vmem>>
    %dma_wait3A_268 = tpu.memref_squeeze %dma_wait3A_267 : memref<1x64x128xf32, #tpu.memory_space<vmem>> -> memref<64x128xf32, #tpu.memory_space<vmem>>
    %dma_wait3A_269 = arith.constant 0 : i32
    %dma_wait3A_270 = tpu.memref_slice %arg13[%add3A_263, %dma_wait3A_269] : memref<10240x128xf32, #tpu.memory_space<vmem_shared>> -> memref<64x128xf32, #tpu.memory_space<vmem_shared>>
    %dma_wait3A_271 = arith.constant 0 : i32
    %dma_wait3A_272 = tpu.memref_slice %arg13[%add3A_263, %dma_wait3A_271] : memref<10240x128xf32, #tpu.memory_space<vmem_shared>> -> memref<64x128xf32, #tpu.memory_space<vmem_shared>>
    %dma_wait3A_273 = arith.constant 0 : i32
    %dma_wait3A_274 = arith.constant 0 : i32
    %dma_wait3A_275 = tpu.memref_slice %arg8[%dma_wait3A_264, %dma_wait3A_273, %dma_wait3A_274] : memref<3x64x128xf32, #tpu.memory_space<vmem>> -> memref<1x64x128xf32, #tpu.memory_space<vmem>>
    %dma_wait3A_276 = tpu.memref_squeeze %dma_wait3A_275 : memref<1x64x128xf32, #tpu.memory_space<vmem>> -> memref<64x128xf32, #tpu.memory_space<vmem>>
    tpu.wait_dma2 semaphore(%arg12 : memref<!tpu.dma_semaphore, #tpu.memory_space<semaphore_mem>>) src(%dma_wait3A_276 : memref<64x128xf32, #tpu.memory_space<vmem>>) dst(%dma_wait3A_272 : memref<64x128xf32, #tpu.memory_space<vmem_shared>>)
    %add3A_277 = arith.constant 512 : i32
    %add3A_278 = arith.addi %multiple_of3A, %add3A_277 : i32
    %dma_wait3A_279 = arith.constant 0 : i32
    %dma_wait3A_280 = arith.constant 0 : i32
    %dma_wait3A_281 = arith.constant 0 : i32
    %dma_wait3A_282 = tpu.memref_slice %arg8[%dma_wait3A_279, %dma_wait3A_280, %dma_wait3A_281] : memref<3x64x128xf32, #tpu.memory_space<vmem>> -> memref<1x64x128xf32, #tpu.memory_space<vmem>>
    %dma_wait3A_283 = tpu.memref_squeeze %dma_wait3A_282 : memref<1x64x128xf32, #tpu.memory_space<vmem>> -> memref<64x128xf32, #tpu.memory_space<vmem>>
    %dma_wait3A_284 = arith.constant 0 : i32
    %dma_wait3A_285 = tpu.memref_slice %arg13[%add3A_278, %dma_wait3A_284] : memref<10240x128xf32, #tpu.memory_space<vmem_shared>> -> memref<64x128xf32, #tpu.memory_space<vmem_shared>>
    %dma_wait3A_286 = arith.constant 0 : i32
    %dma_wait3A_287 = tpu.memref_slice %arg13[%add3A_278, %dma_wait3A_286] : memref<10240x128xf32, #tpu.memory_space<vmem_shared>> -> memref<64x128xf32, #tpu.memory_space<vmem_shared>>
    %dma_wait3A_288 = arith.constant 0 : i32
    %dma_wait3A_289 = arith.constant 0 : i32
    %dma_wait3A_290 = tpu.memref_slice %arg8[%dma_wait3A_279, %dma_wait3A_288, %dma_wait3A_289] : memref<3x64x128xf32, #tpu.memory_space<vmem>> -> memref<1x64x128xf32, #tpu.memory_space<vmem>>
    %dma_wait3A_291 = tpu.memref_squeeze %dma_wait3A_290 : memref<1x64x128xf32, #tpu.memory_space<vmem>> -> memref<64x128xf32, #tpu.memory_space<vmem>>
    tpu.wait_dma2 semaphore(%arg12 : memref<!tpu.dma_semaphore, #tpu.memory_space<semaphore_mem>>) src(%dma_wait3A_291 : memref<64x128xf32, #tpu.memory_space<vmem>>) dst(%dma_wait3A_287 : memref<64x128xf32, #tpu.memory_space<vmem_shared>>)
    %add3A_292 = arith.constant 576 : i32
    %add3A_293 = arith.addi %multiple_of3A, %add3A_292 : i32
    %dma_wait3A_294 = arith.constant 0 : i32
    %dma_wait3A_295 = arith.constant 0 : i32
    %dma_wait3A_296 = arith.constant 0 : i32
    %dma_wait3A_297 = tpu.memref_slice %arg8[%dma_wait3A_294, %dma_wait3A_295, %dma_wait3A_296] : memref<3x64x128xf32, #tpu.memory_space<vmem>> -> memref<1x64x128xf32, #tpu.memory_space<vmem>>
    %dma_wait3A_298 = tpu.memref_squeeze %dma_wait3A_297 : memref<1x64x128xf32, #tpu.memory_space<vmem>> -> memref<64x128xf32, #tpu.memory_space<vmem>>
    %dma_wait3A_299 = arith.constant 0 : i32
    %dma_wait3A_300 = tpu.memref_slice %arg13[%add3A_293, %dma_wait3A_299] : memref<10240x128xf32, #tpu.memory_space<vmem_shared>> -> memref<64x128xf32, #tpu.memory_space<vmem_shared>>
    %dma_wait3A_301 = arith.constant 0 : i32
    %dma_wait3A_302 = tpu.memref_slice %arg13[%add3A_293, %dma_wait3A_301] : memref<10240x128xf32, #tpu.memory_space<vmem_shared>> -> memref<64x128xf32, #tpu.memory_space<vmem_shared>>
    %dma_wait3A_303 = arith.constant 0 : i32
    %dma_wait3A_304 = arith.constant 0 : i32
    %dma_wait3A_305 = tpu.memref_slice %arg8[%dma_wait3A_294, %dma_wait3A_303, %dma_wait3A_304] : memref<3x64x128xf32, #tpu.memory_space<vmem>> -> memref<1x64x128xf32, #tpu.memory_space<vmem>>
    %dma_wait3A_306 = tpu.memref_squeeze %dma_wait3A_305 : memref<1x64x128xf32, #tpu.memory_space<vmem>> -> memref<64x128xf32, #tpu.memory_space<vmem>>
    tpu.wait_dma2 semaphore(%arg12 : memref<!tpu.dma_semaphore, #tpu.memory_space<semaphore_mem>>) src(%dma_wait3A_306 : memref<64x128xf32, #tpu.memory_space<vmem>>) dst(%dma_wait3A_302 : memref<64x128xf32, #tpu.memory_space<vmem_shared>>)
    %scan3A_307 = arith.constant 0 : i32
    %scan3A_308 = arith.constant 0 : i32
    %scan3A_309 = arith.constant 3 : i32
    %scan3A_310 = arith.addi %scan3A_308, %scan3A_309 : i32
    %scan3A_311 = arith.constant 1 : i32
    scf.for %scan3A_335 = %scan3A_308 to %scan3A_310 step %scan3A_311  : i32 {
      %get3A = arith.index_cast %scan3A_335 : i32 to index
      %get3A_336 = arith.constant 0 : index
      %get3A_337 = tpu.vector_load %arg5[%get3A, %get3A_336] {strides = array<i32>} : memref<160x64xi32, #tpu.memory_space<vmem>>, vector<1x16xi32>,
      %get3A_338 = vector.shape_cast %get3A_337 : vector<1x16xi32> to vector<16xi32>
      %shift_right_logical3A = arith.constant 16 : i32
      %shift_right_logical3A_339 = vector.broadcast %shift_right_logical3A : i32 to vector<16xi32>
      %shift_right_logical3A_340 = arith.shrui %get3A_338, %shift_right_logical3A_339 : vector<16xi32>
      %swap3A = arith.index_cast %scan3A_335 : i32 to index
      %swap3A_341 = arith.constant 0 : index
      %swap3A_342 = tpu.vector_load %arg6[%swap3A, %swap3A_341] {strides = array<i32>} : memref<3x64xi32, #tpu.memory_space<vmem>>, vector<1x16xi32>,
      %swap3A_343 = vector.shape_cast %swap3A_342 : vector<1x16xi32> to vector<16xi32>
      %swap3A_344 = vector.shape_cast %shift_right_logical3A_340 : vector<16xi32> to vector<1x16xi32>
      tpu.vector_store %arg6[%swap3A, %swap3A_341], %swap3A_344 {strides = array<i32>} : memref<3x64xi32, #tpu.memory_space<vmem>>, vector<1x16xi32>,
      %and3A = arith.constant 65535 : i32
      %and3A_345 = vector.broadcast %and3A : i32 to vector<16xi32>
      %and3A_346 = arith.andi %get3A_338, %and3A_345 : vector<16xi32>
      %swap3A_347 = arith.index_cast %scan3A_335 : i32 to index
      %swap3A_348 = arith.constant 0 : index
      %swap3A_349 = tpu.vector_load %arg7[%swap3A_347, %swap3A_348] {strides = array<i32>} : memref<3x64xi32, #tpu.memory_space<vmem>>, vector<1x16xi32>,
      %swap3A_350 = vector.shape_cast %swap3A_349 : vector<1x16xi32> to vector<16xi32>
      %swap3A_351 = vector.shape_cast %and3A_346 : vector<16xi32> to vector<1x16xi32>
      tpu.vector_store %arg7[%swap3A_347, %swap3A_348], %swap3A_351 {strides = array<i32>} : memref<3x64xi32, #tpu.memory_space<vmem>>, vector<1x16xi32>,
      %get3A_352 = arith.index_cast %scan3A_335 : i32 to index
      %get3A_353 = arith.constant 16 : index
      %get3A_354 = tpu.vector_load %arg5[%get3A_352, %get3A_353] {strides = array<i32>} : memref<160x64xi32, #tpu.memory_space<vmem>>, vector<1x16xi32>,
      %get3A_355 = vector.shape_cast %get3A_354 : vector<1x16xi32> to vector<16xi32>
      %shift_right_logical3A_356 = arith.constant 16 : i32
      %shift_right_logical3A_357 = vector.broadcast %shift_right_logical3A_356 : i32 to vector<16xi32>
      %shift_right_logical3A_358 = arith.shrui %get3A_355, %shift_right_logical3A_357 : vector<16xi32>
      %swap3A_359 = arith.index_cast %scan3A_335 : i32 to index
      %swap3A_360 = arith.constant 16 : index
      %swap3A_361 = tpu.vector_load %arg6[%swap3A_359, %swap3A_360] {strides = array<i32>} : memref<3x64xi32, #tpu.memory_space<vmem>>, vector<1x16xi32>,
      %swap3A_362 = vector.shape_cast %swap3A_361 : vector<1x16xi32> to vector<16xi32>
      %swap3A_363 = vector.shape_cast %shift_right_logical3A_358 : vector<16xi32> to vector<1x16xi32>
      tpu.vector_store %arg6[%swap3A_359, %swap3A_360], %swap3A_363 {strides = array<i32>} : memref<3x64xi32, #tpu.memory_space<vmem>>, vector<1x16xi32>,
      %and3A_364 = arith.constant 65535 : i32
      %and3A_365 = vector.broadcast %and3A_364 : i32 to vector<16xi32>
      %and3A_366 = arith.andi %get3A_355, %and3A_365 : vector<16xi32>
      %swap3A_367 = arith.index_cast %scan3A_335 : i32 to index
      %swap3A_368 = arith.constant 16 : index
      %swap3A_369 = tpu.vector_load %arg7[%swap3A_367, %swap3A_368] {strides = array<i32>} : memref<3x64xi32, #tpu.memory_space<vmem>>, vector<1x16xi32>,
      %swap3A_370 = vector.shape_cast %swap3A_369 : vector<1x16xi32> to vector<16xi32>
      %swap3A_371 = vector.shape_cast %and3A_366 : vector<16xi32> to vector<1x16xi32>
      tpu.vector_store %arg7[%swap3A_367, %swap3A_368], %swap3A_371 {strides = array<i32>} : memref<3x64xi32, #tpu.memory_space<vmem>>, vector<1x16xi32>,
      %get3A_372 = arith.index_cast %scan3A_335 : i32 to index
      %get3A_373 = arith.constant 32 : index
      %get3A_374 = tpu.vector_load %arg5[%get3A_372, %get3A_373] {strides = array<i32>} : memref<160x64xi32, #tpu.memory_space<vmem>>, vector<1x16xi32>,
      %get3A_375 = vector.shape_cast %get3A_374 : vector<1x16xi32> to vector<16xi32>
      %shift_right_logical3A_376 = arith.constant 16 : i32
      %shift_right_logical3A_377 = vector.broadcast %shift_right_logical3A_376 : i32 to vector<16xi32>
      %shift_right_logical3A_378 = arith.shrui %get3A_375, %shift_right_logical3A_377 : vector<16xi32>
      %swap3A_379 = arith.index_cast %scan3A_335 : i32 to index
      %swap3A_380 = arith.constant 32 : index
      %swap3A_381 = tpu.vector_load %arg6[%swap3A_379, %swap3A_380] {strides = array<i32>} : memref<3x64xi32, #tpu.memory_space<vmem>>, vector<1x16xi32>,
      %swap3A_382 = vector.shape_cast %swap3A_381 : vector<1x16xi32> to vector<16xi32>
      %swap3A_383 = vector.shape_cast %shift_right_logical3A_378 : vector<16xi32> to vector<1x16xi32>
      tpu.vector_store %arg6[%swap3A_379, %swap3A_380], %swap3A_383 {strides = array<i32>} : memref<3x64xi32, #tpu.memory_space<vmem>>, vector<1x16xi32>,
      %and3A_384 = arith.constant 65535 : i32
      %and3A_385 = vector.broadcast %and3A_384 : i32 to vector<16xi32>
      %and3A_386 = arith.andi %get3A_375, %and3A_385 : vector<16xi32>
      %swap3A_387 = arith.index_cast %scan3A_335 : i32 to index
      %swap3A_388 = arith.constant 32 : index
      %swap3A_389 = tpu.vector_load %arg7[%swap3A_387, %swap3A_388] {strides = array<i32>} : memref<3x64xi32, #tpu.memory_space<vmem>>, vector<1x16xi32>,
      %swap3A_390 = vector.shape_cast %swap3A_389 : vector<1x16xi32> to vector<16xi32>
      %swap3A_391 = vector.shape_cast %and3A_386 : vector<16xi32> to vector<1x16xi32>
      tpu.vector_store %arg7[%swap3A_387, %swap3A_388], %swap3A_391 {strides = array<i32>} : memref<3x64xi32, #tpu.memory_space<vmem>>, vector<1x16xi32>,
      %get3A_392 = arith.index_cast %scan3A_335 : i32 to index
      %get3A_393 = arith.constant 48 : index
      %get3A_394 = tpu.vector_load %arg5[%get3A_392, %get3A_393] {strides = array<i32>} : memref<160x64xi32, #tpu.memory_space<vmem>>, vector<1x16xi32>,
      %get3A_395 = vector.shape_cast %get3A_394 : vector<1x16xi32> to vector<16xi32>
      %shift_right_logical3A_396 = arith.constant 16 : i32
      %shift_right_logical3A_397 = vector.broadcast %shift_right_logical3A_396 : i32 to vector<16xi32>
      %shift_right_logical3A_398 = arith.shrui %get3A_395, %shift_right_logical3A_397 : vector<16xi32>
      %swap3A_399 = arith.index_cast %scan3A_335 : i32 to index
      %swap3A_400 = arith.constant 48 : index
      %swap3A_401 = tpu.vector_load %arg6[%swap3A_399, %swap3A_400] {strides = array<i32>} : memref<3x64xi32, #tpu.memory_space<vmem>>, vector<1x16xi32>,
      %swap3A_402 = vector.shape_cast %swap3A_401 : vector<1x16xi32> to vector<16xi32>
      %swap3A_403 = vector.shape_cast %shift_right_logical3A_398 : vector<16xi32> to vector<1x16xi32>
      tpu.vector_store %arg6[%swap3A_399, %swap3A_400], %swap3A_403 {strides = array<i32>} : memref<3x64xi32, #tpu.memory_space<vmem>>, vector<1x16xi32>,
      %and3A_404 = arith.constant 65535 : i32
      %and3A_405 = vector.broadcast %and3A_404 : i32 to vector<16xi32>
      %and3A_406 = arith.andi %get3A_395, %and3A_405 : vector<16xi32>
      %swap3A_407 = arith.index_cast %scan3A_335 : i32 to index
      %swap3A_408 = arith.constant 48 : index
      %swap3A_409 = tpu.vector_load %arg7[%swap3A_407, %swap3A_408] {strides = array<i32>} : memref<3x64xi32, #tpu.memory_space<vmem>>, vector<1x16xi32>,
      %swap3A_410 = vector.shape_cast %swap3A_409 : vector<1x16xi32> to vector<16xi32>
      %swap3A_411 = vector.shape_cast %and3A_406 : vector<16xi32> to vector<1x16xi32>
      tpu.vector_store %arg7[%swap3A_407, %swap3A_408], %swap3A_411 {strides = array<i32>} : memref<3x64xi32, #tpu.memory_space<vmem>>, vector<1x16xi32>,
      %dma_start3A_412 = arith.constant 0 : i32
      %dma_start3A_413 = arith.constant 0 : i32
      %dma_start3A_414 = tpu.memref_slice %arg8[%scan3A_335, %dma_start3A_412, %dma_start3A_413] : memref<3x64x128xf32, #tpu.memory_space<vmem>> -> memref<1x32x128xf32, #tpu.memory_space<vmem>>
      %dma_start3A_415 = tpu.memref_squeeze %dma_start3A_414 : memref<1x32x128xf32, #tpu.memory_space<vmem>> -> memref<32x128xf32, #tpu.memory_space<vmem>>
      %dma_start3A_416 = arith.constant 0 : i32
      %dma_start3A_417 = tpu.memref_slice %arg6[%scan3A_335, %dma_start3A_416] : memref<3x64xi32, #tpu.memory_space<vmem>> -> memref<1x32xi32, #tpu.memory_space<vmem>>
      %dma_start3A_418 = tpu.memref_squeeze %dma_start3A_417 : memref<1x32xi32, #tpu.memory_space<vmem>> -> memref<32xi32, #tpu.memory_space<vmem>>
      %dma_start3A_419 = arith.constant 0 : i32
      %dma_start3A_420 = arith.constant 0 : i32
      %dma_start3A_421 = tpu.memref_slice %arg3[%dma_start3A_419, %dma_start3A_420] : memref<10240x128xf32, #tpu.memory_space<hbm>> -> memref<10240x128xf32, #tpu.memory_space<hbm>>
      %dma_start3A_422 = tpu.memref_slice %arg9[%scan3A_335] : memref<3x!tpu.dma_semaphore, #tpu.memory_space<semaphore_mem>> -> memref<1x!tpu.dma_semaphore, #tpu.memory_space<semaphore_mem>>
      %dma_start3A_423 = tpu.memref_squeeze %dma_start3A_422 : memref<1x!tpu.dma_semaphore, #tpu.memory_space<semaphore_mem>> -> memref<!tpu.dma_semaphore, #tpu.memory_space<semaphore_mem>>
      tpu.enqueue_indirect_dma source(%dma_start3A_421 : memref<10240x128xf32, #tpu.memory_space<hbm>>) target(%dma_start3A_415 : memref<32x128xf32, #tpu.memory_space<vmem>>) offsets(%dma_start3A_418 : memref<32xi32, #tpu.memory_space<vmem>>) semaphore(%dma_start3A_423 : memref<!tpu.dma_semaphore, #tpu.memory_space<semaphore_mem>>)
      %dma_start3A_424 = arith.constant 32 : i32
      %dma_start3A_425 = arith.constant 0 : i32
      %dma_start3A_426 = tpu.memref_slice %arg8[%scan3A_335, %dma_start3A_424, %dma_start3A_425] : memref<3x64x128xf32, #tpu.memory_space<vmem>> -> memref<1x32x128xf32, #tpu.memory_space<vmem>>
      %dma_start3A_427 = tpu.memref_squeeze %dma_start3A_426 : memref<1x32x128xf32, #tpu.memory_space<vmem>> -> memref<32x128xf32, #tpu.memory_space<vmem>>
      %dma_start3A_428 = arith.constant 32 : i32
      %dma_start3A_429 = tpu.memref_slice %arg6[%scan3A_335, %dma_start3A_428] : memref<3x64xi32, #tpu.memory_space<vmem>> -> memref<1x32xi32, #tpu.memory_space<vmem>>
      %dma_start3A_430 = tpu.memref_squeeze %dma_start3A_429 : memref<1x32xi32, #tpu.memory_space<vmem>> -> memref<32xi32, #tpu.memory_space<vmem>>
      %dma_start3A_431 = arith.constant 0 : i32
      %dma_start3A_432 = arith.constant 0 : i32
      %dma_start3A_433 = tpu.memref_slice %arg3[%dma_start3A_431, %dma_start3A_432] : memref<10240x128xf32, #tpu.memory_space<hbm>> -> memref<10240x128xf32, #tpu.memory_space<hbm>>
      %dma_start3A_434 = tpu.memref_slice %arg10[%scan3A_335] : memref<3x!tpu.dma_semaphore, #tpu.memory_space<semaphore_mem>> -> memref<1x!tpu.dma_semaphore, #tpu.memory_space<semaphore_mem>>
      %dma_start3A_435 = tpu.memref_squeeze %dma_start3A_434 : memref<1x!tpu.dma_semaphore, #tpu.memory_space<semaphore_mem>> -> memref<!tpu.dma_semaphore, #tpu.memory_space<semaphore_mem>>
      tpu.enqueue_indirect_dma source(%dma_start3A_433 : memref<10240x128xf32, #tpu.memory_space<hbm>>) target(%dma_start3A_427 : memref<32x128xf32, #tpu.memory_space<vmem>>) offsets(%dma_start3A_430 : memref<32xi32, #tpu.memory_space<vmem>>) semaphore(%dma_start3A_435 : memref<!tpu.dma_semaphore, #tpu.memory_space<semaphore_mem>>)
    }
    %scan3A_312 = arith.constant 3 : i32
    %barrier3A = arith.constant 0 : index
    tpu.barrier barrier_id(%barrier3A)
    %scan3A_313 = arith.constant 0 : i32
    %scan3A_314 = arith.constant 0 : i32
    %scan3A_315 = arith.constant 157 : i32
    %scan3A_316 = arith.addi %scan3A_314, %scan3A_315 : i32
    %scan3A_317 = arith.constant 1 : i32
    scf.for %scan3A_335 = %scan3A_314 to %scan3A_316 step %scan3A_317  : i32 {
      %rem3A = arith.constant 3 : i32
      %rem3A_336 = arith.remsi %scan3A_335, %rem3A : i32
      %add3A_337 = arith.constant 3 : i32
      %add3A_338 = arith.addi %scan3A_335, %add3A_337 : i32
      %sub3A = arith.constant 1 : i32
      %sub3A_339 = arith.subi %add3A_338, %sub3A : i32
      %rem3A_340 = arith.constant 3 : i32
      %rem3A_341 = arith.remsi %sub3A_339, %rem3A_340 : i32
      %dma_wait3A_342 = arith.constant 0 : i32
      %dma_wait3A_343 = arith.constant 0 : i32
      %dma_wait3A_344 = tpu.memref_slice %arg8[%rem3A_336, %dma_wait3A_342, %dma_wait3A_343] : memref<3x64x128xf32, #tpu.memory_space<vmem>> -> memref<1x32x128xf32, #tpu.memory_space<vmem>>
      %dma_wait3A_345 = tpu.memref_squeeze %dma_wait3A_344 : memref<1x32x128xf32, #tpu.memory_space<vmem>> -> memref<32x128xf32, #tpu.memory_space<vmem>>
      %dma_wait3A_346 = arith.constant 0 : i32
      %dma_wait3A_347 = tpu.memref_slice %arg6[%rem3A_336, %dma_wait3A_346] : memref<3x64xi32, #tpu.memory_space<vmem>> -> memref<1x32xi32, #tpu.memory_space<vmem>>
      %dma_wait3A_348 = tpu.memref_squeeze %dma_wait3A_347 : memref<1x32xi32, #tpu.memory_space<vmem>> -> memref<32xi32, #tpu.memory_space<vmem>>
      %dma_wait3A_349 = arith.constant 0 : i32
      %dma_wait3A_350 = arith.constant 0 : i32
      %dma_wait3A_351 = tpu.memref_slice %arg3[%dma_wait3A_349, %dma_wait3A_350] : memref<10240x128xf32, #tpu.memory_space<hbm>> -> memref<10240x128xf32, #tpu.memory_space<hbm>>
      %dma_wait3A_352 = tpu.memref_slice %arg9[%rem3A_336] : memref<3x!tpu.dma_semaphore, #tpu.memory_space<semaphore_mem>> -> memref<1x!tpu.dma_semaphore, #tpu.memory_space<semaphore_mem>>
      %dma_wait3A_353 = tpu.memref_squeeze %dma_wait3A_352 : memref<1x!tpu.dma_semaphore, #tpu.memory_space<semaphore_mem>> -> memref<!tpu.dma_semaphore, #tpu.memory_space<semaphore_mem>>
      tpu.wait_indirect_dma semaphore(%dma_wait3A_353 : memref<!tpu.dma_semaphore, #tpu.memory_space<semaphore_mem>>) src(%dma_wait3A_351 : memref<10240x128xf32, #tpu.memory_space<hbm>>) dst(%dma_wait3A_345 : memref<32x128xf32, #tpu.memory_space<vmem>>)
      %dma_wait3A_354 = arith.constant 32 : i32
      %dma_wait3A_355 = arith.constant 0 : i32
      %dma_wait3A_356 = tpu.memref_slice %arg8[%rem3A_336, %dma_wait3A_354, %dma_wait3A_355] : memref<3x64x128xf32, #tpu.memory_space<vmem>> -> memref<1x32x128xf32, #tpu.memory_space<vmem>>
      %dma_wait3A_357 = tpu.memref_squeeze %dma_wait3A_356 : memref<1x32x128xf32, #tpu.memory_space<vmem>> -> memref<32x128xf32, #tpu.memory_space<vmem>>
      %dma_wait3A_358 = arith.constant 32 : i32
      %dma_wait3A_359 = tpu.memref_slice %arg6[%rem3A_336, %dma_wait3A_358] : memref<3x64xi32, #tpu.memory_space<vmem>> -> memref<1x32xi32, #tpu.memory_space<vmem>>
      %dma_wait3A_360 = tpu.memref_squeeze %dma_wait3A_359 : memref<1x32xi32, #tpu.memory_space<vmem>> -> memref<32xi32, #tpu.memory_space<vmem>>
      %dma_wait3A_361 = arith.constant 0 : i32
      %dma_wait3A_362 = arith.constant 0 : i32
      %dma_wait3A_363 = tpu.memref_slice %arg3[%dma_wait3A_361, %dma_wait3A_362] : memref<10240x128xf32, #tpu.memory_space<hbm>> -> memref<10240x128xf32, #tpu.memory_space<hbm>>
      %dma_wait3A_364 = tpu.memref_slice %arg10[%rem3A_336] : memref<3x!tpu.dma_semaphore, #tpu.memory_space<semaphore_mem>> -> memref<1x!tpu.dma_semaphore, #tpu.memory_space<semaphore_mem>>
      %dma_wait3A_365 = tpu.memref_squeeze %dma_wait3A_364 : memref<1x!tpu.dma_semaphore, #tpu.memory_space<semaphore_mem>> -> memref<!tpu.dma_semaphore, #tpu.memory_space<semaphore_mem>>
      tpu.wait_indirect_dma semaphore(%dma_wait3A_365 : memref<!tpu.dma_semaphore, #tpu.memory_space<semaphore_mem>>) src(%dma_wait3A_363 : memref<10240x128xf32, #tpu.memory_space<hbm>>) dst(%dma_wait3A_357 : memref<32x128xf32, #tpu.memory_space<vmem>>)
      %dma_start3A_366 = arith.constant 0 : i32
      %dma_start3A_367 = arith.constant 0 : i32
      %dma_start3A_368 = tpu.memref_slice %arg8[%rem3A_336, %dma_start3A_366, %dma_start3A_367] : memref<3x64x128xf32, #tpu.memory_space<vmem>> -> memref<1x64x128xf32, #tpu.memory_space<vmem>>
      %dma_start3A_369 = tpu.memref_squeeze %dma_start3A_368 : memref<1x64x128xf32, #tpu.memory_space<vmem>> -> memref<64x128xf32, #tpu.memory_space<vmem>>
      %dma_start3A_370 = arith.constant 0 : i32
      %dma_start3A_371 = tpu.memref_slice %arg7[%rem3A_336, %dma_start3A_370] : memref<3x64xi32, #tpu.memory_space<vmem>> -> memref<1x64xi32, #tpu.memory_space<vmem>>
      %dma_start3A_372 = tpu.memref_squeeze %dma_start3A_371 : memref<1x64xi32, #tpu.memory_space<vmem>> -> memref<64xi32, #tpu.memory_space<vmem>>
      %dma_start3A_373 = arith.constant 0 : i32
      %dma_start3A_374 = arith.constant 0 : i32
      %dma_start3A_375 = tpu.memref_slice %arg13[%dma_start3A_373, %dma_start3A_374] : memref<10240x128xf32, #tpu.memory_space<vmem_shared>> -> memref<10240x128xf32, #tpu.memory_space<vmem_shared>>
      %dma_start3A_376 = tpu.memref_slice %arg11[%rem3A_336] : memref<3x!tpu.dma_semaphore, #tpu.memory_space<semaphore_mem>> -> memref<1x!tpu.dma_semaphore, #tpu.memory_space<semaphore_mem>>
      %dma_start3A_377 = tpu.memref_squeeze %dma_start3A_376 : memref<1x!tpu.dma_semaphore, #tpu.memory_space<semaphore_mem>> -> memref<!tpu.dma_semaphore, #tpu.memory_space<semaphore_mem>>
      tpu.enqueue_indirect_dma source(%dma_start3A_369 : memref<64x128xf32, #tpu.memory_space<vmem>>) target(%dma_start3A_375 : memref<10240x128xf32, #tpu.memory_space<vmem_shared>>) offsets(%dma_start3A_372 : memref<64xi32, #tpu.memory_space<vmem>>) semaphore(%dma_start3A_377 : memref<!tpu.dma_semaphore, #tpu.memory_space<semaphore_mem>>) {add = true}
      %ge3A = arith.constant 1 : i32
      %ge3A_378 = arith.cmpi sge, %scan3A_335, %ge3A : i32
      %convert_element_type3A = arith.extui %ge3A_378 : i1 to i32
      %cond3A = arith.constant 0 : i32
      %cond3A_379 = arith.cmpi ne, %convert_element_type3A, %cond3A : i32
      scf.if %cond3A_379 {
        %dma_wait3A_380 = arith.constant 0 : i32
        %dma_wait3A_381 = arith.constant 0 : i32
        %dma_wait3A_382 = tpu.memref_slice %arg8[%rem3A_341, %dma_wait3A_380, %dma_wait3A_381] : memref<3x64x128xf32, #tpu.memory_space<vmem>> -> memref<1x64x128xf32, #tpu.memory_space<vmem>>
        %dma_wait3A_383 = tpu.memref_squeeze %dma_wait3A_382 : memref<1x64x128xf32, #tpu.memory_space<vmem>> -> memref<64x128xf32, #tpu.memory_space<vmem>>
        %dma_wait3A_384 = arith.constant 0 : i32
        %dma_wait3A_385 = tpu.memref_slice %arg7[%rem3A_341, %dma_wait3A_384] : memref<3x64xi32, #tpu.memory_space<vmem>> -> memref<1x64xi32, #tpu.memory_space<vmem>>
        %dma_wait3A_386 = tpu.memref_squeeze %dma_wait3A_385 : memref<1x64xi32, #tpu.memory_space<vmem>> -> memref<64xi32, #tpu.memory_space<vmem>>
        %dma_wait3A_387 = arith.constant 0 : i32
        %dma_wait3A_388 = arith.constant 0 : i32
        %dma_wait3A_389 = tpu.memref_slice %arg13[%dma_wait3A_387, %dma_wait3A_388] : memref<10240x128xf32, #tpu.memory_space<vmem_shared>> -> memref<10240x128xf32, #tpu.memory_space<vmem_shared>>
        %dma_wait3A_390 = tpu.memref_slice %arg11[%rem3A_341] : memref<3x!tpu.dma_semaphore, #tpu.memory_space<semaphore_mem>> -> memref<1x!tpu.dma_semaphore, #tpu.memory_space<semaphore_mem>>
        %dma_wait3A_391 = tpu.memref_squeeze %dma_wait3A_390 : memref<1x!tpu.dma_semaphore, #tpu.memory_space<semaphore_mem>> -> memref<!tpu.dma_semaphore, #tpu.memory_space<semaphore_mem>>
        tpu.wait_indirect_dma semaphore(%dma_wait3A_391 : memref<!tpu.dma_semaphore, #tpu.memory_space<semaphore_mem>>) src(%dma_wait3A_383 : memref<64x128xf32, #tpu.memory_space<vmem>>) dst(%dma_wait3A_389 : memref<10240x128xf32, #tpu.memory_space<vmem_shared>>)
        %sub3A_392 = arith.constant 1 : i32
        %sub3A_393 = arith.subi %scan3A_335, %sub3A_392 : i32
        %add3A_394 = arith.constant 3 : i32
        %add3A_395 = arith.addi %sub3A_393, %add3A_394 : i32
        %lt3A = arith.constant 157 : i32
        %lt3A_396 = arith.cmpi slt, %add3A_395, %lt3A : i32
        %convert_element_type3A_397 = arith.extui %lt3A_396 : i1 to i32
        %cond3A_398 = arith.constant 0 : i32
        %cond3A_399 = arith.cmpi ne, %convert_element_type3A_397, %cond3A_398 : i32
        scf.if %cond3A_399 {
          %sub3A_400 = arith.constant 1 : i32
          %sub3A_401 = arith.subi %scan3A_335, %sub3A_400 : i32
          %add3A_402 = arith.constant 3 : i32
          %add3A_403 = arith.addi %sub3A_401, %add3A_402 : i32
          %get3A = arith.index_cast %add3A_403 : i32 to index
          %get3A_404 = arith.constant 0 : index
          %get3A_405 = tpu.vector_load %arg5[%get3A, %get3A_404] {strides = array<i32>} : memref<160x64xi32, #tpu.memory_space<vmem>>, vector<1x16xi32>,
          %get3A_406 = vector.shape_cast %get3A_405 : vector<1x16xi32> to vector<16xi32>
          %shift_right_logical3A = arith.constant 16 : i32
          %shift_right_logical3A_407 = vector.broadcast %shift_right_logical3A : i32 to vector<16xi32>
          %shift_right_logical3A_408 = arith.shrui %get3A_406, %shift_right_logical3A_407 : vector<16xi32>
          %swap3A = arith.index_cast %rem3A_341 : i32 to index
          %swap3A_409 = arith.constant 0 : index
          %swap3A_410 = tpu.vector_load %arg6[%swap3A, %swap3A_409] {strides = array<i32>} : memref<3x64xi32, #tpu.memory_space<vmem>>, vector<1x16xi32>,
          %swap3A_411 = vector.shape_cast %swap3A_410 : vector<1x16xi32> to vector<16xi32>
          %swap3A_412 = vector.shape_cast %shift_right_logical3A_408 : vector<16xi32> to vector<1x16xi32>
          tpu.vector_store %arg6[%swap3A, %swap3A_409], %swap3A_412 {strides = array<i32>} : memref<3x64xi32, #tpu.memory_space<vmem>>, vector<1x16xi32>,
          %and3A = arith.constant 65535 : i32
          %and3A_413 = vector.broadcast %and3A : i32 to vector<16xi32>
          %and3A_414 = arith.andi %get3A_406, %and3A_413 : vector<16xi32>
          %swap3A_415 = arith.index_cast %rem3A_341 : i32 to index
          %swap3A_416 = arith.constant 0 : index
          %swap3A_417 = tpu.vector_load %arg7[%swap3A_415, %swap3A_416] {strides = array<i32>} : memref<3x64xi32, #tpu.memory_space<vmem>>, vector<1x16xi32>,
          %swap3A_418 = vector.shape_cast %swap3A_417 : vector<1x16xi32> to vector<16xi32>
          %swap3A_419 = vector.shape_cast %and3A_414 : vector<16xi32> to vector<1x16xi32>
          tpu.vector_store %arg7[%swap3A_415, %swap3A_416], %swap3A_419 {strides = array<i32>} : memref<3x64xi32, #tpu.memory_space<vmem>>, vector<1x16xi32>,
          %get3A_420 = arith.index_cast %add3A_403 : i32 to index
          %get3A_421 = arith.constant 16 : index
          %get3A_422 = tpu.vector_load %arg5[%get3A_420, %get3A_421] {strides = array<i32>} : memref<160x64xi32, #tpu.memory_space<vmem>>, vector<1x16xi32>,
          %get3A_423 = vector.shape_cast %get3A_422 : vector<1x16xi32> to vector<16xi32>
          %shift_right_logical3A_424 = arith.constant 16 : i32
          %shift_right_logical3A_425 = vector.broadcast %shift_right_logical3A_424 : i32 to vector<16xi32>
          %shift_right_logical3A_426 = arith.shrui %get3A_423, %shift_right_logical3A_425 : vector<16xi32>
          %swap3A_427 = arith.index_cast %rem3A_341 : i32 to index
          %swap3A_428 = arith.constant 16 : index
          %swap3A_429 = tpu.vector_load %arg6[%swap3A_427, %swap3A_428] {strides = array<i32>} : memref<3x64xi32, #tpu.memory_space<vmem>>, vector<1x16xi32>,
          %swap3A_430 = vector.shape_cast %swap3A_429 : vector<1x16xi32> to vector<16xi32>
          %swap3A_431 = vector.shape_cast %shift_right_logical3A_426 : vector<16xi32> to vector<1x16xi32>
          tpu.vector_store %arg6[%swap3A_427, %swap3A_428], %swap3A_431 {strides = array<i32>} : memref<3x64xi32, #tpu.memory_space<vmem>>, vector<1x16xi32>,
          %and3A_432 = arith.constant 65535 : i32
          %and3A_433 = vector.broadcast %and3A_432 : i32 to vector<16xi32>
          %and3A_434 = arith.andi %get3A_423, %and3A_433 : vector<16xi32>
          %swap3A_435 = arith.index_cast %rem3A_341 : i32 to index
          %swap3A_436 = arith.constant 16 : index
          %swap3A_437 = tpu.vector_load %arg7[%swap3A_435, %swap3A_436] {strides = array<i32>} : memref<3x64xi32, #tpu.memory_space<vmem>>, vector<1x16xi32>,
          %swap3A_438 = vector.shape_cast %swap3A_437 : vector<1x16xi32> to vector<16xi32>
          %swap3A_439 = vector.shape_cast %and3A_434 : vector<16xi32> to vector<1x16xi32>
          tpu.vector_store %arg7[%swap3A_435, %swap3A_436], %swap3A_439 {strides = array<i32>} : memref<3x64xi32, #tpu.memory_space<vmem>>, vector<1x16xi32>,
          %get3A_440 = arith.index_cast %add3A_403 : i32 to index
          %get3A_441 = arith.constant 32 : index
          %get3A_442 = tpu.vector_load %arg5[%get3A_440, %get3A_441] {strides = array<i32>} : memref<160x64xi32, #tpu.memory_space<vmem>>, vector<1x16xi32>,
          %get3A_443 = vector.shape_cast %get3A_442 : vector<1x16xi32> to vector<16xi32>
          %shift_right_logical3A_444 = arith.constant 16 : i32
          %shift_right_logical3A_445 = vector.broadcast %shift_right_logical3A_444 : i32 to vector<16xi32>
          %shift_right_logical3A_446 = arith.shrui %get3A_443, %shift_right_logical3A_445 : vector<16xi32>
          %swap3A_447 = arith.index_cast %rem3A_341 : i32 to index
          %swap3A_448 = arith.constant 32 : index
          %swap3A_449 = tpu.vector_load %arg6[%swap3A_447, %swap3A_448] {strides = array<i32>} : memref<3x64xi32, #tpu.memory_space<vmem>>, vector<1x16xi32>,
          %swap3A_450 = vector.shape_cast %swap3A_449 : vector<1x16xi32> to vector<16xi32>
          %swap3A_451 = vector.shape_cast %shift_right_logical3A_446 : vector<16xi32> to vector<1x16xi32>
          tpu.vector_store %arg6[%swap3A_447, %swap3A_448], %swap3A_451 {strides = array<i32>} : memref<3x64xi32, #tpu.memory_space<vmem>>, vector<1x16xi32>,
          %and3A_452 = arith.constant 65535 : i32
          %and3A_453 = vector.broadcast %and3A_452 : i32 to vector<16xi32>
          %and3A_454 = arith.andi %get3A_443, %and3A_453 : vector<16xi32>
          %swap3A_455 = arith.index_cast %rem3A_341 : i32 to index
          %swap3A_456 = arith.constant 32 : index
          %swap3A_457 = tpu.vector_load %arg7[%swap3A_455, %swap3A_456] {strides = array<i32>} : memref<3x64xi32, #tpu.memory_space<vmem>>, vector<1x16xi32>,
          %swap3A_458 = vector.shape_cast %swap3A_457 : vector<1x16xi32> to vector<16xi32>
          %swap3A_459 = vector.shape_cast %and3A_454 : vector<16xi32> to vector<1x16xi32>
          tpu.vector_store %arg7[%swap3A_455, %swap3A_456], %swap3A_459 {strides = array<i32>} : memref<3x64xi32, #tpu.memory_space<vmem>>, vector<1x16xi32>,
          %get3A_460 = arith.index_cast %add3A_403 : i32 to index
          %get3A_461 = arith.constant 48 : index
          %get3A_462 = tpu.vector_load %arg5[%get3A_460, %get3A_461] {strides = array<i32>} : memref<160x64xi32, #tpu.memory_space<vmem>>, vector<1x16xi32>,
          %get3A_463 = vector.shape_cast %get3A_462 : vector<1x16xi32> to vector<16xi32>
          %shift_right_logical3A_464 = arith.constant 16 : i32
          %shift_right_logical3A_465 = vector.broadcast %shift_right_logical3A_464 : i32 to vector<16xi32>
          %shift_right_logical3A_466 = arith.shrui %get3A_463, %shift_right_logical3A_465 : vector<16xi32>
          %swap3A_467 = arith.index_cast %rem3A_341 : i32 to index
          %swap3A_468 = arith.constant 48 : index
          %swap3A_469 = tpu.vector_load %arg6[%swap3A_467, %swap3A_468] {strides = array<i32>} : memref<3x64xi32, #tpu.memory_space<vmem>>, vector<1x16xi32>,
          %swap3A_470 = vector.shape_cast %swap3A_469 : vector<1x16xi32> to vector<16xi32>
          %swap3A_471 = vector.shape_cast %shift_right_logical3A_466 : vector<16xi32> to vector<1x16xi32>
          tpu.vector_store %arg6[%swap3A_467, %swap3A_468], %swap3A_471 {strides = array<i32>} : memref<3x64xi32, #tpu.memory_space<vmem>>, vector<1x16xi32>,
          %and3A_472 = arith.constant 65535 : i32
          %and3A_473 = vector.broadcast %and3A_472 : i32 to vector<16xi32>
          %and3A_474 = arith.andi %get3A_463, %and3A_473 : vector<16xi32>
          %swap3A_475 = arith.index_cast %rem3A_341 : i32 to index
          %swap3A_476 = arith.constant 48 : index
          %swap3A_477 = tpu.vector_load %arg7[%swap3A_475, %swap3A_476] {strides = array<i32>} : memref<3x64xi32, #tpu.memory_space<vmem>>, vector<1x16xi32>,
          %swap3A_478 = vector.shape_cast %swap3A_477 : vector<1x16xi32> to vector<16xi32>
          %swap3A_479 = vector.shape_cast %and3A_474 : vector<16xi32> to vector<1x16xi32>
          tpu.vector_store %arg7[%swap3A_475, %swap3A_476], %swap3A_479 {strides = array<i32>} : memref<3x64xi32, #tpu.memory_space<vmem>>, vector<1x16xi32>,
          %dma_start3A_480 = arith.constant 0 : i32
          %dma_start3A_481 = arith.constant 0 : i32
          %dma_start3A_482 = tpu.memref_slice %arg8[%rem3A_341, %dma_start3A_480, %dma_start3A_481] : memref<3x64x128xf32, #tpu.memory_space<vmem>> -> memref<1x32x128xf32, #tpu.memory_space<vmem>>
          %dma_start3A_483 = tpu.memref_squeeze %dma_start3A_482 : memref<1x32x128xf32, #tpu.memory_space<vmem>> -> memref<32x128xf32, #tpu.memory_space<vmem>>
          %dma_start3A_484 = arith.constant 0 : i32
          %dma_start3A_485 = tpu.memref_slice %arg6[%rem3A_341, %dma_start3A_484] : memref<3x64xi32, #tpu.memory_space<vmem>> -> memref<1x32xi32, #tpu.memory_space<vmem>>
          %dma_start3A_486 = tpu.memref_squeeze %dma_start3A_485 : memref<1x32xi32, #tpu.memory_space<vmem>> -> memref<32xi32, #tpu.memory_space<vmem>>
          %dma_start3A_487 = arith.constant 0 : i32
          %dma_start3A_488 = arith.constant 0 : i32
          %dma_start3A_489 = tpu.memref_slice %arg3[%dma_start3A_487, %dma_start3A_488] : memref<10240x128xf32, #tpu.memory_space<hbm>> -> memref<10240x128xf32, #tpu.memory_space<hbm>>
          %dma_start3A_490 = tpu.memref_slice %arg9[%rem3A_341] : memref<3x!tpu.dma_semaphore, #tpu.memory_space<semaphore_mem>> -> memref<1x!tpu.dma_semaphore, #tpu.memory_space<semaphore_mem>>
          %dma_start3A_491 = tpu.memref_squeeze %dma_start3A_490 : memref<1x!tpu.dma_semaphore, #tpu.memory_space<semaphore_mem>> -> memref<!tpu.dma_semaphore, #tpu.memory_space<semaphore_mem>>
          tpu.enqueue_indirect_dma source(%dma_start3A_489 : memref<10240x128xf32, #tpu.memory_space<hbm>>) target(%dma_start3A_483 : memref<32x128xf32, #tpu.memory_space<vmem>>) offsets(%dma_start3A_486 : memref<32xi32, #tpu.memory_space<vmem>>) semaphore(%dma_start3A_491 : memref<!tpu.dma_semaphore, #tpu.memory_space<semaphore_mem>>)
          %dma_start3A_492 = arith.constant 32 : i32
          %dma_start3A_493 = arith.constant 0 : i32
          %dma_start3A_494 = tpu.memref_slice %arg8[%rem3A_341, %dma_start3A_492, %dma_start3A_493] : memref<3x64x128xf32, #tpu.memory_space<vmem>> -> memref<1x32x128xf32, #tpu.memory_space<vmem>>
          %dma_start3A_495 = tpu.memref_squeeze %dma_start3A_494 : memref<1x32x128xf32, #tpu.memory_space<vmem>> -> memref<32x128xf32, #tpu.memory_space<vmem>>
          %dma_start3A_496 = arith.constant 32 : i32
          %dma_start3A_497 = tpu.memref_slice %arg6[%rem3A_341, %dma_start3A_496] : memref<3x64xi32, #tpu.memory_space<vmem>> -> memref<1x32xi32, #tpu.memory_space<vmem>>
          %dma_start3A_498 = tpu.memref_squeeze %dma_start3A_497 : memref<1x32xi32, #tpu.memory_space<vmem>> -> memref<32xi32, #tpu.memory_space<vmem>>
          %dma_start3A_499 = arith.constant 0 : i32
          %dma_start3A_500 = arith.constant 0 : i32
          %dma_start3A_501 = tpu.memref_slice %arg3[%dma_start3A_499, %dma_start3A_500] : memref<10240x128xf32, #tpu.memory_space<hbm>> -> memref<10240x128xf32, #tpu.memory_space<hbm>>
          %dma_start3A_502 = tpu.memref_slice %arg10[%rem3A_341] : memref<3x!tpu.dma_semaphore, #tpu.memory_space<semaphore_mem>> -> memref<1x!tpu.dma_semaphore, #tpu.memory_space<semaphore_mem>>
          %dma_start3A_503 = tpu.memref_squeeze %dma_start3A_502 : memref<1x!tpu.dma_semaphore, #tpu.memory_space<semaphore_mem>> -> memref<!tpu.dma_semaphore, #tpu.memory_space<semaphore_mem>>
          tpu.enqueue_indirect_dma source(%dma_start3A_501 : memref<10240x128xf32, #tpu.memory_space<hbm>>) target(%dma_start3A_495 : memref<32x128xf32, #tpu.memory_space<vmem>>) offsets(%dma_start3A_498 : memref<32xi32, #tpu.memory_space<vmem>>) semaphore(%dma_start3A_503 : memref<!tpu.dma_semaphore, #tpu.memory_space<semaphore_mem>>)
        } else {
        }
      } else {
      }
    }
    %scan3A_318 = arith.constant 157 : i32
    %dma_wait3A_319 = arith.constant 0 : i32
    %dma_wait3A_320 = arith.constant 0 : i32
    %dma_wait3A_321 = arith.constant 0 : i32
    %dma_wait3A_322 = arith.constant 0 : i32
    %dma_wait3A_323 = arith.constant 0 : i32
    %dma_wait3A_324 = tpu.memref_slice %arg8[%dma_wait3A_319, %dma_wait3A_322, %dma_wait3A_323] : memref<3x64x128xf32, #tpu.memory_space<vmem>> -> memref<1x64x128xf32, #tpu.memory_space<vmem>>
    %dma_wait3A_325 = tpu.memref_squeeze %dma_wait3A_324 : memref<1x64x128xf32, #tpu.memory_space<vmem>> -> memref<64x128xf32, #tpu.memory_space<vmem>>
    %dma_wait3A_326 = arith.constant 0 : i32
    %dma_wait3A_327 = tpu.memref_slice %arg7[%dma_wait3A_320, %dma_wait3A_326] : memref<3x64xi32, #tpu.memory_space<vmem>> -> memref<1x64xi32, #tpu.memory_space<vmem>>
    %dma_wait3A_328 = tpu.memref_squeeze %dma_wait3A_327 : memref<1x64xi32, #tpu.memory_space<vmem>> -> memref<64xi32, #tpu.memory_space<vmem>>
    %dma_wait3A_329 = arith.constant 0 : i32
    %dma_wait3A_330 = arith.constant 0 : i32
    %dma_wait3A_331 = tpu.memref_slice %arg13[%dma_wait3A_329, %dma_wait3A_330] : memref<10240x128xf32, #tpu.memory_space<vmem_shared>> -> memref<10240x128xf32, #tpu.memory_space<vmem_shared>>
    %dma_wait3A_332 = tpu.memref_slice %arg11[%dma_wait3A_321] : memref<3x!tpu.dma_semaphore, #tpu.memory_space<semaphore_mem>> -> memref<1x!tpu.dma_semaphore, #tpu.memory_space<semaphore_mem>>
    %dma_wait3A_333 = tpu.memref_squeeze %dma_wait3A_332 : memref<1x!tpu.dma_semaphore, #tpu.memory_space<semaphore_mem>> -> memref<!tpu.dma_semaphore, #tpu.memory_space<semaphore_mem>>
    tpu.wait_indirect_dma semaphore(%dma_wait3A_333 : memref<!tpu.dma_semaphore, #tpu.memory_space<semaphore_mem>>) src(%dma_wait3A_325 : memref<64x128xf32, #tpu.memory_space<vmem>>) dst(%dma_wait3A_331 : memref<10240x128xf32, #tpu.memory_space<vmem_shared>>)
    %barrier3A_334 = arith.constant 0 : index
    tpu.barrier barrier_id(%barrier3A_334)
    "tpu.region"() ({
      %run_scoped3A = tpu.sem_alloc : memref<!tpu.dma_semaphore, #tpu.memory_space<semaphore_mem>>
      %dma_start3A_335 = arith.constant 0 : i32
      %dma_start3A_336 = tpu.memref_slice %arg4[%arg0, %multiple_of3A, %dma_start3A_335] : memref<2x10240x128xf32, #tpu.memory_space<hbm>> -> memref<1x640x128xf32, #tpu.memory_space<hbm>>
      %dma_start3A_337 = tpu.memref_squeeze %dma_start3A_336 : memref<1x640x128xf32, #tpu.memory_space<hbm>> -> memref<640x128xf32, #tpu.memory_space<hbm>>
      %dma_start3A_338 = arith.constant 0 : i32
      %dma_start3A_339 = tpu.memref_slice %arg13[%multiple_of3A, %dma_start3A_338] : memref<10240x128xf32, #tpu.memory_space<vmem_shared>> -> memref<640x128xf32, #tpu.memory_space<vmem_shared>>
      tpu.enqueue_dma source(%dma_start3A_339 : memref<640x128xf32, #tpu.memory_space<vmem_shared>>) target(%dma_start3A_337 : memref<640x128xf32, #tpu.memory_space<hbm>>) target_semaphore(%run_scoped3A : memref<!tpu.dma_semaphore, #tpu.memory_space<semaphore_mem>>)
      %dma_wait3A_340 = arith.constant 0 : i32
      %dma_wait3A_341 = tpu.memref_slice %arg4[%arg0, %multiple_of3A, %dma_wait3A_340] : memref<2x10240x128xf32, #tpu.memory_space<hbm>> -> memref<1x640x128xf32, #tpu.memory_space<hbm>>
      %dma_wait3A_342 = tpu.memref_squeeze %dma_wait3A_341 : memref<1x640x128xf32, #tpu.memory_space<hbm>> -> memref<640x128xf32, #tpu.memory_space<hbm>>
      %dma_wait3A_343 = arith.constant 0 : i32
      %dma_wait3A_344 = tpu.memref_slice %arg13[%multiple_of3A, %dma_wait3A_343] : memref<10240x128xf32, #tpu.memory_space<vmem_shared>> -> memref<640x128xf32, #tpu.memory_space<vmem_shared>>
      tpu.wait_dma2 semaphore(%run_scoped3A : memref<!tpu.dma_semaphore, #tpu.memory_space<semaphore_mem>>) src(%dma_wait3A_344 : memref<640x128xf32, #tpu.memory_space<vmem_shared>>) dst(%dma_wait3A_342 : memref<640x128xf32, #tpu.memory_space<hbm>>)
      tpu.yield
    }) : () -> ()
    return
  }
}

#map = affine_map<(d0, d1) -> (0, 0, 0)>
#map1 = affine_map<(d0, d1) -> (0, 0)>
module attributes {stable_mosaic.version = 14 : i64} {
  func.func @_deg_body(%arg0: i32, %arg1: i32, %arg2: memref<32x80x128xi32, #tpu.memory_space<hbm>>, %arg3: memref<16x10240xf32, #tpu.memory_space<hbm>>, %arg4: memref<80x128xi32, #tpu.memory_space<vmem>>, %arg5: memref<128xf32, #tpu.memory_space<vmem>>, %arg6: memref<640xf32, #tpu.memory_space<vmem>>, %arg7: memref<10240xf32, #tpu.memory_space<vmem_shared>>) attributes {dimension_semantics = [#tpu.dimension_semantics<core_parallel>, #tpu.dimension_semantics<subcore_parallel>], iteration_bounds = array<i64: 2, 16>, scalar_prefetch = 0 : i64, scratch_operands = 4 : i64, tpu.core_type = #tpu.core_type<sc_vector_subcore>, window_params = [{transform_indices = #map}, {transform_indices = #map1}]} {
    %mul3A = arith.constant 16 : i32
    %mul3A_0 = arith.muli %arg0, %mul3A : i32
    %add3A = arith.addi %mul3A_0, %arg1 : i32
    %mul3A_1 = arith.constant 640 : i32
    %mul3A_2 = arith.muli %arg1, %mul3A_1 : i32
    %multiple_of3A = tpu.assume_multiple %mul3A_2, 640 : i32
    %broadcast_in_dim3A = arith.constant 0.000000e+00 : f32
    %broadcast_in_dim3A_3 = vector.broadcast %broadcast_in_dim3A : f32 to vector<16xf32>
    %broadcast_in_dim3A_4 = arith.constant 1.000000e+00 : f32
    %broadcast_in_dim3A_5 = vector.broadcast %broadcast_in_dim3A_4 : f32 to vector<16xf32>
    %swap3A = arith.constant 0 : index
    %swap3A_6 = tpu.vector_load %arg6[%swap3A] {strides = array<i32>} : memref<640xf32, #tpu.memory_space<vmem>>, vector<16xf32>,
    %swap3A_7 = vector.shape_cast %swap3A_6 : vector<16xf32> to vector<16xf32>
    %swap3A_8 = vector.shape_cast %broadcast_in_dim3A_3 : vector<16xf32> to vector<16xf32>
    tpu.vector_store %arg6[%swap3A], %swap3A_8 {strides = array<i32>} : memref<640xf32, #tpu.memory_space<vmem>>, vector<16xf32>,
    %swap3A_9 = arith.constant 16 : index
    %swap3A_10 = tpu.vector_load %arg6[%swap3A_9] {strides = array<i32>} : memref<640xf32, #tpu.memory_space<vmem>>, vector<16xf32>,
    %swap3A_11 = vector.shape_cast %swap3A_10 : vector<16xf32> to vector<16xf32>
    %swap3A_12 = vector.shape_cast %broadcast_in_dim3A_3 : vector<16xf32> to vector<16xf32>
    tpu.vector_store %arg6[%swap3A_9], %swap3A_12 {strides = array<i32>} : memref<640xf32, #tpu.memory_space<vmem>>, vector<16xf32>,
    %swap3A_13 = arith.constant 32 : index
    %swap3A_14 = tpu.vector_load %arg6[%swap3A_13] {strides = array<i32>} : memref<640xf32, #tpu.memory_space<vmem>>, vector<16xf32>,
    %swap3A_15 = vector.shape_cast %swap3A_14 : vector<16xf32> to vector<16xf32>
    %swap3A_16 = vector.shape_cast %broadcast_in_dim3A_3 : vector<16xf32> to vector<16xf32>
    tpu.vector_store %arg6[%swap3A_13], %swap3A_16 {strides = array<i32>} : memref<640xf32, #tpu.memory_space<vmem>>, vector<16xf32>,
    %swap3A_17 = arith.constant 48 : index
    %swap3A_18 = tpu.vector_load %arg6[%swap3A_17] {strides = array<i32>} : memref<640xf32, #tpu.memory_space<vmem>>, vector<16xf32>,
    %swap3A_19 = vector.shape_cast %swap3A_18 : vector<16xf32> to vector<16xf32>
    %swap3A_20 = vector.shape_cast %broadcast_in_dim3A_3 : vector<16xf32> to vector<16xf32>
    tpu.vector_store %arg6[%swap3A_17], %swap3A_20 {strides = array<i32>} : memref<640xf32, #tpu.memory_space<vmem>>, vector<16xf32>,
    %swap3A_21 = arith.constant 64 : index
    %swap3A_22 = tpu.vector_load %arg6[%swap3A_21] {strides = array<i32>} : memref<640xf32, #tpu.memory_space<vmem>>, vector<16xf32>,
    %swap3A_23 = vector.shape_cast %swap3A_22 : vector<16xf32> to vector<16xf32>
    %swap3A_24 = vector.shape_cast %broadcast_in_dim3A_3 : vector<16xf32> to vector<16xf32>
    tpu.vector_store %arg6[%swap3A_21], %swap3A_24 {strides = array<i32>} : memref<640xf32, #tpu.memory_space<vmem>>, vector<16xf32>,
    %swap3A_25 = arith.constant 80 : index
    %swap3A_26 = tpu.vector_load %arg6[%swap3A_25] {strides = array<i32>} : memref<640xf32, #tpu.memory_space<vmem>>, vector<16xf32>,
    %swap3A_27 = vector.shape_cast %swap3A_26 : vector<16xf32> to vector<16xf32>
    %swap3A_28 = vector.shape_cast %broadcast_in_dim3A_3 : vector<16xf32> to vector<16xf32>
    tpu.vector_store %arg6[%swap3A_25], %swap3A_28 {strides = array<i32>} : memref<640xf32, #tpu.memory_space<vmem>>, vector<16xf32>,
    %swap3A_29 = arith.constant 96 : index
    %swap3A_30 = tpu.vector_load %arg6[%swap3A_29] {strides = array<i32>} : memref<640xf32, #tpu.memory_space<vmem>>, vector<16xf32>,
    %swap3A_31 = vector.shape_cast %swap3A_30 : vector<16xf32> to vector<16xf32>
    %swap3A_32 = vector.shape_cast %broadcast_in_dim3A_3 : vector<16xf32> to vector<16xf32>
    tpu.vector_store %arg6[%swap3A_29], %swap3A_32 {strides = array<i32>} : memref<640xf32, #tpu.memory_space<vmem>>, vector<16xf32>,
    %swap3A_33 = arith.constant 112 : index
    %swap3A_34 = tpu.vector_load %arg6[%swap3A_33] {strides = array<i32>} : memref<640xf32, #tpu.memory_space<vmem>>, vector<16xf32>,
    %swap3A_35 = vector.shape_cast %swap3A_34 : vector<16xf32> to vector<16xf32>
    %swap3A_36 = vector.shape_cast %broadcast_in_dim3A_3 : vector<16xf32> to vector<16xf32>
    tpu.vector_store %arg6[%swap3A_33], %swap3A_36 {strides = array<i32>} : memref<640xf32, #tpu.memory_space<vmem>>, vector<16xf32>,
    %swap3A_37 = arith.constant 128 : index
    %swap3A_38 = tpu.vector_load %arg6[%swap3A_37] {strides = array<i32>} : memref<640xf32, #tpu.memory_space<vmem>>, vector<16xf32>,
    %swap3A_39 = vector.shape_cast %swap3A_38 : vector<16xf32> to vector<16xf32>
    %swap3A_40 = vector.shape_cast %broadcast_in_dim3A_3 : vector<16xf32> to vector<16xf32>
    tpu.vector_store %arg6[%swap3A_37], %swap3A_40 {strides = array<i32>} : memref<640xf32, #tpu.memory_space<vmem>>, vector<16xf32>,
    %swap3A_41 = arith.constant 144 : index
    %swap3A_42 = tpu.vector_load %arg6[%swap3A_41] {strides = array<i32>} : memref<640xf32, #tpu.memory_space<vmem>>, vector<16xf32>,
    %swap3A_43 = vector.shape_cast %swap3A_42 : vector<16xf32> to vector<16xf32>
    %swap3A_44 = vector.shape_cast %broadcast_in_dim3A_3 : vector<16xf32> to vector<16xf32>
    tpu.vector_store %arg6[%swap3A_41], %swap3A_44 {strides = array<i32>} : memref<640xf32, #tpu.memory_space<vmem>>, vector<16xf32>,
    %swap3A_45 = arith.constant 160 : index
    %swap3A_46 = tpu.vector_load %arg6[%swap3A_45] {strides = array<i32>} : memref<640xf32, #tpu.memory_space<vmem>>, vector<16xf32>,
    %swap3A_47 = vector.shape_cast %swap3A_46 : vector<16xf32> to vector<16xf32>
    %swap3A_48 = vector.shape_cast %broadcast_in_dim3A_3 : vector<16xf32> to vector<16xf32>
    tpu.vector_store %arg6[%swap3A_45], %swap3A_48 {strides = array<i32>} : memref<640xf32, #tpu.memory_space<vmem>>, vector<16xf32>,
    %swap3A_49 = arith.constant 176 : index
    %swap3A_50 = tpu.vector_load %arg6[%swap3A_49] {strides = array<i32>} : memref<640xf32, #tpu.memory_space<vmem>>, vector<16xf32>,
    %swap3A_51 = vector.shape_cast %swap3A_50 : vector<16xf32> to vector<16xf32>
    %swap3A_52 = vector.shape_cast %broadcast_in_dim3A_3 : vector<16xf32> to vector<16xf32>
    tpu.vector_store %arg6[%swap3A_49], %swap3A_52 {strides = array<i32>} : memref<640xf32, #tpu.memory_space<vmem>>, vector<16xf32>,
    %swap3A_53 = arith.constant 192 : index
    %swap3A_54 = tpu.vector_load %arg6[%swap3A_53] {strides = array<i32>} : memref<640xf32, #tpu.memory_space<vmem>>, vector<16xf32>,
    %swap3A_55 = vector.shape_cast %swap3A_54 : vector<16xf32> to vector<16xf32>
    %swap3A_56 = vector.shape_cast %broadcast_in_dim3A_3 : vector<16xf32> to vector<16xf32>
    tpu.vector_store %arg6[%swap3A_53], %swap3A_56 {strides = array<i32>} : memref<640xf32, #tpu.memory_space<vmem>>, vector<16xf32>,
    %swap3A_57 = arith.constant 208 : index
    %swap3A_58 = tpu.vector_load %arg6[%swap3A_57] {strides = array<i32>} : memref<640xf32, #tpu.memory_space<vmem>>, vector<16xf32>,
    %swap3A_59 = vector.shape_cast %swap3A_58 : vector<16xf32> to vector<16xf32>
    %swap3A_60 = vector.shape_cast %broadcast_in_dim3A_3 : vector<16xf32> to vector<16xf32>
    tpu.vector_store %arg6[%swap3A_57], %swap3A_60 {strides = array<i32>} : memref<640xf32, #tpu.memory_space<vmem>>, vector<16xf32>,
    %swap3A_61 = arith.constant 224 : index
    %swap3A_62 = tpu.vector_load %arg6[%swap3A_61] {strides = array<i32>} : memref<640xf32, #tpu.memory_space<vmem>>, vector<16xf32>,
    %swap3A_63 = vector.shape_cast %swap3A_62 : vector<16xf32> to vector<16xf32>
    %swap3A_64 = vector.shape_cast %broadcast_in_dim3A_3 : vector<16xf32> to vector<16xf32>
    tpu.vector_store %arg6[%swap3A_61], %swap3A_64 {strides = array<i32>} : memref<640xf32, #tpu.memory_space<vmem>>, vector<16xf32>,
    %swap3A_65 = arith.constant 240 : index
    %swap3A_66 = tpu.vector_load %arg6[%swap3A_65] {strides = array<i32>} : memref<640xf32, #tpu.memory_space<vmem>>, vector<16xf32>,
    %swap3A_67 = vector.shape_cast %swap3A_66 : vector<16xf32> to vector<16xf32>
    %swap3A_68 = vector.shape_cast %broadcast_in_dim3A_3 : vector<16xf32> to vector<16xf32>
    tpu.vector_store %arg6[%swap3A_65], %swap3A_68 {strides = array<i32>} : memref<640xf32, #tpu.memory_space<vmem>>, vector<16xf32>,
    %swap3A_69 = arith.constant 256 : index
    %swap3A_70 = tpu.vector_load %arg6[%swap3A_69] {strides = array<i32>} : memref<640xf32, #tpu.memory_space<vmem>>, vector<16xf32>,
    %swap3A_71 = vector.shape_cast %swap3A_70 : vector<16xf32> to vector<16xf32>
    %swap3A_72 = vector.shape_cast %broadcast_in_dim3A_3 : vector<16xf32> to vector<16xf32>
    tpu.vector_store %arg6[%swap3A_69], %swap3A_72 {strides = array<i32>} : memref<640xf32, #tpu.memory_space<vmem>>, vector<16xf32>,
    %swap3A_73 = arith.constant 272 : index
    %swap3A_74 = tpu.vector_load %arg6[%swap3A_73] {strides = array<i32>} : memref<640xf32, #tpu.memory_space<vmem>>, vector<16xf32>,
    %swap3A_75 = vector.shape_cast %swap3A_74 : vector<16xf32> to vector<16xf32>
    %swap3A_76 = vector.shape_cast %broadcast_in_dim3A_3 : vector<16xf32> to vector<16xf32>
    tpu.vector_store %arg6[%swap3A_73], %swap3A_76 {strides = array<i32>} : memref<640xf32, #tpu.memory_space<vmem>>, vector<16xf32>,
    %swap3A_77 = arith.constant 288 : index
    %swap3A_78 = tpu.vector_load %arg6[%swap3A_77] {strides = array<i32>} : memref<640xf32, #tpu.memory_space<vmem>>, vector<16xf32>,
    %swap3A_79 = vector.shape_cast %swap3A_78 : vector<16xf32> to vector<16xf32>
    %swap3A_80 = vector.shape_cast %broadcast_in_dim3A_3 : vector<16xf32> to vector<16xf32>
    tpu.vector_store %arg6[%swap3A_77], %swap3A_80 {strides = array<i32>} : memref<640xf32, #tpu.memory_space<vmem>>, vector<16xf32>,
    %swap3A_81 = arith.constant 304 : index
    %swap3A_82 = tpu.vector_load %arg6[%swap3A_81] {strides = array<i32>} : memref<640xf32, #tpu.memory_space<vmem>>, vector<16xf32>,
    %swap3A_83 = vector.shape_cast %swap3A_82 : vector<16xf32> to vector<16xf32>
    %swap3A_84 = vector.shape_cast %broadcast_in_dim3A_3 : vector<16xf32> to vector<16xf32>
    tpu.vector_store %arg6[%swap3A_81], %swap3A_84 {strides = array<i32>} : memref<640xf32, #tpu.memory_space<vmem>>, vector<16xf32>,
    %swap3A_85 = arith.constant 320 : index
    %swap3A_86 = tpu.vector_load %arg6[%swap3A_85] {strides = array<i32>} : memref<640xf32, #tpu.memory_space<vmem>>, vector<16xf32>,
    %swap3A_87 = vector.shape_cast %swap3A_86 : vector<16xf32> to vector<16xf32>
    %swap3A_88 = vector.shape_cast %broadcast_in_dim3A_3 : vector<16xf32> to vector<16xf32>
    tpu.vector_store %arg6[%swap3A_85], %swap3A_88 {strides = array<i32>} : memref<640xf32, #tpu.memory_space<vmem>>, vector<16xf32>,
    %swap3A_89 = arith.constant 336 : index
    %swap3A_90 = tpu.vector_load %arg6[%swap3A_89] {strides = array<i32>} : memref<640xf32, #tpu.memory_space<vmem>>, vector<16xf32>,
    %swap3A_91 = vector.shape_cast %swap3A_90 : vector<16xf32> to vector<16xf32>
    %swap3A_92 = vector.shape_cast %broadcast_in_dim3A_3 : vector<16xf32> to vector<16xf32>
    tpu.vector_store %arg6[%swap3A_89], %swap3A_92 {strides = array<i32>} : memref<640xf32, #tpu.memory_space<vmem>>, vector<16xf32>,
    %swap3A_93 = arith.constant 352 : index
    %swap3A_94 = tpu.vector_load %arg6[%swap3A_93] {strides = array<i32>} : memref<640xf32, #tpu.memory_space<vmem>>, vector<16xf32>,
    %swap3A_95 = vector.shape_cast %swap3A_94 : vector<16xf32> to vector<16xf32>
    %swap3A_96 = vector.shape_cast %broadcast_in_dim3A_3 : vector<16xf32> to vector<16xf32>
    tpu.vector_store %arg6[%swap3A_93], %swap3A_96 {strides = array<i32>} : memref<640xf32, #tpu.memory_space<vmem>>, vector<16xf32>,
    %swap3A_97 = arith.constant 368 : index
    %swap3A_98 = tpu.vector_load %arg6[%swap3A_97] {strides = array<i32>} : memref<640xf32, #tpu.memory_space<vmem>>, vector<16xf32>,
    %swap3A_99 = vector.shape_cast %swap3A_98 : vector<16xf32> to vector<16xf32>
    %swap3A_100 = vector.shape_cast %broadcast_in_dim3A_3 : vector<16xf32> to vector<16xf32>
    tpu.vector_store %arg6[%swap3A_97], %swap3A_100 {strides = array<i32>} : memref<640xf32, #tpu.memory_space<vmem>>, vector<16xf32>,
    %swap3A_101 = arith.constant 384 : index
    %swap3A_102 = tpu.vector_load %arg6[%swap3A_101] {strides = array<i32>} : memref<640xf32, #tpu.memory_space<vmem>>, vector<16xf32>,
    %swap3A_103 = vector.shape_cast %swap3A_102 : vector<16xf32> to vector<16xf32>
    %swap3A_104 = vector.shape_cast %broadcast_in_dim3A_3 : vector<16xf32> to vector<16xf32>
    tpu.vector_store %arg6[%swap3A_101], %swap3A_104 {strides = array<i32>} : memref<640xf32, #tpu.memory_space<vmem>>, vector<16xf32>,
    %swap3A_105 = arith.constant 400 : index
    %swap3A_106 = tpu.vector_load %arg6[%swap3A_105] {strides = array<i32>} : memref<640xf32, #tpu.memory_space<vmem>>, vector<16xf32>,
    %swap3A_107 = vector.shape_cast %swap3A_106 : vector<16xf32> to vector<16xf32>
    %swap3A_108 = vector.shape_cast %broadcast_in_dim3A_3 : vector<16xf32> to vector<16xf32>
    tpu.vector_store %arg6[%swap3A_105], %swap3A_108 {strides = array<i32>} : memref<640xf32, #tpu.memory_space<vmem>>, vector<16xf32>,
    %swap3A_109 = arith.constant 416 : index
    %swap3A_110 = tpu.vector_load %arg6[%swap3A_109] {strides = array<i32>} : memref<640xf32, #tpu.memory_space<vmem>>, vector<16xf32>,
    %swap3A_111 = vector.shape_cast %swap3A_110 : vector<16xf32> to vector<16xf32>
    %swap3A_112 = vector.shape_cast %broadcast_in_dim3A_3 : vector<16xf32> to vector<16xf32>
    tpu.vector_store %arg6[%swap3A_109], %swap3A_112 {strides = array<i32>} : memref<640xf32, #tpu.memory_space<vmem>>, vector<16xf32>,
    %swap3A_113 = arith.constant 432 : index
    %swap3A_114 = tpu.vector_load %arg6[%swap3A_113] {strides = array<i32>} : memref<640xf32, #tpu.memory_space<vmem>>, vector<16xf32>,
    %swap3A_115 = vector.shape_cast %swap3A_114 : vector<16xf32> to vector<16xf32>
    %swap3A_116 = vector.shape_cast %broadcast_in_dim3A_3 : vector<16xf32> to vector<16xf32>
    tpu.vector_store %arg6[%swap3A_113], %swap3A_116 {strides = array<i32>} : memref<640xf32, #tpu.memory_space<vmem>>, vector<16xf32>,
    %swap3A_117 = arith.constant 448 : index
    %swap3A_118 = tpu.vector_load %arg6[%swap3A_117] {strides = array<i32>} : memref<640xf32, #tpu.memory_space<vmem>>, vector<16xf32>,
    %swap3A_119 = vector.shape_cast %swap3A_118 : vector<16xf32> to vector<16xf32>
    %swap3A_120 = vector.shape_cast %broadcast_in_dim3A_3 : vector<16xf32> to vector<16xf32>
    tpu.vector_store %arg6[%swap3A_117], %swap3A_120 {strides = array<i32>} : memref<640xf32, #tpu.memory_space<vmem>>, vector<16xf32>,
    %swap3A_121 = arith.constant 464 : index
    %swap3A_122 = tpu.vector_load %arg6[%swap3A_121] {strides = array<i32>} : memref<640xf32, #tpu.memory_space<vmem>>, vector<16xf32>,
    %swap3A_123 = vector.shape_cast %swap3A_122 : vector<16xf32> to vector<16xf32>
    %swap3A_124 = vector.shape_cast %broadcast_in_dim3A_3 : vector<16xf32> to vector<16xf32>
    tpu.vector_store %arg6[%swap3A_121], %swap3A_124 {strides = array<i32>} : memref<640xf32, #tpu.memory_space<vmem>>, vector<16xf32>,
    %swap3A_125 = arith.constant 480 : index
    %swap3A_126 = tpu.vector_load %arg6[%swap3A_125] {strides = array<i32>} : memref<640xf32, #tpu.memory_space<vmem>>, vector<16xf32>,
    %swap3A_127 = vector.shape_cast %swap3A_126 : vector<16xf32> to vector<16xf32>
    %swap3A_128 = vector.shape_cast %broadcast_in_dim3A_3 : vector<16xf32> to vector<16xf32>
    tpu.vector_store %arg6[%swap3A_125], %swap3A_128 {strides = array<i32>} : memref<640xf32, #tpu.memory_space<vmem>>, vector<16xf32>,
    %swap3A_129 = arith.constant 496 : index
    %swap3A_130 = tpu.vector_load %arg6[%swap3A_129] {strides = array<i32>} : memref<640xf32, #tpu.memory_space<vmem>>, vector<16xf32>,
    %swap3A_131 = vector.shape_cast %swap3A_130 : vector<16xf32> to vector<16xf32>
    %swap3A_132 = vector.shape_cast %broadcast_in_dim3A_3 : vector<16xf32> to vector<16xf32>
    tpu.vector_store %arg6[%swap3A_129], %swap3A_132 {strides = array<i32>} : memref<640xf32, #tpu.memory_space<vmem>>, vector<16xf32>,
    %swap3A_133 = arith.constant 512 : index
    %swap3A_134 = tpu.vector_load %arg6[%swap3A_133] {strides = array<i32>} : memref<640xf32, #tpu.memory_space<vmem>>, vector<16xf32>,
    %swap3A_135 = vector.shape_cast %swap3A_134 : vector<16xf32> to vector<16xf32>
    %swap3A_136 = vector.shape_cast %broadcast_in_dim3A_3 : vector<16xf32> to vector<16xf32>
    tpu.vector_store %arg6[%swap3A_133], %swap3A_136 {strides = array<i32>} : memref<640xf32, #tpu.memory_space<vmem>>, vector<16xf32>,
    %swap3A_137 = arith.constant 528 : index
    %swap3A_138 = tpu.vector_load %arg6[%swap3A_137] {strides = array<i32>} : memref<640xf32, #tpu.memory_space<vmem>>, vector<16xf32>,
    %swap3A_139 = vector.shape_cast %swap3A_138 : vector<16xf32> to vector<16xf32>
    %swap3A_140 = vector.shape_cast %broadcast_in_dim3A_3 : vector<16xf32> to vector<16xf32>
    tpu.vector_store %arg6[%swap3A_137], %swap3A_140 {strides = array<i32>} : memref<640xf32, #tpu.memory_space<vmem>>, vector<16xf32>,
    %swap3A_141 = arith.constant 544 : index
    %swap3A_142 = tpu.vector_load %arg6[%swap3A_141] {strides = array<i32>} : memref<640xf32, #tpu.memory_space<vmem>>, vector<16xf32>,
    %swap3A_143 = vector.shape_cast %swap3A_142 : vector<16xf32> to vector<16xf32>
    %swap3A_144 = vector.shape_cast %broadcast_in_dim3A_3 : vector<16xf32> to vector<16xf32>
    tpu.vector_store %arg6[%swap3A_141], %swap3A_144 {strides = array<i32>} : memref<640xf32, #tpu.memory_space<vmem>>, vector<16xf32>,
    %swap3A_145 = arith.constant 560 : index
    %swap3A_146 = tpu.vector_load %arg6[%swap3A_145] {strides = array<i32>} : memref<640xf32, #tpu.memory_space<vmem>>, vector<16xf32>,
    %swap3A_147 = vector.shape_cast %swap3A_146 : vector<16xf32> to vector<16xf32>
    %swap3A_148 = vector.shape_cast %broadcast_in_dim3A_3 : vector<16xf32> to vector<16xf32>
    tpu.vector_store %arg6[%swap3A_145], %swap3A_148 {strides = array<i32>} : memref<640xf32, #tpu.memory_space<vmem>>, vector<16xf32>,
    %swap3A_149 = arith.constant 576 : index
    %swap3A_150 = tpu.vector_load %arg6[%swap3A_149] {strides = array<i32>} : memref<640xf32, #tpu.memory_space<vmem>>, vector<16xf32>,
    %swap3A_151 = vector.shape_cast %swap3A_150 : vector<16xf32> to vector<16xf32>
    %swap3A_152 = vector.shape_cast %broadcast_in_dim3A_3 : vector<16xf32> to vector<16xf32>
    tpu.vector_store %arg6[%swap3A_149], %swap3A_152 {strides = array<i32>} : memref<640xf32, #tpu.memory_space<vmem>>, vector<16xf32>,
    %swap3A_153 = arith.constant 592 : index
    %swap3A_154 = tpu.vector_load %arg6[%swap3A_153] {strides = array<i32>} : memref<640xf32, #tpu.memory_space<vmem>>, vector<16xf32>,
    %swap3A_155 = vector.shape_cast %swap3A_154 : vector<16xf32> to vector<16xf32>
    %swap3A_156 = vector.shape_cast %broadcast_in_dim3A_3 : vector<16xf32> to vector<16xf32>
    tpu.vector_store %arg6[%swap3A_153], %swap3A_156 {strides = array<i32>} : memref<640xf32, #tpu.memory_space<vmem>>, vector<16xf32>,
    %swap3A_157 = arith.constant 608 : index
    %swap3A_158 = tpu.vector_load %arg6[%swap3A_157] {strides = array<i32>} : memref<640xf32, #tpu.memory_space<vmem>>, vector<16xf32>,
    %swap3A_159 = vector.shape_cast %swap3A_158 : vector<16xf32> to vector<16xf32>
    %swap3A_160 = vector.shape_cast %broadcast_in_dim3A_3 : vector<16xf32> to vector<16xf32>
    tpu.vector_store %arg6[%swap3A_157], %swap3A_160 {strides = array<i32>} : memref<640xf32, #tpu.memory_space<vmem>>, vector<16xf32>,
    %swap3A_161 = arith.constant 624 : index
    %swap3A_162 = tpu.vector_load %arg6[%swap3A_161] {strides = array<i32>} : memref<640xf32, #tpu.memory_space<vmem>>, vector<16xf32>,
    %swap3A_163 = vector.shape_cast %swap3A_162 : vector<16xf32> to vector<16xf32>
    %swap3A_164 = vector.shape_cast %broadcast_in_dim3A_3 : vector<16xf32> to vector<16xf32>
    tpu.vector_store %arg6[%swap3A_161], %swap3A_164 {strides = array<i32>} : memref<640xf32, #tpu.memory_space<vmem>>, vector<16xf32>,
    %swap3A_165 = arith.constant 0 : index
    %swap3A_166 = tpu.vector_load %arg5[%swap3A_165] {strides = array<i32>} : memref<128xf32, #tpu.memory_space<vmem>>, vector<16xf32>,
    %swap3A_167 = vector.shape_cast %swap3A_166 : vector<16xf32> to vector<16xf32>
    %swap3A_168 = vector.shape_cast %broadcast_in_dim3A_5 : vector<16xf32> to vector<16xf32>
    tpu.vector_store %arg5[%swap3A_165], %swap3A_168 {strides = array<i32>} : memref<128xf32, #tpu.memory_space<vmem>>, vector<16xf32>,
    %swap3A_169 = arith.constant 16 : index
    %swap3A_170 = tpu.vector_load %arg5[%swap3A_169] {strides = array<i32>} : memref<128xf32, #tpu.memory_space<vmem>>, vector<16xf32>,
    %swap3A_171 = vector.shape_cast %swap3A_170 : vector<16xf32> to vector<16xf32>
    %swap3A_172 = vector.shape_cast %broadcast_in_dim3A_5 : vector<16xf32> to vector<16xf32>
    tpu.vector_store %arg5[%swap3A_169], %swap3A_172 {strides = array<i32>} : memref<128xf32, #tpu.memory_space<vmem>>, vector<16xf32>,
    %swap3A_173 = arith.constant 32 : index
    %swap3A_174 = tpu.vector_load %arg5[%swap3A_173] {strides = array<i32>} : memref<128xf32, #tpu.memory_space<vmem>>, vector<16xf32>,
    %swap3A_175 = vector.shape_cast %swap3A_174 : vector<16xf32> to vector<16xf32>
    %swap3A_176 = vector.shape_cast %broadcast_in_dim3A_5 : vector<16xf32> to vector<16xf32>
    tpu.vector_store %arg5[%swap3A_173], %swap3A_176 {strides = array<i32>} : memref<128xf32, #tpu.memory_space<vmem>>, vector<16xf32>,
    %swap3A_177 = arith.constant 48 : index
    %swap3A_178 = tpu.vector_load %arg5[%swap3A_177] {strides = array<i32>} : memref<128xf32, #tpu.memory_space<vmem>>, vector<16xf32>,
    %swap3A_179 = vector.shape_cast %swap3A_178 : vector<16xf32> to vector<16xf32>
    %swap3A_180 = vector.shape_cast %broadcast_in_dim3A_5 : vector<16xf32> to vector<16xf32>
    tpu.vector_store %arg5[%swap3A_177], %swap3A_180 {strides = array<i32>} : memref<128xf32, #tpu.memory_space<vmem>>, vector<16xf32>,
    %swap3A_181 = arith.constant 64 : index
    %swap3A_182 = tpu.vector_load %arg5[%swap3A_181] {strides = array<i32>} : memref<128xf32, #tpu.memory_space<vmem>>, vector<16xf32>,
    %swap3A_183 = vector.shape_cast %swap3A_182 : vector<16xf32> to vector<16xf32>
    %swap3A_184 = vector.shape_cast %broadcast_in_dim3A_5 : vector<16xf32> to vector<16xf32>
    tpu.vector_store %arg5[%swap3A_181], %swap3A_184 {strides = array<i32>} : memref<128xf32, #tpu.memory_space<vmem>>, vector<16xf32>,
    %swap3A_185 = arith.constant 80 : index
    %swap3A_186 = tpu.vector_load %arg5[%swap3A_185] {strides = array<i32>} : memref<128xf32, #tpu.memory_space<vmem>>, vector<16xf32>,
    %swap3A_187 = vector.shape_cast %swap3A_186 : vector<16xf32> to vector<16xf32>
    %swap3A_188 = vector.shape_cast %broadcast_in_dim3A_5 : vector<16xf32> to vector<16xf32>
    tpu.vector_store %arg5[%swap3A_185], %swap3A_188 {strides = array<i32>} : memref<128xf32, #tpu.memory_space<vmem>>, vector<16xf32>,
    %swap3A_189 = arith.constant 96 : index
    %swap3A_190 = tpu.vector_load %arg5[%swap3A_189] {strides = array<i32>} : memref<128xf32, #tpu.memory_space<vmem>>, vector<16xf32>,
    %swap3A_191 = vector.shape_cast %swap3A_190 : vector<16xf32> to vector<16xf32>
    %swap3A_192 = vector.shape_cast %broadcast_in_dim3A_5 : vector<16xf32> to vector<16xf32>
    tpu.vector_store %arg5[%swap3A_189], %swap3A_192 {strides = array<i32>} : memref<128xf32, #tpu.memory_space<vmem>>, vector<16xf32>,
    %swap3A_193 = arith.constant 112 : index
    %swap3A_194 = tpu.vector_load %arg5[%swap3A_193] {strides = array<i32>} : memref<128xf32, #tpu.memory_space<vmem>>, vector<16xf32>,
    %swap3A_195 = vector.shape_cast %swap3A_194 : vector<16xf32> to vector<16xf32>
    %swap3A_196 = vector.shape_cast %broadcast_in_dim3A_5 : vector<16xf32> to vector<16xf32>
    tpu.vector_store %arg5[%swap3A_193], %swap3A_196 {strides = array<i32>} : memref<128xf32, #tpu.memory_space<vmem>>, vector<16xf32>,
    "tpu.region"() ({
      %run_scoped3A = tpu.sem_alloc : memref<!tpu.dma_semaphore, #tpu.memory_space<semaphore_mem>>
      %dma_start3A = tpu.memref_slice %arg7[%multiple_of3A] : memref<10240xf32, #tpu.memory_space<vmem_shared>> -> memref<640xf32, #tpu.memory_space<vmem_shared>>
      %dma_start3A_206 = tpu.memref_slice %arg7[%multiple_of3A] : memref<10240xf32, #tpu.memory_space<vmem_shared>> -> memref<640xf32, #tpu.memory_space<vmem_shared>>
      tpu.enqueue_dma source(%arg6 : memref<640xf32, #tpu.memory_space<vmem>>) target(%dma_start3A_206 : memref<640xf32, #tpu.memory_space<vmem_shared>>) target_semaphore(%run_scoped3A : memref<!tpu.dma_semaphore, #tpu.memory_space<semaphore_mem>>)
      %dma_wait3A = tpu.memref_slice %arg7[%multiple_of3A] : memref<10240xf32, #tpu.memory_space<vmem_shared>> -> memref<640xf32, #tpu.memory_space<vmem_shared>>
      %dma_wait3A_207 = tpu.memref_slice %arg7[%multiple_of3A] : memref<10240xf32, #tpu.memory_space<vmem_shared>> -> memref<640xf32, #tpu.memory_space<vmem_shared>>
      tpu.wait_dma2 semaphore(%run_scoped3A : memref<!tpu.dma_semaphore, #tpu.memory_space<semaphore_mem>>) src(%arg6 : memref<640xf32, #tpu.memory_space<vmem>>) dst(%dma_wait3A_207 : memref<640xf32, #tpu.memory_space<vmem_shared>>)
      tpu.yield
    }) : () -> ()
    %barrier3A = arith.constant 0 : index
    tpu.barrier barrier_id(%barrier3A)
    "tpu.region"() ({
      %run_scoped3A = tpu.sem_alloc : memref<!tpu.dma_semaphore, #tpu.memory_space<semaphore_mem>>
      %dma_start3A = arith.constant 0 : i32
      %dma_start3A_206 = arith.constant 0 : i32
      %dma_start3A_207 = tpu.memref_slice %arg2[%add3A, %dma_start3A, %dma_start3A_206] : memref<32x80x128xi32, #tpu.memory_space<hbm>> -> memref<1x80x128xi32, #tpu.memory_space<hbm>>
      %dma_start3A_208 = tpu.memref_squeeze %dma_start3A_207 : memref<1x80x128xi32, #tpu.memory_space<hbm>> -> memref<80x128xi32, #tpu.memory_space<hbm>>
      %dma_start3A_209 = arith.constant 0 : i32
      %dma_start3A_210 = arith.constant 0 : i32
      %dma_start3A_211 = tpu.memref_slice %arg2[%add3A, %dma_start3A_209, %dma_start3A_210] : memref<32x80x128xi32, #tpu.memory_space<hbm>> -> memref<1x80x128xi32, #tpu.memory_space<hbm>>
      %dma_start3A_212 = tpu.memref_squeeze %dma_start3A_211 : memref<1x80x128xi32, #tpu.memory_space<hbm>> -> memref<80x128xi32, #tpu.memory_space<hbm>>
      tpu.enqueue_dma source(%dma_start3A_212 : memref<80x128xi32, #tpu.memory_space<hbm>>) target(%arg4 : memref<80x128xi32, #tpu.memory_space<vmem>>) target_semaphore(%run_scoped3A : memref<!tpu.dma_semaphore, #tpu.memory_space<semaphore_mem>>)
      %dma_wait3A = arith.constant 0 : i32
      %dma_wait3A_213 = arith.constant 0 : i32
      %dma_wait3A_214 = tpu.memref_slice %arg2[%add3A, %dma_wait3A, %dma_wait3A_213] : memref<32x80x128xi32, #tpu.memory_space<hbm>> -> memref<1x80x128xi32, #tpu.memory_space<hbm>>
      %dma_wait3A_215 = tpu.memref_squeeze %dma_wait3A_214 : memref<1x80x128xi32, #tpu.memory_space<hbm>> -> memref<80x128xi32, #tpu.memory_space<hbm>>
      %dma_wait3A_216 = arith.constant 0 : i32
      %dma_wait3A_217 = arith.constant 0 : i32
      %dma_wait3A_218 = tpu.memref_slice %arg2[%add3A, %dma_wait3A_216, %dma_wait3A_217] : memref<32x80x128xi32, #tpu.memory_space<hbm>> -> memref<1x80x128xi32, #tpu.memory_space<hbm>>
      %dma_wait3A_219 = tpu.memref_squeeze %dma_wait3A_218 : memref<1x80x128xi32, #tpu.memory_space<hbm>> -> memref<80x128xi32, #tpu.memory_space<hbm>>
      tpu.wait_dma2 semaphore(%run_scoped3A : memref<!tpu.dma_semaphore, #tpu.memory_space<semaphore_mem>>) src(%dma_wait3A_219 : memref<80x128xi32, #tpu.memory_space<hbm>>) dst(%arg4 : memref<80x128xi32, #tpu.memory_space<vmem>>)
      tpu.yield
    }) : () -> ()
    %scan3A = arith.constant 0 : i32
    %scan3A_197 = arith.constant 0 : i32
    %scan3A_198 = arith.constant 79 : i32
    %scan3A_199 = arith.addi %scan3A_197, %scan3A_198 : i32
    %scan3A_200 = arith.constant 1 : i32
    scf.for %scan3A_206 = %scan3A_197 to %scan3A_199 step %scan3A_200  : i32 {
      "tpu.region"() ({
        %run_scoped3A = tpu.sem_alloc : memref<!tpu.dma_semaphore, #tpu.memory_space<semaphore_mem>>
        %dma_start3A = arith.constant 0 : i32
        %dma_start3A_207 = tpu.memref_slice %arg4[%scan3A_206, %dma_start3A] : memref<80x128xi32, #tpu.memory_space<vmem>> -> memref<1x128xi32, #tpu.memory_space<vmem>>
        %dma_start3A_208 = tpu.memref_squeeze %dma_start3A_207 : memref<1x128xi32, #tpu.memory_space<vmem>> -> memref<128xi32, #tpu.memory_space<vmem>>
        %dma_start3A_209 = arith.constant 0 : i32
        %dma_start3A_210 = tpu.memref_slice %arg7[%dma_start3A_209] : memref<10240xf32, #tpu.memory_space<vmem_shared>> -> memref<10240xf32, #tpu.memory_space<vmem_shared>>
        tpu.enqueue_indirect_dma source(%arg5 : memref<128xf32, #tpu.memory_space<vmem>>) target(%dma_start3A_210 : memref<10240xf32, #tpu.memory_space<vmem_shared>>) offsets(%dma_start3A_208 : memref<128xi32, #tpu.memory_space<vmem>>) semaphore(%run_scoped3A : memref<!tpu.dma_semaphore, #tpu.memory_space<semaphore_mem>>) {add = true}
        %dma_wait3A = arith.constant 0 : i32
        %dma_wait3A_211 = tpu.memref_slice %arg4[%scan3A_206, %dma_wait3A] : memref<80x128xi32, #tpu.memory_space<vmem>> -> memref<1x128xi32, #tpu.memory_space<vmem>>
        %dma_wait3A_212 = tpu.memref_squeeze %dma_wait3A_211 : memref<1x128xi32, #tpu.memory_space<vmem>> -> memref<128xi32, #tpu.memory_space<vmem>>
        %dma_wait3A_213 = arith.constant 0 : i32
        %dma_wait3A_214 = tpu.memref_slice %arg7[%dma_wait3A_213] : memref<10240xf32, #tpu.memory_space<vmem_shared>> -> memref<10240xf32, #tpu.memory_space<vmem_shared>>
        tpu.wait_indirect_dma semaphore(%run_scoped3A : memref<!tpu.dma_semaphore, #tpu.memory_space<semaphore_mem>>) src(%arg5 : memref<128xf32, #tpu.memory_space<vmem>>) dst(%dma_wait3A_214 : memref<10240xf32, #tpu.memory_space<vmem_shared>>)
        tpu.yield
      }) : () -> ()
    }
    %scan3A_201 = arith.constant 79 : i32
    %barrier3A_202 = arith.constant 0 : index
    tpu.barrier barrier_id(%barrier3A_202)
    %mul3A_203 = arith.constant 8 : i32
    %mul3A_204 = arith.muli %arg0, %mul3A_203 : i32
    %multiple_of3A_205 = tpu.assume_multiple %mul3A_204, 8 : i32
    "tpu.region"() ({
      %run_scoped3A = tpu.sem_alloc : memref<!tpu.dma_semaphore, #tpu.memory_space<semaphore_mem>>
      %dma_start3A = tpu.memref_slice %arg3[%multiple_of3A_205, %multiple_of3A] : memref<16x10240xf32, #tpu.memory_space<hbm>> -> memref<1x640xf32, #tpu.memory_space<hbm>>
      %dma_start3A_206 = tpu.memref_squeeze %dma_start3A : memref<1x640xf32, #tpu.memory_space<hbm>> -> memref<640xf32, #tpu.memory_space<hbm>>
      %dma_start3A_207 = tpu.memref_slice %arg7[%multiple_of3A] : memref<10240xf32, #tpu.memory_space<vmem_shared>> -> memref<640xf32, #tpu.memory_space<vmem_shared>>
      tpu.enqueue_dma source(%dma_start3A_207 : memref<640xf32, #tpu.memory_space<vmem_shared>>) target(%dma_start3A_206 : memref<640xf32, #tpu.memory_space<hbm>>) target_semaphore(%run_scoped3A : memref<!tpu.dma_semaphore, #tpu.memory_space<semaphore_mem>>)
      %dma_wait3A = tpu.memref_slice %arg3[%multiple_of3A_205, %multiple_of3A] : memref<16x10240xf32, #tpu.memory_space<hbm>> -> memref<1x640xf32, #tpu.memory_space<hbm>>
      %dma_wait3A_208 = tpu.memref_squeeze %dma_wait3A : memref<1x640xf32, #tpu.memory_space<hbm>> -> memref<640xf32, #tpu.memory_space<hbm>>
      %dma_wait3A_209 = tpu.memref_slice %arg7[%multiple_of3A] : memref<10240xf32, #tpu.memory_space<vmem_shared>> -> memref<640xf32, #tpu.memory_space<vmem_shared>>
      tpu.wait_dma2 semaphore(%run_scoped3A : memref<!tpu.dma_semaphore, #tpu.memory_space<semaphore_mem>>) src(%dma_wait3A_209 : memref<640xf32, #tpu.memory_space<vmem_shared>>) dst(%dma_wait3A_208 : memref<640xf32, #tpu.memory_space<hbm>>)
      tpu.yield
    }) : () -> ()
    return
  }
}

#map = affine_map<(d0, d1) -> (0, 0, 0)>
#map1 = affine_map<(d0, d1) -> (0, 0)>
module attributes {stable_mosaic.version = 14 : i64} {
  func.func @_agg_body(%arg0: i32, %arg1: i32, %arg2: memref<32x160x64xi32, #tpu.memory_space<hbm>>, %arg3: memref<10240x128xf32, #tpu.memory_space<hbm>>, %arg4: memref<2x10240x128xf32, #tpu.memory_space<hbm>>, %arg5: memref<160x64xi32, #tpu.memory_space<vmem>>, %arg6: memref<3x64xi32, #tpu.memory_space<vmem>>, %arg7: memref<3x64xi32, #tpu.memory_space<vmem>>, %arg8: memref<3x64x128xf32, #tpu.memory_space<vmem>>, %arg9: memref<3x!tpu.dma_semaphore, #tpu.memory_space<semaphore_mem>>, %arg10: memref<3x!tpu.dma_semaphore, #tpu.memory_space<semaphore_mem>>, %arg11: memref<3x!tpu.dma_semaphore, #tpu.memory_space<semaphore_mem>>, %arg12: memref<!tpu.dma_semaphore, #tpu.memory_space<semaphore_mem>>, %arg13: memref<10240x128xf32, #tpu.memory_space<vmem_shared>>) attributes {dimension_semantics = [#tpu.dimension_semantics<core_parallel>, #tpu.dimension_semantics<subcore_parallel>], iteration_bounds = array<i64: 2, 16>, scalar_prefetch = 0 : i64, scratch_operands = 9 : i64, tpu.core_type = #tpu.core_type<sc_vector_subcore>, window_params = [{transform_indices = #map}, {transform_indices = #map1}, {transform_indices = #map}]} {
    %mul3A = arith.constant 16 : i32
    %mul3A_0 = arith.muli %arg0, %mul3A : i32
    %add3A = arith.addi %mul3A_0, %arg1 : i32
    %mul3A_1 = arith.constant 640 : i32
    %mul3A_2 = arith.muli %arg1, %mul3A_1 : i32
    %multiple_of3A = tpu.assume_multiple %mul3A_2, 640 : i32
    %broadcast_in_dim3A = arith.constant 0.000000e+00 : f32
    %broadcast_in_dim3A_3 = vector.broadcast %broadcast_in_dim3A : f32 to vector<16xf32>
    %scan3A = arith.constant 0 : i32
    %scan3A_4 = arith.constant 0 : i32
    %scan3A_5 = arith.constant 64 : i32
    %scan3A_6 = arith.addi %scan3A_4, %scan3A_5 : i32
    %scan3A_7 = arith.constant 1 : i32
    scf.for %scan3A_335 = %scan3A_4 to %scan3A_6 step %scan3A_7  : i32 {
      %swap3A = arith.constant 0 : i32
      %swap3A_336 = arith.index_cast %swap3A : i32 to index
      %swap3A_337 = arith.index_cast %scan3A_335 : i32 to index
      %swap3A_338 = arith.constant 0 : index
      %swap3A_339 = tpu.vector_load %arg8[%swap3A_336, %swap3A_337, %swap3A_338] {strides = array<i32>} : memref<3x64x128xf32, #tpu.memory_space<vmem>>, vector<1x1x16xf32>,
      %swap3A_340 = vector.shape_cast %swap3A_339 : vector<1x1x16xf32> to vector<16xf32>
      %swap3A_341 = vector.shape_cast %broadcast_in_dim3A_3 : vector<16xf32> to vector<1x1x16xf32>
      tpu.vector_store %arg8[%swap3A_336, %swap3A_337, %swap3A_338], %swap3A_341 {strides = array<i32>} : memref<3x64x128xf32, #tpu.memory_space<vmem>>, vector<1x1x16xf32>,
      %swap3A_342 = arith.constant 0 : i32
      %swap3A_343 = arith.index_cast %swap3A_342 : i32 to index
      %swap3A_344 = arith.index_cast %scan3A_335 : i32 to index
      %swap3A_345 = arith.constant 16 : index
      %swap3A_346 = tpu.vector_load %arg8[%swap3A_343, %swap3A_344, %swap3A_345] {strides = array<i32>} : memref<3x64x128xf32, #tpu.memory_space<vmem>>, vector<1x1x16xf32>,
      %swap3A_347 = vector.shape_cast %swap3A_346 : vector<1x1x16xf32> to vector<16xf32>
      %swap3A_348 = vector.shape_cast %broadcast_in_dim3A_3 : vector<16xf32> to vector<1x1x16xf32>
      tpu.vector_store %arg8[%swap3A_343, %swap3A_344, %swap3A_345], %swap3A_348 {strides = array<i32>} : memref<3x64x128xf32, #tpu.memory_space<vmem>>, vector<1x1x16xf32>,
      %swap3A_349 = arith.constant 0 : i32
      %swap3A_350 = arith.index_cast %swap3A_349 : i32 to index
      %swap3A_351 = arith.index_cast %scan3A_335 : i32 to index
      %swap3A_352 = arith.constant 32 : index
      %swap3A_353 = tpu.vector_load %arg8[%swap3A_350, %swap3A_351, %swap3A_352] {strides = array<i32>} : memref<3x64x128xf32, #tpu.memory_space<vmem>>, vector<1x1x16xf32>,
      %swap3A_354 = vector.shape_cast %swap3A_353 : vector<1x1x16xf32> to vector<16xf32>
      %swap3A_355 = vector.shape_cast %broadcast_in_dim3A_3 : vector<16xf32> to vector<1x1x16xf32>
      tpu.vector_store %arg8[%swap3A_350, %swap3A_351, %swap3A_352], %swap3A_355 {strides = array<i32>} : memref<3x64x128xf32, #tpu.memory_space<vmem>>, vector<1x1x16xf32>,
      %swap3A_356 = arith.constant 0 : i32
      %swap3A_357 = arith.index_cast %swap3A_356 : i32 to index
      %swap3A_358 = arith.index_cast %scan3A_335 : i32 to index
      %swap3A_359 = arith.constant 48 : index
      %swap3A_360 = tpu.vector_load %arg8[%swap3A_357, %swap3A_358, %swap3A_359] {strides = array<i32>} : memref<3x64x128xf32, #tpu.memory_space<vmem>>, vector<1x1x16xf32>,
      %swap3A_361 = vector.shape_cast %swap3A_360 : vector<1x1x16xf32> to vector<16xf32>
      %swap3A_362 = vector.shape_cast %broadcast_in_dim3A_3 : vector<16xf32> to vector<1x1x16xf32>
      tpu.vector_store %arg8[%swap3A_357, %swap3A_358, %swap3A_359], %swap3A_362 {strides = array<i32>} : memref<3x64x128xf32, #tpu.memory_space<vmem>>, vector<1x1x16xf32>,
      %swap3A_363 = arith.constant 0 : i32
      %swap3A_364 = arith.index_cast %swap3A_363 : i32 to index
      %swap3A_365 = arith.index_cast %scan3A_335 : i32 to index
      %swap3A_366 = arith.constant 64 : index
      %swap3A_367 = tpu.vector_load %arg8[%swap3A_364, %swap3A_365, %swap3A_366] {strides = array<i32>} : memref<3x64x128xf32, #tpu.memory_space<vmem>>, vector<1x1x16xf32>,
      %swap3A_368 = vector.shape_cast %swap3A_367 : vector<1x1x16xf32> to vector<16xf32>
      %swap3A_369 = vector.shape_cast %broadcast_in_dim3A_3 : vector<16xf32> to vector<1x1x16xf32>
      tpu.vector_store %arg8[%swap3A_364, %swap3A_365, %swap3A_366], %swap3A_369 {strides = array<i32>} : memref<3x64x128xf32, #tpu.memory_space<vmem>>, vector<1x1x16xf32>,
      %swap3A_370 = arith.constant 0 : i32
      %swap3A_371 = arith.index_cast %swap3A_370 : i32 to index
      %swap3A_372 = arith.index_cast %scan3A_335 : i32 to index
      %swap3A_373 = arith.constant 80 : index
      %swap3A_374 = tpu.vector_load %arg8[%swap3A_371, %swap3A_372, %swap3A_373] {strides = array<i32>} : memref<3x64x128xf32, #tpu.memory_space<vmem>>, vector<1x1x16xf32>,
      %swap3A_375 = vector.shape_cast %swap3A_374 : vector<1x1x16xf32> to vector<16xf32>
      %swap3A_376 = vector.shape_cast %broadcast_in_dim3A_3 : vector<16xf32> to vector<1x1x16xf32>
      tpu.vector_store %arg8[%swap3A_371, %swap3A_372, %swap3A_373], %swap3A_376 {strides = array<i32>} : memref<3x64x128xf32, #tpu.memory_space<vmem>>, vector<1x1x16xf32>,
      %swap3A_377 = arith.constant 0 : i32
      %swap3A_378 = arith.index_cast %swap3A_377 : i32 to index
      %swap3A_379 = arith.index_cast %scan3A_335 : i32 to index
      %swap3A_380 = arith.constant 96 : index
      %swap3A_381 = tpu.vector_load %arg8[%swap3A_378, %swap3A_379, %swap3A_380] {strides = array<i32>} : memref<3x64x128xf32, #tpu.memory_space<vmem>>, vector<1x1x16xf32>,
      %swap3A_382 = vector.shape_cast %swap3A_381 : vector<1x1x16xf32> to vector<16xf32>
      %swap3A_383 = vector.shape_cast %broadcast_in_dim3A_3 : vector<16xf32> to vector<1x1x16xf32>
      tpu.vector_store %arg8[%swap3A_378, %swap3A_379, %swap3A_380], %swap3A_383 {strides = array<i32>} : memref<3x64x128xf32, #tpu.memory_space<vmem>>, vector<1x1x16xf32>,
      %swap3A_384 = arith.constant 0 : i32
      %swap3A_385 = arith.index_cast %swap3A_384 : i32 to index
      %swap3A_386 = arith.index_cast %scan3A_335 : i32 to index
      %swap3A_387 = arith.constant 112 : index
      %swap3A_388 = tpu.vector_load %arg8[%swap3A_385, %swap3A_386, %swap3A_387] {strides = array<i32>} : memref<3x64x128xf32, #tpu.memory_space<vmem>>, vector<1x1x16xf32>,
      %swap3A_389 = vector.shape_cast %swap3A_388 : vector<1x1x16xf32> to vector<16xf32>
      %swap3A_390 = vector.shape_cast %broadcast_in_dim3A_3 : vector<16xf32> to vector<1x1x16xf32>
      tpu.vector_store %arg8[%swap3A_385, %swap3A_386, %swap3A_387], %swap3A_390 {strides = array<i32>} : memref<3x64x128xf32, #tpu.memory_space<vmem>>, vector<1x1x16xf32>,
    }
    %scan3A_8 = arith.constant 64 : i32
    %add3A_9 = arith.constant 0 : i32
    %add3A_10 = arith.addi %multiple_of3A, %add3A_9 : i32
    %dma_start3A = arith.constant 0 : i32
    %dma_start3A_11 = arith.constant 0 : i32
    %dma_start3A_12 = arith.constant 0 : i32
    %dma_start3A_13 = tpu.memref_slice %arg8[%dma_start3A, %dma_start3A_11, %dma_start3A_12] : memref<3x64x128xf32, #tpu.memory_space<vmem>> -> memref<1x64x128xf32, #tpu.memory_space<vmem>>
    %dma_start3A_14 = tpu.memref_squeeze %dma_start3A_13 : memref<1x64x128xf32, #tpu.memory_space<vmem>> -> memref<64x128xf32, #tpu.memory_space<vmem>>
    %dma_start3A_15 = arith.constant 0 : i32
    %dma_start3A_16 = tpu.memref_slice %arg13[%add3A_10, %dma_start3A_15] : memref<10240x128xf32, #tpu.memory_space<vmem_shared>> -> memref<64x128xf32, #tpu.memory_space<vmem_shared>>
    %dma_start3A_17 = arith.constant 0 : i32
    %dma_start3A_18 = tpu.memref_slice %arg13[%add3A_10, %dma_start3A_17] : memref<10240x128xf32, #tpu.memory_space<vmem_shared>> -> memref<64x128xf32, #tpu.memory_space<vmem_shared>>
    %dma_start3A_19 = arith.constant 0 : i32
    %dma_start3A_20 = arith.constant 0 : i32
    %dma_start3A_21 = tpu.memref_slice %arg8[%dma_start3A, %dma_start3A_19, %dma_start3A_20] : memref<3x64x128xf32, #tpu.memory_space<vmem>> -> memref<1x64x128xf32, #tpu.memory_space<vmem>>
    %dma_start3A_22 = tpu.memref_squeeze %dma_start3A_21 : memref<1x64x128xf32, #tpu.memory_space<vmem>> -> memref<64x128xf32, #tpu.memory_space<vmem>>
    tpu.enqueue_dma source(%dma_start3A_22 : memref<64x128xf32, #tpu.memory_space<vmem>>) target(%dma_start3A_18 : memref<64x128xf32, #tpu.memory_space<vmem_shared>>) target_semaphore(%arg12 : memref<!tpu.dma_semaphore, #tpu.memory_space<semaphore_mem>>)
    %add3A_23 = arith.constant 64 : i32
    %add3A_24 = arith.addi %multiple_of3A, %add3A_23 : i32
    %dma_start3A_25 = arith.constant 0 : i32
    %dma_start3A_26 = arith.constant 0 : i32
    %dma_start3A_27 = arith.constant 0 : i32
    %dma_start3A_28 = tpu.memref_slice %arg8[%dma_start3A_25, %dma_start3A_26, %dma_start3A_27] : memref<3x64x128xf32, #tpu.memory_space<vmem>> -> memref<1x64x128xf32, #tpu.memory_space<vmem>>
    %dma_start3A_29 = tpu.memref_squeeze %dma_start3A_28 : memref<1x64x128xf32, #tpu.memory_space<vmem>> -> memref<64x128xf32, #tpu.memory_space<vmem>>
    %dma_start3A_30 = arith.constant 0 : i32
    %dma_start3A_31 = tpu.memref_slice %arg13[%add3A_24, %dma_start3A_30] : memref<10240x128xf32, #tpu.memory_space<vmem_shared>> -> memref<64x128xf32, #tpu.memory_space<vmem_shared>>
    %dma_start3A_32 = arith.constant 0 : i32
    %dma_start3A_33 = tpu.memref_slice %arg13[%add3A_24, %dma_start3A_32] : memref<10240x128xf32, #tpu.memory_space<vmem_shared>> -> memref<64x128xf32, #tpu.memory_space<vmem_shared>>
    %dma_start3A_34 = arith.constant 0 : i32
    %dma_start3A_35 = arith.constant 0 : i32
    %dma_start3A_36 = tpu.memref_slice %arg8[%dma_start3A_25, %dma_start3A_34, %dma_start3A_35] : memref<3x64x128xf32, #tpu.memory_space<vmem>> -> memref<1x64x128xf32, #tpu.memory_space<vmem>>
    %dma_start3A_37 = tpu.memref_squeeze %dma_start3A_36 : memref<1x64x128xf32, #tpu.memory_space<vmem>> -> memref<64x128xf32, #tpu.memory_space<vmem>>
    tpu.enqueue_dma source(%dma_start3A_37 : memref<64x128xf32, #tpu.memory_space<vmem>>) target(%dma_start3A_33 : memref<64x128xf32, #tpu.memory_space<vmem_shared>>) target_semaphore(%arg12 : memref<!tpu.dma_semaphore, #tpu.memory_space<semaphore_mem>>)
    %add3A_38 = arith.constant 128 : i32
    %add3A_39 = arith.addi %multiple_of3A, %add3A_38 : i32
    %dma_start3A_40 = arith.constant 0 : i32
    %dma_start3A_41 = arith.constant 0 : i32
    %dma_start3A_42 = arith.constant 0 : i32
    %dma_start3A_43 = tpu.memref_slice %arg8[%dma_start3A_40, %dma_start3A_41, %dma_start3A_42] : memref<3x64x128xf32, #tpu.memory_space<vmem>> -> memref<1x64x128xf32, #tpu.memory_space<vmem>>
    %dma_start3A_44 = tpu.memref_squeeze %dma_start3A_43 : memref<1x64x128xf32, #tpu.memory_space<vmem>> -> memref<64x128xf32, #tpu.memory_space<vmem>>
    %dma_start3A_45 = arith.constant 0 : i32
    %dma_start3A_46 = tpu.memref_slice %arg13[%add3A_39, %dma_start3A_45] : memref<10240x128xf32, #tpu.memory_space<vmem_shared>> -> memref<64x128xf32, #tpu.memory_space<vmem_shared>>
    %dma_start3A_47 = arith.constant 0 : i32
    %dma_start3A_48 = tpu.memref_slice %arg13[%add3A_39, %dma_start3A_47] : memref<10240x128xf32, #tpu.memory_space<vmem_shared>> -> memref<64x128xf32, #tpu.memory_space<vmem_shared>>
    %dma_start3A_49 = arith.constant 0 : i32
    %dma_start3A_50 = arith.constant 0 : i32
    %dma_start3A_51 = tpu.memref_slice %arg8[%dma_start3A_40, %dma_start3A_49, %dma_start3A_50] : memref<3x64x128xf32, #tpu.memory_space<vmem>> -> memref<1x64x128xf32, #tpu.memory_space<vmem>>
    %dma_start3A_52 = tpu.memref_squeeze %dma_start3A_51 : memref<1x64x128xf32, #tpu.memory_space<vmem>> -> memref<64x128xf32, #tpu.memory_space<vmem>>
    tpu.enqueue_dma source(%dma_start3A_52 : memref<64x128xf32, #tpu.memory_space<vmem>>) target(%dma_start3A_48 : memref<64x128xf32, #tpu.memory_space<vmem_shared>>) target_semaphore(%arg12 : memref<!tpu.dma_semaphore, #tpu.memory_space<semaphore_mem>>)
    %add3A_53 = arith.constant 192 : i32
    %add3A_54 = arith.addi %multiple_of3A, %add3A_53 : i32
    %dma_start3A_55 = arith.constant 0 : i32
    %dma_start3A_56 = arith.constant 0 : i32
    %dma_start3A_57 = arith.constant 0 : i32
    %dma_start3A_58 = tpu.memref_slice %arg8[%dma_start3A_55, %dma_start3A_56, %dma_start3A_57] : memref<3x64x128xf32, #tpu.memory_space<vmem>> -> memref<1x64x128xf32, #tpu.memory_space<vmem>>
    %dma_start3A_59 = tpu.memref_squeeze %dma_start3A_58 : memref<1x64x128xf32, #tpu.memory_space<vmem>> -> memref<64x128xf32, #tpu.memory_space<vmem>>
    %dma_start3A_60 = arith.constant 0 : i32
    %dma_start3A_61 = tpu.memref_slice %arg13[%add3A_54, %dma_start3A_60] : memref<10240x128xf32, #tpu.memory_space<vmem_shared>> -> memref<64x128xf32, #tpu.memory_space<vmem_shared>>
    %dma_start3A_62 = arith.constant 0 : i32
    %dma_start3A_63 = tpu.memref_slice %arg13[%add3A_54, %dma_start3A_62] : memref<10240x128xf32, #tpu.memory_space<vmem_shared>> -> memref<64x128xf32, #tpu.memory_space<vmem_shared>>
    %dma_start3A_64 = arith.constant 0 : i32
    %dma_start3A_65 = arith.constant 0 : i32
    %dma_start3A_66 = tpu.memref_slice %arg8[%dma_start3A_55, %dma_start3A_64, %dma_start3A_65] : memref<3x64x128xf32, #tpu.memory_space<vmem>> -> memref<1x64x128xf32, #tpu.memory_space<vmem>>
    %dma_start3A_67 = tpu.memref_squeeze %dma_start3A_66 : memref<1x64x128xf32, #tpu.memory_space<vmem>> -> memref<64x128xf32, #tpu.memory_space<vmem>>
    tpu.enqueue_dma source(%dma_start3A_67 : memref<64x128xf32, #tpu.memory_space<vmem>>) target(%dma_start3A_63 : memref<64x128xf32, #tpu.memory_space<vmem_shared>>) target_semaphore(%arg12 : memref<!tpu.dma_semaphore, #tpu.memory_space<semaphore_mem>>)
    %add3A_68 = arith.constant 256 : i32
    %add3A_69 = arith.addi %multiple_of3A, %add3A_68 : i32
    %dma_start3A_70 = arith.constant 0 : i32
    %dma_start3A_71 = arith.constant 0 : i32
    %dma_start3A_72 = arith.constant 0 : i32
    %dma_start3A_73 = tpu.memref_slice %arg8[%dma_start3A_70, %dma_start3A_71, %dma_start3A_72] : memref<3x64x128xf32, #tpu.memory_space<vmem>> -> memref<1x64x128xf32, #tpu.memory_space<vmem>>
    %dma_start3A_74 = tpu.memref_squeeze %dma_start3A_73 : memref<1x64x128xf32, #tpu.memory_space<vmem>> -> memref<64x128xf32, #tpu.memory_space<vmem>>
    %dma_start3A_75 = arith.constant 0 : i32
    %dma_start3A_76 = tpu.memref_slice %arg13[%add3A_69, %dma_start3A_75] : memref<10240x128xf32, #tpu.memory_space<vmem_shared>> -> memref<64x128xf32, #tpu.memory_space<vmem_shared>>
    %dma_start3A_77 = arith.constant 0 : i32
    %dma_start3A_78 = tpu.memref_slice %arg13[%add3A_69, %dma_start3A_77] : memref<10240x128xf32, #tpu.memory_space<vmem_shared>> -> memref<64x128xf32, #tpu.memory_space<vmem_shared>>
    %dma_start3A_79 = arith.constant 0 : i32
    %dma_start3A_80 = arith.constant 0 : i32
    %dma_start3A_81 = tpu.memref_slice %arg8[%dma_start3A_70, %dma_start3A_79, %dma_start3A_80] : memref<3x64x128xf32, #tpu.memory_space<vmem>> -> memref<1x64x128xf32, #tpu.memory_space<vmem>>
    %dma_start3A_82 = tpu.memref_squeeze %dma_start3A_81 : memref<1x64x128xf32, #tpu.memory_space<vmem>> -> memref<64x128xf32, #tpu.memory_space<vmem>>
    tpu.enqueue_dma source(%dma_start3A_82 : memref<64x128xf32, #tpu.memory_space<vmem>>) target(%dma_start3A_78 : memref<64x128xf32, #tpu.memory_space<vmem_shared>>) target_semaphore(%arg12 : memref<!tpu.dma_semaphore, #tpu.memory_space<semaphore_mem>>)
    %add3A_83 = arith.constant 320 : i32
    %add3A_84 = arith.addi %multiple_of3A, %add3A_83 : i32
    %dma_start3A_85 = arith.constant 0 : i32
    %dma_start3A_86 = arith.constant 0 : i32
    %dma_start3A_87 = arith.constant 0 : i32
    %dma_start3A_88 = tpu.memref_slice %arg8[%dma_start3A_85, %dma_start3A_86, %dma_start3A_87] : memref<3x64x128xf32, #tpu.memory_space<vmem>> -> memref<1x64x128xf32, #tpu.memory_space<vmem>>
    %dma_start3A_89 = tpu.memref_squeeze %dma_start3A_88 : memref<1x64x128xf32, #tpu.memory_space<vmem>> -> memref<64x128xf32, #tpu.memory_space<vmem>>
    %dma_start3A_90 = arith.constant 0 : i32
    %dma_start3A_91 = tpu.memref_slice %arg13[%add3A_84, %dma_start3A_90] : memref<10240x128xf32, #tpu.memory_space<vmem_shared>> -> memref<64x128xf32, #tpu.memory_space<vmem_shared>>
    %dma_start3A_92 = arith.constant 0 : i32
    %dma_start3A_93 = tpu.memref_slice %arg13[%add3A_84, %dma_start3A_92] : memref<10240x128xf32, #tpu.memory_space<vmem_shared>> -> memref<64x128xf32, #tpu.memory_space<vmem_shared>>
    %dma_start3A_94 = arith.constant 0 : i32
    %dma_start3A_95 = arith.constant 0 : i32
    %dma_start3A_96 = tpu.memref_slice %arg8[%dma_start3A_85, %dma_start3A_94, %dma_start3A_95] : memref<3x64x128xf32, #tpu.memory_space<vmem>> -> memref<1x64x128xf32, #tpu.memory_space<vmem>>
    %dma_start3A_97 = tpu.memref_squeeze %dma_start3A_96 : memref<1x64x128xf32, #tpu.memory_space<vmem>> -> memref<64x128xf32, #tpu.memory_space<vmem>>
    tpu.enqueue_dma source(%dma_start3A_97 : memref<64x128xf32, #tpu.memory_space<vmem>>) target(%dma_start3A_93 : memref<64x128xf32, #tpu.memory_space<vmem_shared>>) target_semaphore(%arg12 : memref<!tpu.dma_semaphore, #tpu.memory_space<semaphore_mem>>)
    %add3A_98 = arith.constant 384 : i32
    %add3A_99 = arith.addi %multiple_of3A, %add3A_98 : i32
    %dma_start3A_100 = arith.constant 0 : i32
    %dma_start3A_101 = arith.constant 0 : i32
    %dma_start3A_102 = arith.constant 0 : i32
    %dma_start3A_103 = tpu.memref_slice %arg8[%dma_start3A_100, %dma_start3A_101, %dma_start3A_102] : memref<3x64x128xf32, #tpu.memory_space<vmem>> -> memref<1x64x128xf32, #tpu.memory_space<vmem>>
    %dma_start3A_104 = tpu.memref_squeeze %dma_start3A_103 : memref<1x64x128xf32, #tpu.memory_space<vmem>> -> memref<64x128xf32, #tpu.memory_space<vmem>>
    %dma_start3A_105 = arith.constant 0 : i32
    %dma_start3A_106 = tpu.memref_slice %arg13[%add3A_99, %dma_start3A_105] : memref<10240x128xf32, #tpu.memory_space<vmem_shared>> -> memref<64x128xf32, #tpu.memory_space<vmem_shared>>
    %dma_start3A_107 = arith.constant 0 : i32
    %dma_start3A_108 = tpu.memref_slice %arg13[%add3A_99, %dma_start3A_107] : memref<10240x128xf32, #tpu.memory_space<vmem_shared>> -> memref<64x128xf32, #tpu.memory_space<vmem_shared>>
    %dma_start3A_109 = arith.constant 0 : i32
    %dma_start3A_110 = arith.constant 0 : i32
    %dma_start3A_111 = tpu.memref_slice %arg8[%dma_start3A_100, %dma_start3A_109, %dma_start3A_110] : memref<3x64x128xf32, #tpu.memory_space<vmem>> -> memref<1x64x128xf32, #tpu.memory_space<vmem>>
    %dma_start3A_112 = tpu.memref_squeeze %dma_start3A_111 : memref<1x64x128xf32, #tpu.memory_space<vmem>> -> memref<64x128xf32, #tpu.memory_space<vmem>>
    tpu.enqueue_dma source(%dma_start3A_112 : memref<64x128xf32, #tpu.memory_space<vmem>>) target(%dma_start3A_108 : memref<64x128xf32, #tpu.memory_space<vmem_shared>>) target_semaphore(%arg12 : memref<!tpu.dma_semaphore, #tpu.memory_space<semaphore_mem>>)
    %add3A_113 = arith.constant 448 : i32
    %add3A_114 = arith.addi %multiple_of3A, %add3A_113 : i32
    %dma_start3A_115 = arith.constant 0 : i32
    %dma_start3A_116 = arith.constant 0 : i32
    %dma_start3A_117 = arith.constant 0 : i32
    %dma_start3A_118 = tpu.memref_slice %arg8[%dma_start3A_115, %dma_start3A_116, %dma_start3A_117] : memref<3x64x128xf32, #tpu.memory_space<vmem>> -> memref<1x64x128xf32, #tpu.memory_space<vmem>>
    %dma_start3A_119 = tpu.memref_squeeze %dma_start3A_118 : memref<1x64x128xf32, #tpu.memory_space<vmem>> -> memref<64x128xf32, #tpu.memory_space<vmem>>
    %dma_start3A_120 = arith.constant 0 : i32
    %dma_start3A_121 = tpu.memref_slice %arg13[%add3A_114, %dma_start3A_120] : memref<10240x128xf32, #tpu.memory_space<vmem_shared>> -> memref<64x128xf32, #tpu.memory_space<vmem_shared>>
    %dma_start3A_122 = arith.constant 0 : i32
    %dma_start3A_123 = tpu.memref_slice %arg13[%add3A_114, %dma_start3A_122] : memref<10240x128xf32, #tpu.memory_space<vmem_shared>> -> memref<64x128xf32, #tpu.memory_space<vmem_shared>>
    %dma_start3A_124 = arith.constant 0 : i32
    %dma_start3A_125 = arith.constant 0 : i32
    %dma_start3A_126 = tpu.memref_slice %arg8[%dma_start3A_115, %dma_start3A_124, %dma_start3A_125] : memref<3x64x128xf32, #tpu.memory_space<vmem>> -> memref<1x64x128xf32, #tpu.memory_space<vmem>>
    %dma_start3A_127 = tpu.memref_squeeze %dma_start3A_126 : memref<1x64x128xf32, #tpu.memory_space<vmem>> -> memref<64x128xf32, #tpu.memory_space<vmem>>
    tpu.enqueue_dma source(%dma_start3A_127 : memref<64x128xf32, #tpu.memory_space<vmem>>) target(%dma_start3A_123 : memref<64x128xf32, #tpu.memory_space<vmem_shared>>) target_semaphore(%arg12 : memref<!tpu.dma_semaphore, #tpu.memory_space<semaphore_mem>>)
    %add3A_128 = arith.constant 512 : i32
    %add3A_129 = arith.addi %multiple_of3A, %add3A_128 : i32
    %dma_start3A_130 = arith.constant 0 : i32
    %dma_start3A_131 = arith.constant 0 : i32
    %dma_start3A_132 = arith.constant 0 : i32
    %dma_start3A_133 = tpu.memref_slice %arg8[%dma_start3A_130, %dma_start3A_131, %dma_start3A_132] : memref<3x64x128xf32, #tpu.memory_space<vmem>> -> memref<1x64x128xf32, #tpu.memory_space<vmem>>
    %dma_start3A_134 = tpu.memref_squeeze %dma_start3A_133 : memref<1x64x128xf32, #tpu.memory_space<vmem>> -> memref<64x128xf32, #tpu.memory_space<vmem>>
    %dma_start3A_135 = arith.constant 0 : i32
    %dma_start3A_136 = tpu.memref_slice %arg13[%add3A_129, %dma_start3A_135] : memref<10240x128xf32, #tpu.memory_space<vmem_shared>> -> memref<64x128xf32, #tpu.memory_space<vmem_shared>>
    %dma_start3A_137 = arith.constant 0 : i32
    %dma_start3A_138 = tpu.memref_slice %arg13[%add3A_129, %dma_start3A_137] : memref<10240x128xf32, #tpu.memory_space<vmem_shared>> -> memref<64x128xf32, #tpu.memory_space<vmem_shared>>
    %dma_start3A_139 = arith.constant 0 : i32
    %dma_start3A_140 = arith.constant 0 : i32
    %dma_start3A_141 = tpu.memref_slice %arg8[%dma_start3A_130, %dma_start3A_139, %dma_start3A_140] : memref<3x64x128xf32, #tpu.memory_space<vmem>> -> memref<1x64x128xf32, #tpu.memory_space<vmem>>
    %dma_start3A_142 = tpu.memref_squeeze %dma_start3A_141 : memref<1x64x128xf32, #tpu.memory_space<vmem>> -> memref<64x128xf32, #tpu.memory_space<vmem>>
    tpu.enqueue_dma source(%dma_start3A_142 : memref<64x128xf32, #tpu.memory_space<vmem>>) target(%dma_start3A_138 : memref<64x128xf32, #tpu.memory_space<vmem_shared>>) target_semaphore(%arg12 : memref<!tpu.dma_semaphore, #tpu.memory_space<semaphore_mem>>)
    %add3A_143 = arith.constant 576 : i32
    %add3A_144 = arith.addi %multiple_of3A, %add3A_143 : i32
    %dma_start3A_145 = arith.constant 0 : i32
    %dma_start3A_146 = arith.constant 0 : i32
    %dma_start3A_147 = arith.constant 0 : i32
    %dma_start3A_148 = tpu.memref_slice %arg8[%dma_start3A_145, %dma_start3A_146, %dma_start3A_147] : memref<3x64x128xf32, #tpu.memory_space<vmem>> -> memref<1x64x128xf32, #tpu.memory_space<vmem>>
    %dma_start3A_149 = tpu.memref_squeeze %dma_start3A_148 : memref<1x64x128xf32, #tpu.memory_space<vmem>> -> memref<64x128xf32, #tpu.memory_space<vmem>>
    %dma_start3A_150 = arith.constant 0 : i32
    %dma_start3A_151 = tpu.memref_slice %arg13[%add3A_144, %dma_start3A_150] : memref<10240x128xf32, #tpu.memory_space<vmem_shared>> -> memref<64x128xf32, #tpu.memory_space<vmem_shared>>
    %dma_start3A_152 = arith.constant 0 : i32
    %dma_start3A_153 = tpu.memref_slice %arg13[%add3A_144, %dma_start3A_152] : memref<10240x128xf32, #tpu.memory_space<vmem_shared>> -> memref<64x128xf32, #tpu.memory_space<vmem_shared>>
    %dma_start3A_154 = arith.constant 0 : i32
    %dma_start3A_155 = arith.constant 0 : i32
    %dma_start3A_156 = tpu.memref_slice %arg8[%dma_start3A_145, %dma_start3A_154, %dma_start3A_155] : memref<3x64x128xf32, #tpu.memory_space<vmem>> -> memref<1x64x128xf32, #tpu.memory_space<vmem>>
    %dma_start3A_157 = tpu.memref_squeeze %dma_start3A_156 : memref<1x64x128xf32, #tpu.memory_space<vmem>> -> memref<64x128xf32, #tpu.memory_space<vmem>>
    tpu.enqueue_dma source(%dma_start3A_157 : memref<64x128xf32, #tpu.memory_space<vmem>>) target(%dma_start3A_153 : memref<64x128xf32, #tpu.memory_space<vmem_shared>>) target_semaphore(%arg12 : memref<!tpu.dma_semaphore, #tpu.memory_space<semaphore_mem>>)
    "tpu.region"() ({
      %run_scoped3A = tpu.sem_alloc : memref<!tpu.dma_semaphore, #tpu.memory_space<semaphore_mem>>
      %dma_start3A_335 = arith.constant 0 : i32
      %dma_start3A_336 = arith.constant 0 : i32
      %dma_start3A_337 = tpu.memref_slice %arg2[%add3A, %dma_start3A_335, %dma_start3A_336] : memref<32x160x64xi32, #tpu.memory_space<hbm>> -> memref<1x160x64xi32, #tpu.memory_space<hbm>>
      %dma_start3A_338 = tpu.memref_squeeze %dma_start3A_337 : memref<1x160x64xi32, #tpu.memory_space<hbm>> -> memref<160x64xi32, #tpu.memory_space<hbm>>
      %dma_start3A_339 = arith.constant 0 : i32
      %dma_start3A_340 = arith.constant 0 : i32
      %dma_start3A_341 = tpu.memref_slice %arg2[%add3A, %dma_start3A_339, %dma_start3A_340] : memref<32x160x64xi32, #tpu.memory_space<hbm>> -> memref<1x160x64xi32, #tpu.memory_space<hbm>>
      %dma_start3A_342 = tpu.memref_squeeze %dma_start3A_341 : memref<1x160x64xi32, #tpu.memory_space<hbm>> -> memref<160x64xi32, #tpu.memory_space<hbm>>
      tpu.enqueue_dma source(%dma_start3A_342 : memref<160x64xi32, #tpu.memory_space<hbm>>) target(%arg5 : memref<160x64xi32, #tpu.memory_space<vmem>>) target_semaphore(%run_scoped3A : memref<!tpu.dma_semaphore, #tpu.memory_space<semaphore_mem>>)
      %dma_wait3A_343 = arith.constant 0 : i32
      %dma_wait3A_344 = arith.constant 0 : i32
      %dma_wait3A_345 = tpu.memref_slice %arg2[%add3A, %dma_wait3A_343, %dma_wait3A_344] : memref<32x160x64xi32, #tpu.memory_space<hbm>> -> memref<1x160x64xi32, #tpu.memory_space<hbm>>
      %dma_wait3A_346 = tpu.memref_squeeze %dma_wait3A_345 : memref<1x160x64xi32, #tpu.memory_space<hbm>> -> memref<160x64xi32, #tpu.memory_space<hbm>>
      %dma_wait3A_347 = arith.constant 0 : i32
      %dma_wait3A_348 = arith.constant 0 : i32
      %dma_wait3A_349 = tpu.memref_slice %arg2[%add3A, %dma_wait3A_347, %dma_wait3A_348] : memref<32x160x64xi32, #tpu.memory_space<hbm>> -> memref<1x160x64xi32, #tpu.memory_space<hbm>>
      %dma_wait3A_350 = tpu.memref_squeeze %dma_wait3A_349 : memref<1x160x64xi32, #tpu.memory_space<hbm>> -> memref<160x64xi32, #tpu.memory_space<hbm>>
      tpu.wait_dma2 semaphore(%run_scoped3A : memref<!tpu.dma_semaphore, #tpu.memory_space<semaphore_mem>>) src(%dma_wait3A_350 : memref<160x64xi32, #tpu.memory_space<hbm>>) dst(%arg5 : memref<160x64xi32, #tpu.memory_space<vmem>>)
      tpu.yield
    }) : () -> ()
    %add3A_158 = arith.constant 0 : i32
    %add3A_159 = arith.addi %multiple_of3A, %add3A_158 : i32
    %dma_wait3A = arith.constant 0 : i32
    %dma_wait3A_160 = arith.constant 0 : i32
    %dma_wait3A_161 = arith.constant 0 : i32
    %dma_wait3A_162 = tpu.memref_slice %arg8[%dma_wait3A, %dma_wait3A_160, %dma_wait3A_161] : memref<3x64x128xf32, #tpu.memory_space<vmem>> -> memref<1x64x128xf32, #tpu.memory_space<vmem>>
    %dma_wait3A_163 = tpu.memref_squeeze %dma_wait3A_162 : memref<1x64x128xf32, #tpu.memory_space<vmem>> -> memref<64x128xf32, #tpu.memory_space<vmem>>
    %dma_wait3A_164 = arith.constant 0 : i32
    %dma_wait3A_165 = tpu.memref_slice %arg13[%add3A_159, %dma_wait3A_164] : memref<10240x128xf32, #tpu.memory_space<vmem_shared>> -> memref<64x128xf32, #tpu.memory_space<vmem_shared>>
    %dma_wait3A_166 = arith.constant 0 : i32
    %dma_wait3A_167 = tpu.memref_slice %arg13[%add3A_159, %dma_wait3A_166] : memref<10240x128xf32, #tpu.memory_space<vmem_shared>> -> memref<64x128xf32, #tpu.memory_space<vmem_shared>>
    %dma_wait3A_168 = arith.constant 0 : i32
    %dma_wait3A_169 = arith.constant 0 : i32
    %dma_wait3A_170 = tpu.memref_slice %arg8[%dma_wait3A, %dma_wait3A_168, %dma_wait3A_169] : memref<3x64x128xf32, #tpu.memory_space<vmem>> -> memref<1x64x128xf32, #tpu.memory_space<vmem>>
    %dma_wait3A_171 = tpu.memref_squeeze %dma_wait3A_170 : memref<1x64x128xf32, #tpu.memory_space<vmem>> -> memref<64x128xf32, #tpu.memory_space<vmem>>
    tpu.wait_dma2 semaphore(%arg12 : memref<!tpu.dma_semaphore, #tpu.memory_space<semaphore_mem>>) src(%dma_wait3A_171 : memref<64x128xf32, #tpu.memory_space<vmem>>) dst(%dma_wait3A_167 : memref<64x128xf32, #tpu.memory_space<vmem_shared>>)
    %add3A_172 = arith.constant 64 : i32
    %add3A_173 = arith.addi %multiple_of3A, %add3A_172 : i32
    %dma_wait3A_174 = arith.constant 0 : i32
    %dma_wait3A_175 = arith.constant 0 : i32
    %dma_wait3A_176 = arith.constant 0 : i32
    %dma_wait3A_177 = tpu.memref_slice %arg8[%dma_wait3A_174, %dma_wait3A_175, %dma_wait3A_176] : memref<3x64x128xf32, #tpu.memory_space<vmem>> -> memref<1x64x128xf32, #tpu.memory_space<vmem>>
    %dma_wait3A_178 = tpu.memref_squeeze %dma_wait3A_177 : memref<1x64x128xf32, #tpu.memory_space<vmem>> -> memref<64x128xf32, #tpu.memory_space<vmem>>
    %dma_wait3A_179 = arith.constant 0 : i32
    %dma_wait3A_180 = tpu.memref_slice %arg13[%add3A_173, %dma_wait3A_179] : memref<10240x128xf32, #tpu.memory_space<vmem_shared>> -> memref<64x128xf32, #tpu.memory_space<vmem_shared>>
    %dma_wait3A_181 = arith.constant 0 : i32
    %dma_wait3A_182 = tpu.memref_slice %arg13[%add3A_173, %dma_wait3A_181] : memref<10240x128xf32, #tpu.memory_space<vmem_shared>> -> memref<64x128xf32, #tpu.memory_space<vmem_shared>>
    %dma_wait3A_183 = arith.constant 0 : i32
    %dma_wait3A_184 = arith.constant 0 : i32
    %dma_wait3A_185 = tpu.memref_slice %arg8[%dma_wait3A_174, %dma_wait3A_183, %dma_wait3A_184] : memref<3x64x128xf32, #tpu.memory_space<vmem>> -> memref<1x64x128xf32, #tpu.memory_space<vmem>>
    %dma_wait3A_186 = tpu.memref_squeeze %dma_wait3A_185 : memref<1x64x128xf32, #tpu.memory_space<vmem>> -> memref<64x128xf32, #tpu.memory_space<vmem>>
    tpu.wait_dma2 semaphore(%arg12 : memref<!tpu.dma_semaphore, #tpu.memory_space<semaphore_mem>>) src(%dma_wait3A_186 : memref<64x128xf32, #tpu.memory_space<vmem>>) dst(%dma_wait3A_182 : memref<64x128xf32, #tpu.memory_space<vmem_shared>>)
    %add3A_187 = arith.constant 128 : i32
    %add3A_188 = arith.addi %multiple_of3A, %add3A_187 : i32
    %dma_wait3A_189 = arith.constant 0 : i32
    %dma_wait3A_190 = arith.constant 0 : i32
    %dma_wait3A_191 = arith.constant 0 : i32
    %dma_wait3A_192 = tpu.memref_slice %arg8[%dma_wait3A_189, %dma_wait3A_190, %dma_wait3A_191] : memref<3x64x128xf32, #tpu.memory_space<vmem>> -> memref<1x64x128xf32, #tpu.memory_space<vmem>>
    %dma_wait3A_193 = tpu.memref_squeeze %dma_wait3A_192 : memref<1x64x128xf32, #tpu.memory_space<vmem>> -> memref<64x128xf32, #tpu.memory_space<vmem>>
    %dma_wait3A_194 = arith.constant 0 : i32
    %dma_wait3A_195 = tpu.memref_slice %arg13[%add3A_188, %dma_wait3A_194] : memref<10240x128xf32, #tpu.memory_space<vmem_shared>> -> memref<64x128xf32, #tpu.memory_space<vmem_shared>>
    %dma_wait3A_196 = arith.constant 0 : i32
    %dma_wait3A_197 = tpu.memref_slice %arg13[%add3A_188, %dma_wait3A_196] : memref<10240x128xf32, #tpu.memory_space<vmem_shared>> -> memref<64x128xf32, #tpu.memory_space<vmem_shared>>
    %dma_wait3A_198 = arith.constant 0 : i32
    %dma_wait3A_199 = arith.constant 0 : i32
    %dma_wait3A_200 = tpu.memref_slice %arg8[%dma_wait3A_189, %dma_wait3A_198, %dma_wait3A_199] : memref<3x64x128xf32, #tpu.memory_space<vmem>> -> memref<1x64x128xf32, #tpu.memory_space<vmem>>
    %dma_wait3A_201 = tpu.memref_squeeze %dma_wait3A_200 : memref<1x64x128xf32, #tpu.memory_space<vmem>> -> memref<64x128xf32, #tpu.memory_space<vmem>>
    tpu.wait_dma2 semaphore(%arg12 : memref<!tpu.dma_semaphore, #tpu.memory_space<semaphore_mem>>) src(%dma_wait3A_201 : memref<64x128xf32, #tpu.memory_space<vmem>>) dst(%dma_wait3A_197 : memref<64x128xf32, #tpu.memory_space<vmem_shared>>)
    %add3A_202 = arith.constant 192 : i32
    %add3A_203 = arith.addi %multiple_of3A, %add3A_202 : i32
    %dma_wait3A_204 = arith.constant 0 : i32
    %dma_wait3A_205 = arith.constant 0 : i32
    %dma_wait3A_206 = arith.constant 0 : i32
    %dma_wait3A_207 = tpu.memref_slice %arg8[%dma_wait3A_204, %dma_wait3A_205, %dma_wait3A_206] : memref<3x64x128xf32, #tpu.memory_space<vmem>> -> memref<1x64x128xf32, #tpu.memory_space<vmem>>
    %dma_wait3A_208 = tpu.memref_squeeze %dma_wait3A_207 : memref<1x64x128xf32, #tpu.memory_space<vmem>> -> memref<64x128xf32, #tpu.memory_space<vmem>>
    %dma_wait3A_209 = arith.constant 0 : i32
    %dma_wait3A_210 = tpu.memref_slice %arg13[%add3A_203, %dma_wait3A_209] : memref<10240x128xf32, #tpu.memory_space<vmem_shared>> -> memref<64x128xf32, #tpu.memory_space<vmem_shared>>
    %dma_wait3A_211 = arith.constant 0 : i32
    %dma_wait3A_212 = tpu.memref_slice %arg13[%add3A_203, %dma_wait3A_211] : memref<10240x128xf32, #tpu.memory_space<vmem_shared>> -> memref<64x128xf32, #tpu.memory_space<vmem_shared>>
    %dma_wait3A_213 = arith.constant 0 : i32
    %dma_wait3A_214 = arith.constant 0 : i32
    %dma_wait3A_215 = tpu.memref_slice %arg8[%dma_wait3A_204, %dma_wait3A_213, %dma_wait3A_214] : memref<3x64x128xf32, #tpu.memory_space<vmem>> -> memref<1x64x128xf32, #tpu.memory_space<vmem>>
    %dma_wait3A_216 = tpu.memref_squeeze %dma_wait3A_215 : memref<1x64x128xf32, #tpu.memory_space<vmem>> -> memref<64x128xf32, #tpu.memory_space<vmem>>
    tpu.wait_dma2 semaphore(%arg12 : memref<!tpu.dma_semaphore, #tpu.memory_space<semaphore_mem>>) src(%dma_wait3A_216 : memref<64x128xf32, #tpu.memory_space<vmem>>) dst(%dma_wait3A_212 : memref<64x128xf32, #tpu.memory_space<vmem_shared>>)
    %add3A_217 = arith.constant 256 : i32
    %add3A_218 = arith.addi %multiple_of3A, %add3A_217 : i32
    %dma_wait3A_219 = arith.constant 0 : i32
    %dma_wait3A_220 = arith.constant 0 : i32
    %dma_wait3A_221 = arith.constant 0 : i32
    %dma_wait3A_222 = tpu.memref_slice %arg8[%dma_wait3A_219, %dma_wait3A_220, %dma_wait3A_221] : memref<3x64x128xf32, #tpu.memory_space<vmem>> -> memref<1x64x128xf32, #tpu.memory_space<vmem>>
    %dma_wait3A_223 = tpu.memref_squeeze %dma_wait3A_222 : memref<1x64x128xf32, #tpu.memory_space<vmem>> -> memref<64x128xf32, #tpu.memory_space<vmem>>
    %dma_wait3A_224 = arith.constant 0 : i32
    %dma_wait3A_225 = tpu.memref_slice %arg13[%add3A_218, %dma_wait3A_224] : memref<10240x128xf32, #tpu.memory_space<vmem_shared>> -> memref<64x128xf32, #tpu.memory_space<vmem_shared>>
    %dma_wait3A_226 = arith.constant 0 : i32
    %dma_wait3A_227 = tpu.memref_slice %arg13[%add3A_218, %dma_wait3A_226] : memref<10240x128xf32, #tpu.memory_space<vmem_shared>> -> memref<64x128xf32, #tpu.memory_space<vmem_shared>>
    %dma_wait3A_228 = arith.constant 0 : i32
    %dma_wait3A_229 = arith.constant 0 : i32
    %dma_wait3A_230 = tpu.memref_slice %arg8[%dma_wait3A_219, %dma_wait3A_228, %dma_wait3A_229] : memref<3x64x128xf32, #tpu.memory_space<vmem>> -> memref<1x64x128xf32, #tpu.memory_space<vmem>>
    %dma_wait3A_231 = tpu.memref_squeeze %dma_wait3A_230 : memref<1x64x128xf32, #tpu.memory_space<vmem>> -> memref<64x128xf32, #tpu.memory_space<vmem>>
    tpu.wait_dma2 semaphore(%arg12 : memref<!tpu.dma_semaphore, #tpu.memory_space<semaphore_mem>>) src(%dma_wait3A_231 : memref<64x128xf32, #tpu.memory_space<vmem>>) dst(%dma_wait3A_227 : memref<64x128xf32, #tpu.memory_space<vmem_shared>>)
    %add3A_232 = arith.constant 320 : i32
    %add3A_233 = arith.addi %multiple_of3A, %add3A_232 : i32
    %dma_wait3A_234 = arith.constant 0 : i32
    %dma_wait3A_235 = arith.constant 0 : i32
    %dma_wait3A_236 = arith.constant 0 : i32
    %dma_wait3A_237 = tpu.memref_slice %arg8[%dma_wait3A_234, %dma_wait3A_235, %dma_wait3A_236] : memref<3x64x128xf32, #tpu.memory_space<vmem>> -> memref<1x64x128xf32, #tpu.memory_space<vmem>>
    %dma_wait3A_238 = tpu.memref_squeeze %dma_wait3A_237 : memref<1x64x128xf32, #tpu.memory_space<vmem>> -> memref<64x128xf32, #tpu.memory_space<vmem>>
    %dma_wait3A_239 = arith.constant 0 : i32
    %dma_wait3A_240 = tpu.memref_slice %arg13[%add3A_233, %dma_wait3A_239] : memref<10240x128xf32, #tpu.memory_space<vmem_shared>> -> memref<64x128xf32, #tpu.memory_space<vmem_shared>>
    %dma_wait3A_241 = arith.constant 0 : i32
    %dma_wait3A_242 = tpu.memref_slice %arg13[%add3A_233, %dma_wait3A_241] : memref<10240x128xf32, #tpu.memory_space<vmem_shared>> -> memref<64x128xf32, #tpu.memory_space<vmem_shared>>
    %dma_wait3A_243 = arith.constant 0 : i32
    %dma_wait3A_244 = arith.constant 0 : i32
    %dma_wait3A_245 = tpu.memref_slice %arg8[%dma_wait3A_234, %dma_wait3A_243, %dma_wait3A_244] : memref<3x64x128xf32, #tpu.memory_space<vmem>> -> memref<1x64x128xf32, #tpu.memory_space<vmem>>
    %dma_wait3A_246 = tpu.memref_squeeze %dma_wait3A_245 : memref<1x64x128xf32, #tpu.memory_space<vmem>> -> memref<64x128xf32, #tpu.memory_space<vmem>>
    tpu.wait_dma2 semaphore(%arg12 : memref<!tpu.dma_semaphore, #tpu.memory_space<semaphore_mem>>) src(%dma_wait3A_246 : memref<64x128xf32, #tpu.memory_space<vmem>>) dst(%dma_wait3A_242 : memref<64x128xf32, #tpu.memory_space<vmem_shared>>)
    %add3A_247 = arith.constant 384 : i32
    %add3A_248 = arith.addi %multiple_of3A, %add3A_247 : i32
    %dma_wait3A_249 = arith.constant 0 : i32
    %dma_wait3A_250 = arith.constant 0 : i32
    %dma_wait3A_251 = arith.constant 0 : i32
    %dma_wait3A_252 = tpu.memref_slice %arg8[%dma_wait3A_249, %dma_wait3A_250, %dma_wait3A_251] : memref<3x64x128xf32, #tpu.memory_space<vmem>> -> memref<1x64x128xf32, #tpu.memory_space<vmem>>
    %dma_wait3A_253 = tpu.memref_squeeze %dma_wait3A_252 : memref<1x64x128xf32, #tpu.memory_space<vmem>> -> memref<64x128xf32, #tpu.memory_space<vmem>>
    %dma_wait3A_254 = arith.constant 0 : i32
    %dma_wait3A_255 = tpu.memref_slice %arg13[%add3A_248, %dma_wait3A_254] : memref<10240x128xf32, #tpu.memory_space<vmem_shared>> -> memref<64x128xf32, #tpu.memory_space<vmem_shared>>
    %dma_wait3A_256 = arith.constant 0 : i32
    %dma_wait3A_257 = tpu.memref_slice %arg13[%add3A_248, %dma_wait3A_256] : memref<10240x128xf32, #tpu.memory_space<vmem_shared>> -> memref<64x128xf32, #tpu.memory_space<vmem_shared>>
    %dma_wait3A_258 = arith.constant 0 : i32
    %dma_wait3A_259 = arith.constant 0 : i32
    %dma_wait3A_260 = tpu.memref_slice %arg8[%dma_wait3A_249, %dma_wait3A_258, %dma_wait3A_259] : memref<3x64x128xf32, #tpu.memory_space<vmem>> -> memref<1x64x128xf32, #tpu.memory_space<vmem>>
    %dma_wait3A_261 = tpu.memref_squeeze %dma_wait3A_260 : memref<1x64x128xf32, #tpu.memory_space<vmem>> -> memref<64x128xf32, #tpu.memory_space<vmem>>
    tpu.wait_dma2 semaphore(%arg12 : memref<!tpu.dma_semaphore, #tpu.memory_space<semaphore_mem>>) src(%dma_wait3A_261 : memref<64x128xf32, #tpu.memory_space<vmem>>) dst(%dma_wait3A_257 : memref<64x128xf32, #tpu.memory_space<vmem_shared>>)
    %add3A_262 = arith.constant 448 : i32
    %add3A_263 = arith.addi %multiple_of3A, %add3A_262 : i32
    %dma_wait3A_264 = arith.constant 0 : i32
    %dma_wait3A_265 = arith.constant 0 : i32
    %dma_wait3A_266 = arith.constant 0 : i32
    %dma_wait3A_267 = tpu.memref_slice %arg8[%dma_wait3A_264, %dma_wait3A_265, %dma_wait3A_266] : memref<3x64x128xf32, #tpu.memory_space<vmem>> -> memref<1x64x128xf32, #tpu.memory_space<vmem>>
    %dma_wait3A_268 = tpu.memref_squeeze %dma_wait3A_267 : memref<1x64x128xf32, #tpu.memory_space<vmem>> -> memref<64x128xf32, #tpu.memory_space<vmem>>
    %dma_wait3A_269 = arith.constant 0 : i32
    %dma_wait3A_270 = tpu.memref_slice %arg13[%add3A_263, %dma_wait3A_269] : memref<10240x128xf32, #tpu.memory_space<vmem_shared>> -> memref<64x128xf32, #tpu.memory_space<vmem_shared>>
    %dma_wait3A_271 = arith.constant 0 : i32
    %dma_wait3A_272 = tpu.memref_slice %arg13[%add3A_263, %dma_wait3A_271] : memref<10240x128xf32, #tpu.memory_space<vmem_shared>> -> memref<64x128xf32, #tpu.memory_space<vmem_shared>>
    %dma_wait3A_273 = arith.constant 0 : i32
    %dma_wait3A_274 = arith.constant 0 : i32
    %dma_wait3A_275 = tpu.memref_slice %arg8[%dma_wait3A_264, %dma_wait3A_273, %dma_wait3A_274] : memref<3x64x128xf32, #tpu.memory_space<vmem>> -> memref<1x64x128xf32, #tpu.memory_space<vmem>>
    %dma_wait3A_276 = tpu.memref_squeeze %dma_wait3A_275 : memref<1x64x128xf32, #tpu.memory_space<vmem>> -> memref<64x128xf32, #tpu.memory_space<vmem>>
    tpu.wait_dma2 semaphore(%arg12 : memref<!tpu.dma_semaphore, #tpu.memory_space<semaphore_mem>>) src(%dma_wait3A_276 : memref<64x128xf32, #tpu.memory_space<vmem>>) dst(%dma_wait3A_272 : memref<64x128xf32, #tpu.memory_space<vmem_shared>>)
    %add3A_277 = arith.constant 512 : i32
    %add3A_278 = arith.addi %multiple_of3A, %add3A_277 : i32
    %dma_wait3A_279 = arith.constant 0 : i32
    %dma_wait3A_280 = arith.constant 0 : i32
    %dma_wait3A_281 = arith.constant 0 : i32
    %dma_wait3A_282 = tpu.memref_slice %arg8[%dma_wait3A_279, %dma_wait3A_280, %dma_wait3A_281] : memref<3x64x128xf32, #tpu.memory_space<vmem>> -> memref<1x64x128xf32, #tpu.memory_space<vmem>>
    %dma_wait3A_283 = tpu.memref_squeeze %dma_wait3A_282 : memref<1x64x128xf32, #tpu.memory_space<vmem>> -> memref<64x128xf32, #tpu.memory_space<vmem>>
    %dma_wait3A_284 = arith.constant 0 : i32
    %dma_wait3A_285 = tpu.memref_slice %arg13[%add3A_278, %dma_wait3A_284] : memref<10240x128xf32, #tpu.memory_space<vmem_shared>> -> memref<64x128xf32, #tpu.memory_space<vmem_shared>>
    %dma_wait3A_286 = arith.constant 0 : i32
    %dma_wait3A_287 = tpu.memref_slice %arg13[%add3A_278, %dma_wait3A_286] : memref<10240x128xf32, #tpu.memory_space<vmem_shared>> -> memref<64x128xf32, #tpu.memory_space<vmem_shared>>
    %dma_wait3A_288 = arith.constant 0 : i32
    %dma_wait3A_289 = arith.constant 0 : i32
    %dma_wait3A_290 = tpu.memref_slice %arg8[%dma_wait3A_279, %dma_wait3A_288, %dma_wait3A_289] : memref<3x64x128xf32, #tpu.memory_space<vmem>> -> memref<1x64x128xf32, #tpu.memory_space<vmem>>
    %dma_wait3A_291 = tpu.memref_squeeze %dma_wait3A_290 : memref<1x64x128xf32, #tpu.memory_space<vmem>> -> memref<64x128xf32, #tpu.memory_space<vmem>>
    tpu.wait_dma2 semaphore(%arg12 : memref<!tpu.dma_semaphore, #tpu.memory_space<semaphore_mem>>) src(%dma_wait3A_291 : memref<64x128xf32, #tpu.memory_space<vmem>>) dst(%dma_wait3A_287 : memref<64x128xf32, #tpu.memory_space<vmem_shared>>)
    %add3A_292 = arith.constant 576 : i32
    %add3A_293 = arith.addi %multiple_of3A, %add3A_292 : i32
    %dma_wait3A_294 = arith.constant 0 : i32
    %dma_wait3A_295 = arith.constant 0 : i32
    %dma_wait3A_296 = arith.constant 0 : i32
    %dma_wait3A_297 = tpu.memref_slice %arg8[%dma_wait3A_294, %dma_wait3A_295, %dma_wait3A_296] : memref<3x64x128xf32, #tpu.memory_space<vmem>> -> memref<1x64x128xf32, #tpu.memory_space<vmem>>
    %dma_wait3A_298 = tpu.memref_squeeze %dma_wait3A_297 : memref<1x64x128xf32, #tpu.memory_space<vmem>> -> memref<64x128xf32, #tpu.memory_space<vmem>>
    %dma_wait3A_299 = arith.constant 0 : i32
    %dma_wait3A_300 = tpu.memref_slice %arg13[%add3A_293, %dma_wait3A_299] : memref<10240x128xf32, #tpu.memory_space<vmem_shared>> -> memref<64x128xf32, #tpu.memory_space<vmem_shared>>
    %dma_wait3A_301 = arith.constant 0 : i32
    %dma_wait3A_302 = tpu.memref_slice %arg13[%add3A_293, %dma_wait3A_301] : memref<10240x128xf32, #tpu.memory_space<vmem_shared>> -> memref<64x128xf32, #tpu.memory_space<vmem_shared>>
    %dma_wait3A_303 = arith.constant 0 : i32
    %dma_wait3A_304 = arith.constant 0 : i32
    %dma_wait3A_305 = tpu.memref_slice %arg8[%dma_wait3A_294, %dma_wait3A_303, %dma_wait3A_304] : memref<3x64x128xf32, #tpu.memory_space<vmem>> -> memref<1x64x128xf32, #tpu.memory_space<vmem>>
    %dma_wait3A_306 = tpu.memref_squeeze %dma_wait3A_305 : memref<1x64x128xf32, #tpu.memory_space<vmem>> -> memref<64x128xf32, #tpu.memory_space<vmem>>
    tpu.wait_dma2 semaphore(%arg12 : memref<!tpu.dma_semaphore, #tpu.memory_space<semaphore_mem>>) src(%dma_wait3A_306 : memref<64x128xf32, #tpu.memory_space<vmem>>) dst(%dma_wait3A_302 : memref<64x128xf32, #tpu.memory_space<vmem_shared>>)
    %scan3A_307 = arith.constant 0 : i32
    %scan3A_308 = arith.constant 0 : i32
    %scan3A_309 = arith.constant 3 : i32
    %scan3A_310 = arith.addi %scan3A_308, %scan3A_309 : i32
    %scan3A_311 = arith.constant 1 : i32
    scf.for %scan3A_335 = %scan3A_308 to %scan3A_310 step %scan3A_311  : i32 {
      %get3A = arith.index_cast %scan3A_335 : i32 to index
      %get3A_336 = arith.constant 0 : index
      %get3A_337 = tpu.vector_load %arg5[%get3A, %get3A_336] {strides = array<i32>} : memref<160x64xi32, #tpu.memory_space<vmem>>, vector<1x16xi32>,
      %get3A_338 = vector.shape_cast %get3A_337 : vector<1x16xi32> to vector<16xi32>
      %shift_right_logical3A = arith.constant 16 : i32
      %shift_right_logical3A_339 = vector.broadcast %shift_right_logical3A : i32 to vector<16xi32>
      %shift_right_logical3A_340 = arith.shrui %get3A_338, %shift_right_logical3A_339 : vector<16xi32>
      %swap3A = arith.index_cast %scan3A_335 : i32 to index
      %swap3A_341 = arith.constant 0 : index
      %swap3A_342 = tpu.vector_load %arg6[%swap3A, %swap3A_341] {strides = array<i32>} : memref<3x64xi32, #tpu.memory_space<vmem>>, vector<1x16xi32>,
      %swap3A_343 = vector.shape_cast %swap3A_342 : vector<1x16xi32> to vector<16xi32>
      %swap3A_344 = vector.shape_cast %shift_right_logical3A_340 : vector<16xi32> to vector<1x16xi32>
      tpu.vector_store %arg6[%swap3A, %swap3A_341], %swap3A_344 {strides = array<i32>} : memref<3x64xi32, #tpu.memory_space<vmem>>, vector<1x16xi32>,
      %and3A = arith.constant 65535 : i32
      %and3A_345 = vector.broadcast %and3A : i32 to vector<16xi32>
      %and3A_346 = arith.andi %get3A_338, %and3A_345 : vector<16xi32>
      %swap3A_347 = arith.index_cast %scan3A_335 : i32 to index
      %swap3A_348 = arith.constant 0 : index
      %swap3A_349 = tpu.vector_load %arg7[%swap3A_347, %swap3A_348] {strides = array<i32>} : memref<3x64xi32, #tpu.memory_space<vmem>>, vector<1x16xi32>,
      %swap3A_350 = vector.shape_cast %swap3A_349 : vector<1x16xi32> to vector<16xi32>
      %swap3A_351 = vector.shape_cast %and3A_346 : vector<16xi32> to vector<1x16xi32>
      tpu.vector_store %arg7[%swap3A_347, %swap3A_348], %swap3A_351 {strides = array<i32>} : memref<3x64xi32, #tpu.memory_space<vmem>>, vector<1x16xi32>,
      %get3A_352 = arith.index_cast %scan3A_335 : i32 to index
      %get3A_353 = arith.constant 16 : index
      %get3A_354 = tpu.vector_load %arg5[%get3A_352, %get3A_353] {strides = array<i32>} : memref<160x64xi32, #tpu.memory_space<vmem>>, vector<1x16xi32>,
      %get3A_355 = vector.shape_cast %get3A_354 : vector<1x16xi32> to vector<16xi32>
      %shift_right_logical3A_356 = arith.constant 16 : i32
      %shift_right_logical3A_357 = vector.broadcast %shift_right_logical3A_356 : i32 to vector<16xi32>
      %shift_right_logical3A_358 = arith.shrui %get3A_355, %shift_right_logical3A_357 : vector<16xi32>
      %swap3A_359 = arith.index_cast %scan3A_335 : i32 to index
      %swap3A_360 = arith.constant 16 : index
      %swap3A_361 = tpu.vector_load %arg6[%swap3A_359, %swap3A_360] {strides = array<i32>} : memref<3x64xi32, #tpu.memory_space<vmem>>, vector<1x16xi32>,
      %swap3A_362 = vector.shape_cast %swap3A_361 : vector<1x16xi32> to vector<16xi32>
      %swap3A_363 = vector.shape_cast %shift_right_logical3A_358 : vector<16xi32> to vector<1x16xi32>
      tpu.vector_store %arg6[%swap3A_359, %swap3A_360], %swap3A_363 {strides = array<i32>} : memref<3x64xi32, #tpu.memory_space<vmem>>, vector<1x16xi32>,
      %and3A_364 = arith.constant 65535 : i32
      %and3A_365 = vector.broadcast %and3A_364 : i32 to vector<16xi32>
      %and3A_366 = arith.andi %get3A_355, %and3A_365 : vector<16xi32>
      %swap3A_367 = arith.index_cast %scan3A_335 : i32 to index
      %swap3A_368 = arith.constant 16 : index
      %swap3A_369 = tpu.vector_load %arg7[%swap3A_367, %swap3A_368] {strides = array<i32>} : memref<3x64xi32, #tpu.memory_space<vmem>>, vector<1x16xi32>,
      %swap3A_370 = vector.shape_cast %swap3A_369 : vector<1x16xi32> to vector<16xi32>
      %swap3A_371 = vector.shape_cast %and3A_366 : vector<16xi32> to vector<1x16xi32>
      tpu.vector_store %arg7[%swap3A_367, %swap3A_368], %swap3A_371 {strides = array<i32>} : memref<3x64xi32, #tpu.memory_space<vmem>>, vector<1x16xi32>,
      %get3A_372 = arith.index_cast %scan3A_335 : i32 to index
      %get3A_373 = arith.constant 32 : index
      %get3A_374 = tpu.vector_load %arg5[%get3A_372, %get3A_373] {strides = array<i32>} : memref<160x64xi32, #tpu.memory_space<vmem>>, vector<1x16xi32>,
      %get3A_375 = vector.shape_cast %get3A_374 : vector<1x16xi32> to vector<16xi32>
      %shift_right_logical3A_376 = arith.constant 16 : i32
      %shift_right_logical3A_377 = vector.broadcast %shift_right_logical3A_376 : i32 to vector<16xi32>
      %shift_right_logical3A_378 = arith.shrui %get3A_375, %shift_right_logical3A_377 : vector<16xi32>
      %swap3A_379 = arith.index_cast %scan3A_335 : i32 to index
      %swap3A_380 = arith.constant 32 : index
      %swap3A_381 = tpu.vector_load %arg6[%swap3A_379, %swap3A_380] {strides = array<i32>} : memref<3x64xi32, #tpu.memory_space<vmem>>, vector<1x16xi32>,
      %swap3A_382 = vector.shape_cast %swap3A_381 : vector<1x16xi32> to vector<16xi32>
      %swap3A_383 = vector.shape_cast %shift_right_logical3A_378 : vector<16xi32> to vector<1x16xi32>
      tpu.vector_store %arg6[%swap3A_379, %swap3A_380], %swap3A_383 {strides = array<i32>} : memref<3x64xi32, #tpu.memory_space<vmem>>, vector<1x16xi32>,
      %and3A_384 = arith.constant 65535 : i32
      %and3A_385 = vector.broadcast %and3A_384 : i32 to vector<16xi32>
      %and3A_386 = arith.andi %get3A_375, %and3A_385 : vector<16xi32>
      %swap3A_387 = arith.index_cast %scan3A_335 : i32 to index
      %swap3A_388 = arith.constant 32 : index
      %swap3A_389 = tpu.vector_load %arg7[%swap3A_387, %swap3A_388] {strides = array<i32>} : memref<3x64xi32, #tpu.memory_space<vmem>>, vector<1x16xi32>,
      %swap3A_390 = vector.shape_cast %swap3A_389 : vector<1x16xi32> to vector<16xi32>
      %swap3A_391 = vector.shape_cast %and3A_386 : vector<16xi32> to vector<1x16xi32>
      tpu.vector_store %arg7[%swap3A_387, %swap3A_388], %swap3A_391 {strides = array<i32>} : memref<3x64xi32, #tpu.memory_space<vmem>>, vector<1x16xi32>,
      %get3A_392 = arith.index_cast %scan3A_335 : i32 to index
      %get3A_393 = arith.constant 48 : index
      %get3A_394 = tpu.vector_load %arg5[%get3A_392, %get3A_393] {strides = array<i32>} : memref<160x64xi32, #tpu.memory_space<vmem>>, vector<1x16xi32>,
      %get3A_395 = vector.shape_cast %get3A_394 : vector<1x16xi32> to vector<16xi32>
      %shift_right_logical3A_396 = arith.constant 16 : i32
      %shift_right_logical3A_397 = vector.broadcast %shift_right_logical3A_396 : i32 to vector<16xi32>
      %shift_right_logical3A_398 = arith.shrui %get3A_395, %shift_right_logical3A_397 : vector<16xi32>
      %swap3A_399 = arith.index_cast %scan3A_335 : i32 to index
      %swap3A_400 = arith.constant 48 : index
      %swap3A_401 = tpu.vector_load %arg6[%swap3A_399, %swap3A_400] {strides = array<i32>} : memref<3x64xi32, #tpu.memory_space<vmem>>, vector<1x16xi32>,
      %swap3A_402 = vector.shape_cast %swap3A_401 : vector<1x16xi32> to vector<16xi32>
      %swap3A_403 = vector.shape_cast %shift_right_logical3A_398 : vector<16xi32> to vector<1x16xi32>
      tpu.vector_store %arg6[%swap3A_399, %swap3A_400], %swap3A_403 {strides = array<i32>} : memref<3x64xi32, #tpu.memory_space<vmem>>, vector<1x16xi32>,
      %and3A_404 = arith.constant 65535 : i32
      %and3A_405 = vector.broadcast %and3A_404 : i32 to vector<16xi32>
      %and3A_406 = arith.andi %get3A_395, %and3A_405 : vector<16xi32>
      %swap3A_407 = arith.index_cast %scan3A_335 : i32 to index
      %swap3A_408 = arith.constant 48 : index
      %swap3A_409 = tpu.vector_load %arg7[%swap3A_407, %swap3A_408] {strides = array<i32>} : memref<3x64xi32, #tpu.memory_space<vmem>>, vector<1x16xi32>,
      %swap3A_410 = vector.shape_cast %swap3A_409 : vector<1x16xi32> to vector<16xi32>
      %swap3A_411 = vector.shape_cast %and3A_406 : vector<16xi32> to vector<1x16xi32>
      tpu.vector_store %arg7[%swap3A_407, %swap3A_408], %swap3A_411 {strides = array<i32>} : memref<3x64xi32, #tpu.memory_space<vmem>>, vector<1x16xi32>,
      %dma_start3A_412 = arith.constant 0 : i32
      %dma_start3A_413 = arith.constant 0 : i32
      %dma_start3A_414 = tpu.memref_slice %arg8[%scan3A_335, %dma_start3A_412, %dma_start3A_413] : memref<3x64x128xf32, #tpu.memory_space<vmem>> -> memref<1x32x128xf32, #tpu.memory_space<vmem>>
      %dma_start3A_415 = tpu.memref_squeeze %dma_start3A_414 : memref<1x32x128xf32, #tpu.memory_space<vmem>> -> memref<32x128xf32, #tpu.memory_space<vmem>>
      %dma_start3A_416 = arith.constant 0 : i32
      %dma_start3A_417 = tpu.memref_slice %arg6[%scan3A_335, %dma_start3A_416] : memref<3x64xi32, #tpu.memory_space<vmem>> -> memref<1x32xi32, #tpu.memory_space<vmem>>
      %dma_start3A_418 = tpu.memref_squeeze %dma_start3A_417 : memref<1x32xi32, #tpu.memory_space<vmem>> -> memref<32xi32, #tpu.memory_space<vmem>>
      %dma_start3A_419 = arith.constant 0 : i32
      %dma_start3A_420 = arith.constant 0 : i32
      %dma_start3A_421 = tpu.memref_slice %arg3[%dma_start3A_419, %dma_start3A_420] : memref<10240x128xf32, #tpu.memory_space<hbm>> -> memref<10240x128xf32, #tpu.memory_space<hbm>>
      %dma_start3A_422 = tpu.memref_slice %arg9[%scan3A_335] : memref<3x!tpu.dma_semaphore, #tpu.memory_space<semaphore_mem>> -> memref<1x!tpu.dma_semaphore, #tpu.memory_space<semaphore_mem>>
      %dma_start3A_423 = tpu.memref_squeeze %dma_start3A_422 : memref<1x!tpu.dma_semaphore, #tpu.memory_space<semaphore_mem>> -> memref<!tpu.dma_semaphore, #tpu.memory_space<semaphore_mem>>
      tpu.enqueue_indirect_dma source(%dma_start3A_421 : memref<10240x128xf32, #tpu.memory_space<hbm>>) target(%dma_start3A_415 : memref<32x128xf32, #tpu.memory_space<vmem>>) offsets(%dma_start3A_418 : memref<32xi32, #tpu.memory_space<vmem>>) semaphore(%dma_start3A_423 : memref<!tpu.dma_semaphore, #tpu.memory_space<semaphore_mem>>)
      %dma_start3A_424 = arith.constant 32 : i32
      %dma_start3A_425 = arith.constant 0 : i32
      %dma_start3A_426 = tpu.memref_slice %arg8[%scan3A_335, %dma_start3A_424, %dma_start3A_425] : memref<3x64x128xf32, #tpu.memory_space<vmem>> -> memref<1x32x128xf32, #tpu.memory_space<vmem>>
      %dma_start3A_427 = tpu.memref_squeeze %dma_start3A_426 : memref<1x32x128xf32, #tpu.memory_space<vmem>> -> memref<32x128xf32, #tpu.memory_space<vmem>>
      %dma_start3A_428 = arith.constant 32 : i32
      %dma_start3A_429 = tpu.memref_slice %arg6[%scan3A_335, %dma_start3A_428] : memref<3x64xi32, #tpu.memory_space<vmem>> -> memref<1x32xi32, #tpu.memory_space<vmem>>
      %dma_start3A_430 = tpu.memref_squeeze %dma_start3A_429 : memref<1x32xi32, #tpu.memory_space<vmem>> -> memref<32xi32, #tpu.memory_space<vmem>>
      %dma_start3A_431 = arith.constant 0 : i32
      %dma_start3A_432 = arith.constant 0 : i32
      %dma_start3A_433 = tpu.memref_slice %arg3[%dma_start3A_431, %dma_start3A_432] : memref<10240x128xf32, #tpu.memory_space<hbm>> -> memref<10240x128xf32, #tpu.memory_space<hbm>>
      %dma_start3A_434 = tpu.memref_slice %arg10[%scan3A_335] : memref<3x!tpu.dma_semaphore, #tpu.memory_space<semaphore_mem>> -> memref<1x!tpu.dma_semaphore, #tpu.memory_space<semaphore_mem>>
      %dma_start3A_435 = tpu.memref_squeeze %dma_start3A_434 : memref<1x!tpu.dma_semaphore, #tpu.memory_space<semaphore_mem>> -> memref<!tpu.dma_semaphore, #tpu.memory_space<semaphore_mem>>
      tpu.enqueue_indirect_dma source(%dma_start3A_433 : memref<10240x128xf32, #tpu.memory_space<hbm>>) target(%dma_start3A_427 : memref<32x128xf32, #tpu.memory_space<vmem>>) offsets(%dma_start3A_430 : memref<32xi32, #tpu.memory_space<vmem>>) semaphore(%dma_start3A_435 : memref<!tpu.dma_semaphore, #tpu.memory_space<semaphore_mem>>)
    }
    %scan3A_312 = arith.constant 3 : i32
    %barrier3A = arith.constant 0 : index
    tpu.barrier barrier_id(%barrier3A)
    %scan3A_313 = arith.constant 0 : i32
    %scan3A_314 = arith.constant 0 : i32
    %scan3A_315 = arith.constant 157 : i32
    %scan3A_316 = arith.addi %scan3A_314, %scan3A_315 : i32
    %scan3A_317 = arith.constant 1 : i32
    scf.for %scan3A_335 = %scan3A_314 to %scan3A_316 step %scan3A_317  : i32 {
      %rem3A = arith.constant 3 : i32
      %rem3A_336 = arith.remsi %scan3A_335, %rem3A : i32
      %add3A_337 = arith.constant 3 : i32
      %add3A_338 = arith.addi %scan3A_335, %add3A_337 : i32
      %sub3A = arith.constant 1 : i32
      %sub3A_339 = arith.subi %add3A_338, %sub3A : i32
      %rem3A_340 = arith.constant 3 : i32
      %rem3A_341 = arith.remsi %sub3A_339, %rem3A_340 : i32
      %dma_wait3A_342 = arith.constant 0 : i32
      %dma_wait3A_343 = arith.constant 0 : i32
      %dma_wait3A_344 = tpu.memref_slice %arg8[%rem3A_336, %dma_wait3A_342, %dma_wait3A_343] : memref<3x64x128xf32, #tpu.memory_space<vmem>> -> memref<1x32x128xf32, #tpu.memory_space<vmem>>
      %dma_wait3A_345 = tpu.memref_squeeze %dma_wait3A_344 : memref<1x32x128xf32, #tpu.memory_space<vmem>> -> memref<32x128xf32, #tpu.memory_space<vmem>>
      %dma_wait3A_346 = arith.constant 0 : i32
      %dma_wait3A_347 = tpu.memref_slice %arg6[%rem3A_336, %dma_wait3A_346] : memref<3x64xi32, #tpu.memory_space<vmem>> -> memref<1x32xi32, #tpu.memory_space<vmem>>
      %dma_wait3A_348 = tpu.memref_squeeze %dma_wait3A_347 : memref<1x32xi32, #tpu.memory_space<vmem>> -> memref<32xi32, #tpu.memory_space<vmem>>
      %dma_wait3A_349 = arith.constant 0 : i32
      %dma_wait3A_350 = arith.constant 0 : i32
      %dma_wait3A_351 = tpu.memref_slice %arg3[%dma_wait3A_349, %dma_wait3A_350] : memref<10240x128xf32, #tpu.memory_space<hbm>> -> memref<10240x128xf32, #tpu.memory_space<hbm>>
      %dma_wait3A_352 = tpu.memref_slice %arg9[%rem3A_336] : memref<3x!tpu.dma_semaphore, #tpu.memory_space<semaphore_mem>> -> memref<1x!tpu.dma_semaphore, #tpu.memory_space<semaphore_mem>>
      %dma_wait3A_353 = tpu.memref_squeeze %dma_wait3A_352 : memref<1x!tpu.dma_semaphore, #tpu.memory_space<semaphore_mem>> -> memref<!tpu.dma_semaphore, #tpu.memory_space<semaphore_mem>>
      tpu.wait_indirect_dma semaphore(%dma_wait3A_353 : memref<!tpu.dma_semaphore, #tpu.memory_space<semaphore_mem>>) src(%dma_wait3A_351 : memref<10240x128xf32, #tpu.memory_space<hbm>>) dst(%dma_wait3A_345 : memref<32x128xf32, #tpu.memory_space<vmem>>)
      %dma_wait3A_354 = arith.constant 32 : i32
      %dma_wait3A_355 = arith.constant 0 : i32
      %dma_wait3A_356 = tpu.memref_slice %arg8[%rem3A_336, %dma_wait3A_354, %dma_wait3A_355] : memref<3x64x128xf32, #tpu.memory_space<vmem>> -> memref<1x32x128xf32, #tpu.memory_space<vmem>>
      %dma_wait3A_357 = tpu.memref_squeeze %dma_wait3A_356 : memref<1x32x128xf32, #tpu.memory_space<vmem>> -> memref<32x128xf32, #tpu.memory_space<vmem>>
      %dma_wait3A_358 = arith.constant 32 : i32
      %dma_wait3A_359 = tpu.memref_slice %arg6[%rem3A_336, %dma_wait3A_358] : memref<3x64xi32, #tpu.memory_space<vmem>> -> memref<1x32xi32, #tpu.memory_space<vmem>>
      %dma_wait3A_360 = tpu.memref_squeeze %dma_wait3A_359 : memref<1x32xi32, #tpu.memory_space<vmem>> -> memref<32xi32, #tpu.memory_space<vmem>>
      %dma_wait3A_361 = arith.constant 0 : i32
      %dma_wait3A_362 = arith.constant 0 : i32
      %dma_wait3A_363 = tpu.memref_slice %arg3[%dma_wait3A_361, %dma_wait3A_362] : memref<10240x128xf32, #tpu.memory_space<hbm>> -> memref<10240x128xf32, #tpu.memory_space<hbm>>
      %dma_wait3A_364 = tpu.memref_slice %arg10[%rem3A_336] : memref<3x!tpu.dma_semaphore, #tpu.memory_space<semaphore_mem>> -> memref<1x!tpu.dma_semaphore, #tpu.memory_space<semaphore_mem>>
      %dma_wait3A_365 = tpu.memref_squeeze %dma_wait3A_364 : memref<1x!tpu.dma_semaphore, #tpu.memory_space<semaphore_mem>> -> memref<!tpu.dma_semaphore, #tpu.memory_space<semaphore_mem>>
      tpu.wait_indirect_dma semaphore(%dma_wait3A_365 : memref<!tpu.dma_semaphore, #tpu.memory_space<semaphore_mem>>) src(%dma_wait3A_363 : memref<10240x128xf32, #tpu.memory_space<hbm>>) dst(%dma_wait3A_357 : memref<32x128xf32, #tpu.memory_space<vmem>>)
      %dma_start3A_366 = arith.constant 0 : i32
      %dma_start3A_367 = arith.constant 0 : i32
      %dma_start3A_368 = tpu.memref_slice %arg8[%rem3A_336, %dma_start3A_366, %dma_start3A_367] : memref<3x64x128xf32, #tpu.memory_space<vmem>> -> memref<1x64x128xf32, #tpu.memory_space<vmem>>
      %dma_start3A_369 = tpu.memref_squeeze %dma_start3A_368 : memref<1x64x128xf32, #tpu.memory_space<vmem>> -> memref<64x128xf32, #tpu.memory_space<vmem>>
      %dma_start3A_370 = arith.constant 0 : i32
      %dma_start3A_371 = tpu.memref_slice %arg7[%rem3A_336, %dma_start3A_370] : memref<3x64xi32, #tpu.memory_space<vmem>> -> memref<1x64xi32, #tpu.memory_space<vmem>>
      %dma_start3A_372 = tpu.memref_squeeze %dma_start3A_371 : memref<1x64xi32, #tpu.memory_space<vmem>> -> memref<64xi32, #tpu.memory_space<vmem>>
      %dma_start3A_373 = arith.constant 0 : i32
      %dma_start3A_374 = arith.constant 0 : i32
      %dma_start3A_375 = tpu.memref_slice %arg13[%dma_start3A_373, %dma_start3A_374] : memref<10240x128xf32, #tpu.memory_space<vmem_shared>> -> memref<10240x128xf32, #tpu.memory_space<vmem_shared>>
      %dma_start3A_376 = tpu.memref_slice %arg11[%rem3A_336] : memref<3x!tpu.dma_semaphore, #tpu.memory_space<semaphore_mem>> -> memref<1x!tpu.dma_semaphore, #tpu.memory_space<semaphore_mem>>
      %dma_start3A_377 = tpu.memref_squeeze %dma_start3A_376 : memref<1x!tpu.dma_semaphore, #tpu.memory_space<semaphore_mem>> -> memref<!tpu.dma_semaphore, #tpu.memory_space<semaphore_mem>>
      tpu.enqueue_indirect_dma source(%dma_start3A_369 : memref<64x128xf32, #tpu.memory_space<vmem>>) target(%dma_start3A_375 : memref<10240x128xf32, #tpu.memory_space<vmem_shared>>) offsets(%dma_start3A_372 : memref<64xi32, #tpu.memory_space<vmem>>) semaphore(%dma_start3A_377 : memref<!tpu.dma_semaphore, #tpu.memory_space<semaphore_mem>>) {add = true}
      %ge3A = arith.constant 1 : i32
      %ge3A_378 = arith.cmpi sge, %scan3A_335, %ge3A : i32
      %convert_element_type3A = arith.extui %ge3A_378 : i1 to i32
      %cond3A = arith.constant 0 : i32
      %cond3A_379 = arith.cmpi ne, %convert_element_type3A, %cond3A : i32
      scf.if %cond3A_379 {
        %dma_wait3A_380 = arith.constant 0 : i32
        %dma_wait3A_381 = arith.constant 0 : i32
        %dma_wait3A_382 = tpu.memref_slice %arg8[%rem3A_341, %dma_wait3A_380, %dma_wait3A_381] : memref<3x64x128xf32, #tpu.memory_space<vmem>> -> memref<1x64x128xf32, #tpu.memory_space<vmem>>
        %dma_wait3A_383 = tpu.memref_squeeze %dma_wait3A_382 : memref<1x64x128xf32, #tpu.memory_space<vmem>> -> memref<64x128xf32, #tpu.memory_space<vmem>>
        %dma_wait3A_384 = arith.constant 0 : i32
        %dma_wait3A_385 = tpu.memref_slice %arg7[%rem3A_341, %dma_wait3A_384] : memref<3x64xi32, #tpu.memory_space<vmem>> -> memref<1x64xi32, #tpu.memory_space<vmem>>
        %dma_wait3A_386 = tpu.memref_squeeze %dma_wait3A_385 : memref<1x64xi32, #tpu.memory_space<vmem>> -> memref<64xi32, #tpu.memory_space<vmem>>
        %dma_wait3A_387 = arith.constant 0 : i32
        %dma_wait3A_388 = arith.constant 0 : i32
        %dma_wait3A_389 = tpu.memref_slice %arg13[%dma_wait3A_387, %dma_wait3A_388] : memref<10240x128xf32, #tpu.memory_space<vmem_shared>> -> memref<10240x128xf32, #tpu.memory_space<vmem_shared>>
        %dma_wait3A_390 = tpu.memref_slice %arg11[%rem3A_341] : memref<3x!tpu.dma_semaphore, #tpu.memory_space<semaphore_mem>> -> memref<1x!tpu.dma_semaphore, #tpu.memory_space<semaphore_mem>>
        %dma_wait3A_391 = tpu.memref_squeeze %dma_wait3A_390 : memref<1x!tpu.dma_semaphore, #tpu.memory_space<semaphore_mem>> -> memref<!tpu.dma_semaphore, #tpu.memory_space<semaphore_mem>>
        tpu.wait_indirect_dma semaphore(%dma_wait3A_391 : memref<!tpu.dma_semaphore, #tpu.memory_space<semaphore_mem>>) src(%dma_wait3A_383 : memref<64x128xf32, #tpu.memory_space<vmem>>) dst(%dma_wait3A_389 : memref<10240x128xf32, #tpu.memory_space<vmem_shared>>)
        %sub3A_392 = arith.constant 1 : i32
        %sub3A_393 = arith.subi %scan3A_335, %sub3A_392 : i32
        %add3A_394 = arith.constant 3 : i32
        %add3A_395 = arith.addi %sub3A_393, %add3A_394 : i32
        %lt3A = arith.constant 157 : i32
        %lt3A_396 = arith.cmpi slt, %add3A_395, %lt3A : i32
        %convert_element_type3A_397 = arith.extui %lt3A_396 : i1 to i32
        %cond3A_398 = arith.constant 0 : i32
        %cond3A_399 = arith.cmpi ne, %convert_element_type3A_397, %cond3A_398 : i32
        scf.if %cond3A_399 {
          %sub3A_400 = arith.constant 1 : i32
          %sub3A_401 = arith.subi %scan3A_335, %sub3A_400 : i32
          %add3A_402 = arith.constant 3 : i32
          %add3A_403 = arith.addi %sub3A_401, %add3A_402 : i32
          %get3A = arith.index_cast %add3A_403 : i32 to index
          %get3A_404 = arith.constant 0 : index
          %get3A_405 = tpu.vector_load %arg5[%get3A, %get3A_404] {strides = array<i32>} : memref<160x64xi32, #tpu.memory_space<vmem>>, vector<1x16xi32>,
          %get3A_406 = vector.shape_cast %get3A_405 : vector<1x16xi32> to vector<16xi32>
          %shift_right_logical3A = arith.constant 16 : i32
          %shift_right_logical3A_407 = vector.broadcast %shift_right_logical3A : i32 to vector<16xi32>
          %shift_right_logical3A_408 = arith.shrui %get3A_406, %shift_right_logical3A_407 : vector<16xi32>
          %swap3A = arith.index_cast %rem3A_341 : i32 to index
          %swap3A_409 = arith.constant 0 : index
          %swap3A_410 = tpu.vector_load %arg6[%swap3A, %swap3A_409] {strides = array<i32>} : memref<3x64xi32, #tpu.memory_space<vmem>>, vector<1x16xi32>,
          %swap3A_411 = vector.shape_cast %swap3A_410 : vector<1x16xi32> to vector<16xi32>
          %swap3A_412 = vector.shape_cast %shift_right_logical3A_408 : vector<16xi32> to vector<1x16xi32>
          tpu.vector_store %arg6[%swap3A, %swap3A_409], %swap3A_412 {strides = array<i32>} : memref<3x64xi32, #tpu.memory_space<vmem>>, vector<1x16xi32>,
          %and3A = arith.constant 65535 : i32
          %and3A_413 = vector.broadcast %and3A : i32 to vector<16xi32>
          %and3A_414 = arith.andi %get3A_406, %and3A_413 : vector<16xi32>
          %swap3A_415 = arith.index_cast %rem3A_341 : i32 to index
          %swap3A_416 = arith.constant 0 : index
          %swap3A_417 = tpu.vector_load %arg7[%swap3A_415, %swap3A_416] {strides = array<i32>} : memref<3x64xi32, #tpu.memory_space<vmem>>, vector<1x16xi32>,
          %swap3A_418 = vector.shape_cast %swap3A_417 : vector<1x16xi32> to vector<16xi32>
          %swap3A_419 = vector.shape_cast %and3A_414 : vector<16xi32> to vector<1x16xi32>
          tpu.vector_store %arg7[%swap3A_415, %swap3A_416], %swap3A_419 {strides = array<i32>} : memref<3x64xi32, #tpu.memory_space<vmem>>, vector<1x16xi32>,
          %get3A_420 = arith.index_cast %add3A_403 : i32 to index
          %get3A_421 = arith.constant 16 : index
          %get3A_422 = tpu.vector_load %arg5[%get3A_420, %get3A_421] {strides = array<i32>} : memref<160x64xi32, #tpu.memory_space<vmem>>, vector<1x16xi32>,
          %get3A_423 = vector.shape_cast %get3A_422 : vector<1x16xi32> to vector<16xi32>
          %shift_right_logical3A_424 = arith.constant 16 : i32
          %shift_right_logical3A_425 = vector.broadcast %shift_right_logical3A_424 : i32 to vector<16xi32>
          %shift_right_logical3A_426 = arith.shrui %get3A_423, %shift_right_logical3A_425 : vector<16xi32>
          %swap3A_427 = arith.index_cast %rem3A_341 : i32 to index
          %swap3A_428 = arith.constant 16 : index
          %swap3A_429 = tpu.vector_load %arg6[%swap3A_427, %swap3A_428] {strides = array<i32>} : memref<3x64xi32, #tpu.memory_space<vmem>>, vector<1x16xi32>,
          %swap3A_430 = vector.shape_cast %swap3A_429 : vector<1x16xi32> to vector<16xi32>
          %swap3A_431 = vector.shape_cast %shift_right_logical3A_426 : vector<16xi32> to vector<1x16xi32>
          tpu.vector_store %arg6[%swap3A_427, %swap3A_428], %swap3A_431 {strides = array<i32>} : memref<3x64xi32, #tpu.memory_space<vmem>>, vector<1x16xi32>,
          %and3A_432 = arith.constant 65535 : i32
          %and3A_433 = vector.broadcast %and3A_432 : i32 to vector<16xi32>
          %and3A_434 = arith.andi %get3A_423, %and3A_433 : vector<16xi32>
          %swap3A_435 = arith.index_cast %rem3A_341 : i32 to index
          %swap3A_436 = arith.constant 16 : index
          %swap3A_437 = tpu.vector_load %arg7[%swap3A_435, %swap3A_436] {strides = array<i32>} : memref<3x64xi32, #tpu.memory_space<vmem>>, vector<1x16xi32>,
          %swap3A_438 = vector.shape_cast %swap3A_437 : vector<1x16xi32> to vector<16xi32>
          %swap3A_439 = vector.shape_cast %and3A_434 : vector<16xi32> to vector<1x16xi32>
          tpu.vector_store %arg7[%swap3A_435, %swap3A_436], %swap3A_439 {strides = array<i32>} : memref<3x64xi32, #tpu.memory_space<vmem>>, vector<1x16xi32>,
          %get3A_440 = arith.index_cast %add3A_403 : i32 to index
          %get3A_441 = arith.constant 32 : index
          %get3A_442 = tpu.vector_load %arg5[%get3A_440, %get3A_441] {strides = array<i32>} : memref<160x64xi32, #tpu.memory_space<vmem>>, vector<1x16xi32>,
          %get3A_443 = vector.shape_cast %get3A_442 : vector<1x16xi32> to vector<16xi32>
          %shift_right_logical3A_444 = arith.constant 16 : i32
          %shift_right_logical3A_445 = vector.broadcast %shift_right_logical3A_444 : i32 to vector<16xi32>
          %shift_right_logical3A_446 = arith.shrui %get3A_443, %shift_right_logical3A_445 : vector<16xi32>
          %swap3A_447 = arith.index_cast %rem3A_341 : i32 to index
          %swap3A_448 = arith.constant 32 : index
          %swap3A_449 = tpu.vector_load %arg6[%swap3A_447, %swap3A_448] {strides = array<i32>} : memref<3x64xi32, #tpu.memory_space<vmem>>, vector<1x16xi32>,
          %swap3A_450 = vector.shape_cast %swap3A_449 : vector<1x16xi32> to vector<16xi32>
          %swap3A_451 = vector.shape_cast %shift_right_logical3A_446 : vector<16xi32> to vector<1x16xi32>
          tpu.vector_store %arg6[%swap3A_447, %swap3A_448], %swap3A_451 {strides = array<i32>} : memref<3x64xi32, #tpu.memory_space<vmem>>, vector<1x16xi32>,
          %and3A_452 = arith.constant 65535 : i32
          %and3A_453 = vector.broadcast %and3A_452 : i32 to vector<16xi32>
          %and3A_454 = arith.andi %get3A_443, %and3A_453 : vector<16xi32>
          %swap3A_455 = arith.index_cast %rem3A_341 : i32 to index
          %swap3A_456 = arith.constant 32 : index
          %swap3A_457 = tpu.vector_load %arg7[%swap3A_455, %swap3A_456] {strides = array<i32>} : memref<3x64xi32, #tpu.memory_space<vmem>>, vector<1x16xi32>,
          %swap3A_458 = vector.shape_cast %swap3A_457 : vector<1x16xi32> to vector<16xi32>
          %swap3A_459 = vector.shape_cast %and3A_454 : vector<16xi32> to vector<1x16xi32>
          tpu.vector_store %arg7[%swap3A_455, %swap3A_456], %swap3A_459 {strides = array<i32>} : memref<3x64xi32, #tpu.memory_space<vmem>>, vector<1x16xi32>,
          %get3A_460 = arith.index_cast %add3A_403 : i32 to index
          %get3A_461 = arith.constant 48 : index
          %get3A_462 = tpu.vector_load %arg5[%get3A_460, %get3A_461] {strides = array<i32>} : memref<160x64xi32, #tpu.memory_space<vmem>>, vector<1x16xi32>,
          %get3A_463 = vector.shape_cast %get3A_462 : vector<1x16xi32> to vector<16xi32>
          %shift_right_logical3A_464 = arith.constant 16 : i32
          %shift_right_logical3A_465 = vector.broadcast %shift_right_logical3A_464 : i32 to vector<16xi32>
          %shift_right_logical3A_466 = arith.shrui %get3A_463, %shift_right_logical3A_465 : vector<16xi32>
          %swap3A_467 = arith.index_cast %rem3A_341 : i32 to index
          %swap3A_468 = arith.constant 48 : index
          %swap3A_469 = tpu.vector_load %arg6[%swap3A_467, %swap3A_468] {strides = array<i32>} : memref<3x64xi32, #tpu.memory_space<vmem>>, vector<1x16xi32>,
          %swap3A_470 = vector.shape_cast %swap3A_469 : vector<1x16xi32> to vector<16xi32>
          %swap3A_471 = vector.shape_cast %shift_right_logical3A_466 : vector<16xi32> to vector<1x16xi32>
          tpu.vector_store %arg6[%swap3A_467, %swap3A_468], %swap3A_471 {strides = array<i32>} : memref<3x64xi32, #tpu.memory_space<vmem>>, vector<1x16xi32>,
          %and3A_472 = arith.constant 65535 : i32
          %and3A_473 = vector.broadcast %and3A_472 : i32 to vector<16xi32>
          %and3A_474 = arith.andi %get3A_463, %and3A_473 : vector<16xi32>
          %swap3A_475 = arith.index_cast %rem3A_341 : i32 to index
          %swap3A_476 = arith.constant 48 : index
          %swap3A_477 = tpu.vector_load %arg7[%swap3A_475, %swap3A_476] {strides = array<i32>} : memref<3x64xi32, #tpu.memory_space<vmem>>, vector<1x16xi32>,
          %swap3A_478 = vector.shape_cast %swap3A_477 : vector<1x16xi32> to vector<16xi32>
          %swap3A_479 = vector.shape_cast %and3A_474 : vector<16xi32> to vector<1x16xi32>
          tpu.vector_store %arg7[%swap3A_475, %swap3A_476], %swap3A_479 {strides = array<i32>} : memref<3x64xi32, #tpu.memory_space<vmem>>, vector<1x16xi32>,
          %dma_start3A_480 = arith.constant 0 : i32
          %dma_start3A_481 = arith.constant 0 : i32
          %dma_start3A_482 = tpu.memref_slice %arg8[%rem3A_341, %dma_start3A_480, %dma_start3A_481] : memref<3x64x128xf32, #tpu.memory_space<vmem>> -> memref<1x32x128xf32, #tpu.memory_space<vmem>>
          %dma_start3A_483 = tpu.memref_squeeze %dma_start3A_482 : memref<1x32x128xf32, #tpu.memory_space<vmem>> -> memref<32x128xf32, #tpu.memory_space<vmem>>
          %dma_start3A_484 = arith.constant 0 : i32
          %dma_start3A_485 = tpu.memref_slice %arg6[%rem3A_341, %dma_start3A_484] : memref<3x64xi32, #tpu.memory_space<vmem>> -> memref<1x32xi32, #tpu.memory_space<vmem>>
          %dma_start3A_486 = tpu.memref_squeeze %dma_start3A_485 : memref<1x32xi32, #tpu.memory_space<vmem>> -> memref<32xi32, #tpu.memory_space<vmem>>
          %dma_start3A_487 = arith.constant 0 : i32
          %dma_start3A_488 = arith.constant 0 : i32
          %dma_start3A_489 = tpu.memref_slice %arg3[%dma_start3A_487, %dma_start3A_488] : memref<10240x128xf32, #tpu.memory_space<hbm>> -> memref<10240x128xf32, #tpu.memory_space<hbm>>
          %dma_start3A_490 = tpu.memref_slice %arg9[%rem3A_341] : memref<3x!tpu.dma_semaphore, #tpu.memory_space<semaphore_mem>> -> memref<1x!tpu.dma_semaphore, #tpu.memory_space<semaphore_mem>>
          %dma_start3A_491 = tpu.memref_squeeze %dma_start3A_490 : memref<1x!tpu.dma_semaphore, #tpu.memory_space<semaphore_mem>> -> memref<!tpu.dma_semaphore, #tpu.memory_space<semaphore_mem>>
          tpu.enqueue_indirect_dma source(%dma_start3A_489 : memref<10240x128xf32, #tpu.memory_space<hbm>>) target(%dma_start3A_483 : memref<32x128xf32, #tpu.memory_space<vmem>>) offsets(%dma_start3A_486 : memref<32xi32, #tpu.memory_space<vmem>>) semaphore(%dma_start3A_491 : memref<!tpu.dma_semaphore, #tpu.memory_space<semaphore_mem>>)
          %dma_start3A_492 = arith.constant 32 : i32
          %dma_start3A_493 = arith.constant 0 : i32
          %dma_start3A_494 = tpu.memref_slice %arg8[%rem3A_341, %dma_start3A_492, %dma_start3A_493] : memref<3x64x128xf32, #tpu.memory_space<vmem>> -> memref<1x32x128xf32, #tpu.memory_space<vmem>>
          %dma_start3A_495 = tpu.memref_squeeze %dma_start3A_494 : memref<1x32x128xf32, #tpu.memory_space<vmem>> -> memref<32x128xf32, #tpu.memory_space<vmem>>
          %dma_start3A_496 = arith.constant 32 : i32
          %dma_start3A_497 = tpu.memref_slice %arg6[%rem3A_341, %dma_start3A_496] : memref<3x64xi32, #tpu.memory_space<vmem>> -> memref<1x32xi32, #tpu.memory_space<vmem>>
          %dma_start3A_498 = tpu.memref_squeeze %dma_start3A_497 : memref<1x32xi32, #tpu.memory_space<vmem>> -> memref<32xi32, #tpu.memory_space<vmem>>
          %dma_start3A_499 = arith.constant 0 : i32
          %dma_start3A_500 = arith.constant 0 : i32
          %dma_start3A_501 = tpu.memref_slice %arg3[%dma_start3A_499, %dma_start3A_500] : memref<10240x128xf32, #tpu.memory_space<hbm>> -> memref<10240x128xf32, #tpu.memory_space<hbm>>
          %dma_start3A_502 = tpu.memref_slice %arg10[%rem3A_341] : memref<3x!tpu.dma_semaphore, #tpu.memory_space<semaphore_mem>> -> memref<1x!tpu.dma_semaphore, #tpu.memory_space<semaphore_mem>>
          %dma_start3A_503 = tpu.memref_squeeze %dma_start3A_502 : memref<1x!tpu.dma_semaphore, #tpu.memory_space<semaphore_mem>> -> memref<!tpu.dma_semaphore, #tpu.memory_space<semaphore_mem>>
          tpu.enqueue_indirect_dma source(%dma_start3A_501 : memref<10240x128xf32, #tpu.memory_space<hbm>>) target(%dma_start3A_495 : memref<32x128xf32, #tpu.memory_space<vmem>>) offsets(%dma_start3A_498 : memref<32xi32, #tpu.memory_space<vmem>>) semaphore(%dma_start3A_503 : memref<!tpu.dma_semaphore, #tpu.memory_space<semaphore_mem>>)
        } else {
        }
      } else {
      }
    }
    %scan3A_318 = arith.constant 157 : i32
    %dma_wait3A_319 = arith.constant 0 : i32
    %dma_wait3A_320 = arith.constant 0 : i32
    %dma_wait3A_321 = arith.constant 0 : i32
    %dma_wait3A_322 = arith.constant 0 : i32
    %dma_wait3A_323 = arith.constant 0 : i32
    %dma_wait3A_324 = tpu.memref_slice %arg8[%dma_wait3A_319, %dma_wait3A_322, %dma_wait3A_323] : memref<3x64x128xf32, #tpu.memory_space<vmem>> -> memref<1x64x128xf32, #tpu.memory_space<vmem>>
    %dma_wait3A_325 = tpu.memref_squeeze %dma_wait3A_324 : memref<1x64x128xf32, #tpu.memory_space<vmem>> -> memref<64x128xf32, #tpu.memory_space<vmem>>
    %dma_wait3A_326 = arith.constant 0 : i32
    %dma_wait3A_327 = tpu.memref_slice %arg7[%dma_wait3A_320, %dma_wait3A_326] : memref<3x64xi32, #tpu.memory_space<vmem>> -> memref<1x64xi32, #tpu.memory_space<vmem>>
    %dma_wait3A_328 = tpu.memref_squeeze %dma_wait3A_327 : memref<1x64xi32, #tpu.memory_space<vmem>> -> memref<64xi32, #tpu.memory_space<vmem>>
    %dma_wait3A_329 = arith.constant 0 : i32
    %dma_wait3A_330 = arith.constant 0 : i32
    %dma_wait3A_331 = tpu.memref_slice %arg13[%dma_wait3A_329, %dma_wait3A_330] : memref<10240x128xf32, #tpu.memory_space<vmem_shared>> -> memref<10240x128xf32, #tpu.memory_space<vmem_shared>>
    %dma_wait3A_332 = tpu.memref_slice %arg11[%dma_wait3A_321] : memref<3x!tpu.dma_semaphore, #tpu.memory_space<semaphore_mem>> -> memref<1x!tpu.dma_semaphore, #tpu.memory_space<semaphore_mem>>
    %dma_wait3A_333 = tpu.memref_squeeze %dma_wait3A_332 : memref<1x!tpu.dma_semaphore, #tpu.memory_space<semaphore_mem>> -> memref<!tpu.dma_semaphore, #tpu.memory_space<semaphore_mem>>
    tpu.wait_indirect_dma semaphore(%dma_wait3A_333 : memref<!tpu.dma_semaphore, #tpu.memory_space<semaphore_mem>>) src(%dma_wait3A_325 : memref<64x128xf32, #tpu.memory_space<vmem>>) dst(%dma_wait3A_331 : memref<10240x128xf32, #tpu.memory_space<vmem_shared>>)
    %barrier3A_334 = arith.constant 0 : index
    tpu.barrier barrier_id(%barrier3A_334)
    "tpu.region"() ({
      %run_scoped3A = tpu.sem_alloc : memref<!tpu.dma_semaphore, #tpu.memory_space<semaphore_mem>>
      %dma_start3A_335 = arith.constant 0 : i32
      %dma_start3A_336 = tpu.memref_slice %arg4[%arg0, %multiple_of3A, %dma_start3A_335] : memref<2x10240x128xf32, #tpu.memory_space<hbm>> -> memref<1x640x128xf32, #tpu.memory_space<hbm>>
      %dma_start3A_337 = tpu.memref_squeeze %dma_start3A_336 : memref<1x640x128xf32, #tpu.memory_space<hbm>> -> memref<640x128xf32, #tpu.memory_space<hbm>>
      %dma_start3A_338 = arith.constant 0 : i32
      %dma_start3A_339 = tpu.memref_slice %arg13[%multiple_of3A, %dma_start3A_338] : memref<10240x128xf32, #tpu.memory_space<vmem_shared>> -> memref<640x128xf32, #tpu.memory_space<vmem_shared>>
      tpu.enqueue_dma source(%dma_start3A_339 : memref<640x128xf32, #tpu.memory_space<vmem_shared>>) target(%dma_start3A_337 : memref<640x128xf32, #tpu.memory_space<hbm>>) target_semaphore(%run_scoped3A : memref<!tpu.dma_semaphore, #tpu.memory_space<semaphore_mem>>)
      %dma_wait3A_340 = arith.constant 0 : i32
      %dma_wait3A_341 = tpu.memref_slice %arg4[%arg0, %multiple_of3A, %dma_wait3A_340] : memref<2x10240x128xf32, #tpu.memory_space<hbm>> -> memref<1x640x128xf32, #tpu.memory_space<hbm>>
      %dma_wait3A_342 = tpu.memref_squeeze %dma_wait3A_341 : memref<1x640x128xf32, #tpu.memory_space<hbm>> -> memref<640x128xf32, #tpu.memory_space<hbm>>
      %dma_wait3A_343 = arith.constant 0 : i32
      %dma_wait3A_344 = tpu.memref_slice %arg13[%multiple_of3A, %dma_wait3A_343] : memref<10240x128xf32, #tpu.memory_space<vmem_shared>> -> memref<640x128xf32, #tpu.memory_space<vmem_shared>>
      tpu.wait_dma2 semaphore(%run_scoped3A : memref<!tpu.dma_semaphore, #tpu.memory_space<semaphore_mem>>) src(%dma_wait3A_344 : memref<640x128xf32, #tpu.memory_space<vmem_shared>>) dst(%dma_wait3A_342 : memref<640x128xf32, #tpu.memory_space<hbm>>)
      tpu.yield
    }) : () -> ()
    return
  }
}

module attributes {stable_mosaic.version = 14 : i64} {
  func.func @_tcmm_body(%arg0: i32, %arg1: memref<1024x128xf32, #tpu.memory_space<vmem>>, %arg2: memref<128x128xf32, #tpu.memory_space<vmem>>, %arg3: memref<1024x128xf32, #tpu.memory_space<vmem>>) attributes {dimension_semantics = [#tpu.dimension_semantics<arbitrary>], iteration_bounds = array<i64: 10>, scalar_prefetch = 0 : i64, scratch_operands = 0 : i64, tpu.core_type = #tpu.core_type<tc>, window_params = [{transform_indices = @transform_0, window_bounds = array<i64: 1024, 128>}, {pipeline_mode = #tpu.pipeline_mode<synchronous>, transform_indices = @transform_1, window_bounds = array<i64: 128, 128>}, {transform_indices = @transform_2, window_bounds = array<i64: 1024, 128>}]} {
    %get3A = arith.constant 0 : index
    %get3A_0 = arith.constant 0 : index
    %get3A_1 = vector.load %arg1[%get3A, %get3A_0] : memref<1024x128xf32, #tpu.memory_space<vmem>>, vector<1024x128xf32>
    %get3A_2 = arith.constant 0 : index
    %get3A_3 = arith.constant 0 : index
    %get3A_4 = vector.load %arg2[%get3A_2, %get3A_3] : memref<128x128xf32, #tpu.memory_space<vmem>>, vector<128x128xf32>
    %dot_general3A = arith.constant dense<0.000000e+00> : vector<1024x128xf32>
    %dot_general3A_5 = tpu.matmul %get3A_1, %get3A_4, %dot_general3A {dimension_numbers = #tpu.dot_dimension_numbers<[1], [0], [0], [1], [0, 0, 1, 1], [], []>, precision = #tpu.contract_precision<fp32>, transpose_lhs_hint = false} : vector<1024x128xf32>, vector<128x128xf32>, vector<1024x128xf32> -> vector<1024x128xf32>
    %swap3A = arith.constant 0 : index
    %swap3A_6 = arith.constant 0 : index
    %swap3A_7 = vector.load %arg3[%swap3A, %swap3A_6] : memref<1024x128xf32, #tpu.memory_space<vmem>>, vector<1024x128xf32>
    tpu.vector_store %arg3[%swap3A, %swap3A_6], %dot_general3A_5 {strides = array<i32>} : memref<1024x128xf32, #tpu.memory_space<vmem>>, vector<1024x128xf32>,
    return
  }
  func.func @transform_0(%arg0: i32) -> (i32, i32) {
    %c0_i32 = arith.constant 0 : i32
    %c0_i32_0 = arith.constant 0 : i32
    return %arg0, %c0_i32 : i32, i32
  }
  func.func @transform_1(%arg0: i32) -> (i32, i32) {
    %c0_i32 = arith.constant 0 : i32
    %c0_i32_0 = arith.constant 0 : i32
    %c0_i32_1 = arith.constant 0 : i32
    return %c0_i32, %c0_i32_0 : i32, i32
  }
  func.func @transform_2(%arg0: i32) -> (i32, i32) {
    %c0_i32 = arith.constant 0 : i32
    %c0_i32_0 = arith.constant 0 : i32
    return %arg0, %c0_i32 : i32, i32
  }
}

module attributes {stable_mosaic.version = 14 : i64} {
  func.func @_tcscale_body(%arg0: i32, %arg1: memref<1024x128xf32, #tpu.memory_space<vmem>>, %arg2: memref<1024x2xf32, #tpu.memory_space<vmem>>, %arg3: memref<1024x128xf32, #tpu.memory_space<vmem>>) attributes {dimension_semantics = [#tpu.dimension_semantics<arbitrary>], iteration_bounds = array<i64: 10>, scalar_prefetch = 0 : i64, scratch_operands = 0 : i64, tpu.core_type = #tpu.core_type<tc>, window_params = [{transform_indices = @transform_0, window_bounds = array<i64: 1024, 128>}, {transform_indices = @transform_1, window_bounds = array<i64: 1024, 2>}, {transform_indices = @transform_2, window_bounds = array<i64: 1024, 128>}]} {
    %get3A = arith.constant 0 : index
    %get3A_0 = arith.constant 0 : index
    %get3A_1 = vector.load %arg2[%get3A, %get3A_0] : memref<1024x2xf32, #tpu.memory_space<vmem>>, vector<1024x2xf32>
    %slice3A = vector.extract_strided_slice %get3A_1 {offsets = [0, 0], sizes = [1024, 1], strides = [1, 1]} : vector<1024x2xf32> to vector<1024x1xf32>
    %slice3A_2 = vector.extract_strided_slice %get3A_1 {offsets = [0, 1], sizes = [1024, 1], strides = [1, 1]} : vector<1024x2xf32> to vector<1024x1xf32>
    %add3A = arith.addf %slice3A, %slice3A_2 : vector<1024x1xf32>
    %add3A_3 = arith.constant 1.000000e+00 : f32
    %add3A_4 = vector.broadcast %add3A_3 : f32 to vector<1024x1xf32>
    %add3A_5 = arith.addf %add3A, %add3A_4 : vector<1024x1xf32>
    %rsqrt3A = math.rsqrt %add3A_5 : vector<1024x1xf32>
    %get3A_6 = arith.constant 0 : index
    %get3A_7 = arith.constant 0 : index
    %get3A_8 = vector.load %arg1[%get3A_6, %get3A_7] : memref<1024x128xf32, #tpu.memory_space<vmem>>, vector<1024x128xf32>
    %mul3A = vector.broadcast %rsqrt3A : vector<1024x1xf32> to vector<1024x128xf32>
    %mul3A_9 = arith.mulf %get3A_8, %mul3A : vector<1024x128xf32>
    %swap3A = arith.constant 0 : index
    %swap3A_10 = arith.constant 0 : index
    %swap3A_11 = vector.load %arg3[%swap3A, %swap3A_10] : memref<1024x128xf32, #tpu.memory_space<vmem>>, vector<1024x128xf32>
    tpu.vector_store %arg3[%swap3A, %swap3A_10], %mul3A_9 {strides = array<i32>} : memref<1024x128xf32, #tpu.memory_space<vmem>>, vector<1024x128xf32>,
    return
  }
  func.func @transform_0(%arg0: i32) -> (i32, i32) {
    %c0_i32 = arith.constant 0 : i32
    %c0_i32_0 = arith.constant 0 : i32
    return %arg0, %c0_i32 : i32, i32
  }
  func.func @transform_1(%arg0: i32) -> (i32, i32) {
    %c0_i32 = arith.constant 0 : i32
    %c0_i32_0 = arith.constant 0 : i32
    return %arg0, %c0_i32 : i32, i32
  }
  func.func @transform_2(%arg0: i32) -> (i32, i32) {
    %c0_i32 = arith.constant 0 : i32
    %c0_i32_0 = arith.constant 0 : i32
    return %arg0, %c0_i32 : i32, i32
  }
}

module attributes {stable_mosaic.version = 14 : i64} {
  func.func @_tc2_body(%arg0: i32, %arg1: memref<2x1024x128xf32, #tpu.memory_space<vmem>>, %arg2: memref<1024x128xf32, #tpu.memory_space<vmem>>, %arg3: memref<1024x2xf32, #tpu.memory_space<vmem>>, %arg4: memref<1x128xf32, #tpu.memory_space<vmem>>, %arg5: memref<1024x128xf32, #tpu.memory_space<vmem>>) attributes {dimension_semantics = [#tpu.dimension_semantics<arbitrary>], iteration_bounds = array<i64: 10>, scalar_prefetch = 0 : i64, scratch_operands = 0 : i64, tpu.core_type = #tpu.core_type<tc>, window_params = [{transform_indices = @transform_0, window_bounds = array<i64: 2, 1024, 128>}, {transform_indices = @transform_1, window_bounds = array<i64: 1024, 128>}, {transform_indices = @transform_2, window_bounds = array<i64: 1024, 2>}, {pipeline_mode = #tpu.pipeline_mode<synchronous>, transform_indices = @transform_3, window_bounds = array<i64: 1, 128>}, {transform_indices = @transform_4, window_bounds = array<i64: 1024, 128>}]} {
    %get3A = arith.constant 0 : index
    %get3A_0 = arith.constant 0 : index
    %get3A_1 = vector.load %arg3[%get3A, %get3A_0] : memref<1024x2xf32, #tpu.memory_space<vmem>>, vector<1024x2xf32>
    %slice3A = vector.extract_strided_slice %get3A_1 {offsets = [0, 0], sizes = [1024, 1], strides = [1, 1]} : vector<1024x2xf32> to vector<1024x1xf32>
    %slice3A_2 = vector.extract_strided_slice %get3A_1 {offsets = [0, 1], sizes = [1024, 1], strides = [1, 1]} : vector<1024x2xf32> to vector<1024x1xf32>
    %add3A = arith.addf %slice3A, %slice3A_2 : vector<1024x1xf32>
    %add3A_3 = arith.constant 1.000000e+00 : f32
    %add3A_4 = vector.broadcast %add3A_3 : f32 to vector<1024x1xf32>
    %add3A_5 = arith.addf %add3A, %add3A_4 : vector<1024x1xf32>
    %rsqrt3A = math.rsqrt %add3A_5 : vector<1024x1xf32>
    %get3A_6 = arith.constant 0 : index
    %get3A_7 = arith.constant 0 : index
    %get3A_8 = arith.constant 0 : index
    %get3A_9 = vector.load %arg1[%get3A_6, %get3A_7, %get3A_8] : memref<2x1024x128xf32, #tpu.memory_space<vmem>>, vector<1x1024x128xf32>
    %get3A_10 = vector.shape_cast %get3A_9 : vector<1x1024x128xf32> to vector<1024x128xf32>
    %get3A_11 = arith.constant 1 : index
    %get3A_12 = arith.constant 0 : index
    %get3A_13 = arith.constant 0 : index
    %get3A_14 = vector.load %arg1[%get3A_11, %get3A_12, %get3A_13] : memref<2x1024x128xf32, #tpu.memory_space<vmem>>, vector<1x1024x128xf32>
    %get3A_15 = vector.shape_cast %get3A_14 : vector<1x1024x128xf32> to vector<1024x128xf32>
    %add3A_16 = arith.addf %get3A_10, %get3A_15 : vector<1024x128xf32>
    %get3A_17 = arith.constant 0 : index
    %get3A_18 = arith.constant 0 : index
    %get3A_19 = vector.load %arg2[%get3A_17, %get3A_18] : memref<1024x128xf32, #tpu.memory_space<vmem>>, vector<1024x128xf32>
    %add3A_20 = arith.addf %add3A_16, %get3A_19 : vector<1024x128xf32>
    %mul3A = vector.broadcast %rsqrt3A : vector<1024x1xf32> to vector<1024x128xf32>
    %mul3A_21 = arith.mulf %add3A_20, %mul3A : vector<1024x128xf32>
    %get3A_22 = arith.constant 0 : index
    %get3A_23 = arith.constant 0 : index
    %get3A_24 = vector.load %arg4[%get3A_22, %get3A_23] : memref<1x128xf32, #tpu.memory_space<vmem>>, vector<1x128xf32>
    %add3A_25 = vector.broadcast %get3A_24 : vector<1x128xf32> to vector<1024x128xf32>
    %add3A_26 = arith.addf %mul3A_21, %add3A_25 : vector<1024x128xf32>
    %max3A = arith.constant 0.000000e+00 : f32
    %max3A_27 = vector.broadcast %max3A : f32 to vector<1024x128xf32>
    %max3A_28 = arith.maximumf %add3A_26, %max3A_27 : vector<1024x128xf32>
    %mul3A_29 = vector.broadcast %rsqrt3A : vector<1024x1xf32> to vector<1024x128xf32>
    %mul3A_30 = arith.mulf %max3A_28, %mul3A_29 : vector<1024x128xf32>
    %swap3A = arith.constant 0 : index
    %swap3A_31 = arith.constant 0 : index
    %swap3A_32 = vector.load %arg5[%swap3A, %swap3A_31] : memref<1024x128xf32, #tpu.memory_space<vmem>>, vector<1024x128xf32>
    tpu.vector_store %arg5[%swap3A, %swap3A_31], %mul3A_30 {strides = array<i32>} : memref<1024x128xf32, #tpu.memory_space<vmem>>, vector<1024x128xf32>,
    return
  }
  func.func @transform_0(%arg0: i32) -> (i32, i32, i32) {
    %c0_i32 = arith.constant 0 : i32
    %c0_i32_0 = arith.constant 0 : i32
    %c0_i32_1 = arith.constant 0 : i32
    return %c0_i32, %arg0, %c0_i32_0 : i32, i32, i32
  }
  func.func @transform_1(%arg0: i32) -> (i32, i32) {
    %c0_i32 = arith.constant 0 : i32
    %c0_i32_0 = arith.constant 0 : i32
    return %arg0, %c0_i32 : i32, i32
  }
  func.func @transform_2(%arg0: i32) -> (i32, i32) {
    %c0_i32 = arith.constant 0 : i32
    %c0_i32_0 = arith.constant 0 : i32
    return %arg0, %c0_i32 : i32, i32
  }
  func.func @transform_3(%arg0: i32) -> (i32, i32) {
    %c0_i32 = arith.constant 0 : i32
    %c0_i32_0 = arith.constant 0 : i32
    %c0_i32_1 = arith.constant 0 : i32
    return %c0_i32, %c0_i32_0 : i32, i32
  }
  func.func @transform_4(%arg0: i32) -> (i32, i32) {
    %c0_i32 = arith.constant 0 : i32
    %c0_i32_0 = arith.constant 0 : i32
    return %arg0, %c0_i32 : i32, i32
  }
}

module attributes {stable_mosaic.version = 14 : i64} {
  func.func @_tc3_body(%arg0: i32, %arg1: memref<2x1024x128xf32, #tpu.memory_space<vmem>>, %arg2: memref<1024x128xf32, #tpu.memory_space<vmem>>, %arg3: memref<1024x2xf32, #tpu.memory_space<vmem>>, %arg4: memref<128x40xf32, #tpu.memory_space<vmem>>, %arg5: memref<1x40xf32, #tpu.memory_space<vmem>>, %arg6: memref<1024x40xf32, #tpu.memory_space<vmem>>) attributes {dimension_semantics = [#tpu.dimension_semantics<arbitrary>], iteration_bounds = array<i64: 10>, scalar_prefetch = 0 : i64, scratch_operands = 0 : i64, tpu.core_type = #tpu.core_type<tc>, window_params = [{transform_indices = @transform_0, window_bounds = array<i64: 2, 1024, 128>}, {transform_indices = @transform_1, window_bounds = array<i64: 1024, 128>}, {transform_indices = @transform_2, window_bounds = array<i64: 1024, 2>}, {pipeline_mode = #tpu.pipeline_mode<synchronous>, transform_indices = @transform_3, window_bounds = array<i64: 128, 40>}, {pipeline_mode = #tpu.pipeline_mode<synchronous>, transform_indices = @transform_4, window_bounds = array<i64: 1, 40>}, {transform_indices = @transform_5, window_bounds = array<i64: 1024, 40>}]} {
    %get3A = arith.constant 0 : index
    %get3A_0 = arith.constant 0 : index
    %get3A_1 = vector.load %arg3[%get3A, %get3A_0] : memref<1024x2xf32, #tpu.memory_space<vmem>>, vector<1024x2xf32>
    %slice3A = vector.extract_strided_slice %get3A_1 {offsets = [0, 0], sizes = [1024, 1], strides = [1, 1]} : vector<1024x2xf32> to vector<1024x1xf32>
    %slice3A_2 = vector.extract_strided_slice %get3A_1 {offsets = [0, 1], sizes = [1024, 1], strides = [1, 1]} : vector<1024x2xf32> to vector<1024x1xf32>
    %add3A = arith.addf %slice3A, %slice3A_2 : vector<1024x1xf32>
    %add3A_3 = arith.constant 1.000000e+00 : f32
    %add3A_4 = vector.broadcast %add3A_3 : f32 to vector<1024x1xf32>
    %add3A_5 = arith.addf %add3A, %add3A_4 : vector<1024x1xf32>
    %rsqrt3A = math.rsqrt %add3A_5 : vector<1024x1xf32>
    %get3A_6 = arith.constant 0 : index
    %get3A_7 = arith.constant 0 : index
    %get3A_8 = arith.constant 0 : index
    %get3A_9 = vector.load %arg1[%get3A_6, %get3A_7, %get3A_8] : memref<2x1024x128xf32, #tpu.memory_space<vmem>>, vector<1x1024x128xf32>
    %get3A_10 = vector.shape_cast %get3A_9 : vector<1x1024x128xf32> to vector<1024x128xf32>
    %get3A_11 = arith.constant 1 : index
    %get3A_12 = arith.constant 0 : index
    %get3A_13 = arith.constant 0 : index
    %get3A_14 = vector.load %arg1[%get3A_11, %get3A_12, %get3A_13] : memref<2x1024x128xf32, #tpu.memory_space<vmem>>, vector<1x1024x128xf32>
    %get3A_15 = vector.shape_cast %get3A_14 : vector<1x1024x128xf32> to vector<1024x128xf32>
    %add3A_16 = arith.addf %get3A_10, %get3A_15 : vector<1024x128xf32>
    %get3A_17 = arith.constant 0 : index
    %get3A_18 = arith.constant 0 : index
    %get3A_19 = vector.load %arg2[%get3A_17, %get3A_18] : memref<1024x128xf32, #tpu.memory_space<vmem>>, vector<1024x128xf32>
    %add3A_20 = arith.addf %add3A_16, %get3A_19 : vector<1024x128xf32>
    %mul3A = vector.broadcast %rsqrt3A : vector<1024x1xf32> to vector<1024x128xf32>
    %mul3A_21 = arith.mulf %add3A_20, %mul3A : vector<1024x128xf32>
    %get3A_22 = arith.constant 0 : index
    %get3A_23 = arith.constant 0 : index
    %get3A_24 = vector.load %arg4[%get3A_22, %get3A_23] : memref<128x40xf32, #tpu.memory_space<vmem>>, vector<128x40xf32>
    %dot_general3A = arith.constant dense<0.000000e+00> : vector<1024x40xf32>
    %dot_general3A_25 = tpu.matmul %mul3A_21, %get3A_24, %dot_general3A {dimension_numbers = #tpu.dot_dimension_numbers<[1], [0], [0], [1], [0, 0, 1, 1], [], []>, precision = #tpu.contract_precision<fp32>, transpose_lhs_hint = false} : vector<1024x128xf32>, vector<128x40xf32>, vector<1024x40xf32> -> vector<1024x40xf32>
    %get3A_26 = arith.constant 0 : index
    %get3A_27 = arith.constant 0 : index
    %get3A_28 = vector.load %arg5[%get3A_26, %get3A_27] : memref<1x40xf32, #tpu.memory_space<vmem>>, vector<1x40xf32>
    %add3A_29 = vector.broadcast %get3A_28 : vector<1x40xf32> to vector<1024x40xf32>
    %add3A_30 = arith.addf %dot_general3A_25, %add3A_29 : vector<1024x40xf32>
    %reduce_max3A = arith.constant dense<0xFF800000> : vector<1024xf32>
    %reduce_max3A_31 = vector.multi_reduction <maximumf>, %add3A_30, %reduce_max3A [1] : vector<1024x40xf32> to vector<1024xf32>
    %broadcast_in_dim3A = vector.shape_cast %reduce_max3A_31 : vector<1024xf32> to vector<1024x1xf32>
    %sub3A = vector.broadcast %broadcast_in_dim3A : vector<1024x1xf32> to vector<1024x40xf32>
    %sub3A_32 = arith.subf %add3A_30, %sub3A : vector<1024x40xf32>
    %exp3A = math.exp %sub3A_32 : vector<1024x40xf32>
    %reduce_sum3A = arith.constant dense<0.000000e+00> : vector<1024xf32>
    %reduce_sum3A_33 = vector.multi_reduction <add>, %exp3A, %reduce_sum3A [1] : vector<1024x40xf32> to vector<1024xf32>
    %broadcast_in_dim3A_34 = vector.shape_cast %reduce_sum3A_33 : vector<1024xf32> to vector<1024x1xf32>
    %log3A = math.log %broadcast_in_dim3A_34 : vector<1024x1xf32>
    %sub3A_35 = vector.broadcast %broadcast_in_dim3A : vector<1024x1xf32> to vector<1024x40xf32>
    %sub3A_36 = arith.subf %add3A_30, %sub3A_35 : vector<1024x40xf32>
    %sub3A_37 = vector.broadcast %log3A : vector<1024x1xf32> to vector<1024x40xf32>
    %sub3A_38 = arith.subf %sub3A_36, %sub3A_37 : vector<1024x40xf32>
    %swap3A = arith.constant 0 : index
    %swap3A_39 = arith.constant 0 : index
    %swap3A_40 = vector.load %arg6[%swap3A, %swap3A_39] : memref<1024x40xf32, #tpu.memory_space<vmem>>, vector<1024x40xf32>
    tpu.vector_store %arg6[%swap3A, %swap3A_39], %sub3A_38 {strides = array<i32>} : memref<1024x40xf32, #tpu.memory_space<vmem>>, vector<1024x40xf32>,
    return
  }
  func.func @transform_0(%arg0: i32) -> (i32, i32, i32) {
    %c0_i32 = arith.constant 0 : i32
    %c0_i32_0 = arith.constant 0 : i32
    %c0_i32_1 = arith.constant 0 : i32
    return %c0_i32, %arg0, %c0_i32_0 : i32, i32, i32
  }
  func.func @transform_1(%arg0: i32) -> (i32, i32) {
    %c0_i32 = arith.constant 0 : i32
    %c0_i32_0 = arith.constant 0 : i32
    return %arg0, %c0_i32 : i32, i32
  }
  func.func @transform_2(%arg0: i32) -> (i32, i32) {
    %c0_i32 = arith.constant 0 : i32
    %c0_i32_0 = arith.constant 0 : i32
    return %arg0, %c0_i32 : i32, i32
  }
  func.func @transform_3(%arg0: i32) -> (i32, i32) {
    %c0_i32 = arith.constant 0 : i32
    %c0_i32_0 = arith.constant 0 : i32
    %c0_i32_1 = arith.constant 0 : i32
    return %c0_i32, %c0_i32_0 : i32, i32
  }
  func.func @transform_4(%arg0: i32) -> (i32, i32) {
    %c0_i32 = arith.constant 0 : i32
    %c0_i32_0 = arith.constant 0 : i32
    %c0_i32_1 = arith.constant 0 : i32
    return %c0_i32, %c0_i32_0 : i32, i32
  }
  func.func @transform_5(%arg0: i32) -> (i32, i32) {
    %c0_i32 = arith.constant 0 : i32
    %c0_i32_0 = arith.constant 0 : i32
    return %arg0, %c0_i32 : i32, i32
  }
}

</mosaic_0001>

<sc_bundles>
// kernel: kernel.12.cloned.1.call-start
scs
__scs_entry_jumppad:
0x0: {  	(pc) =	sbr.rel $0x88, $3  }
0x1: {  	(tag) =	ssettag $0x0;
	lr =	simm.s32 $0x1  }
0x2: {  	[smem:$0x3F9B] =	sst lr;
	_ =	strace $0xD0000000  }
0x3: {  	_ = 	snop  }
0x4: {  	_ = 	snop  }
0x5: {  	_ = 	snop  }
0x6: {  	_ = 	snop  }
0x7: {  	_ = 	snop  }
__scs_overlays_trampoline_lowered:
0x8: {  	[smem:$0x3FAA] =	sst s0  }
0x9: {  	[smem:$0x3FAB] =	sst s1  }
0xa: {  	[smem:$0x3FAC] =	sst s2  }
0xb: {  	[smem:$0x3FAD] =	sst s3  }
0xc: {  	[smem:$0x3FAE] =	sst s4  }
0xd: {  	[smem:$0x3FAF] =	sst s5  }
0xe: {  	[smem:$0x3FB0] =	sst s6  }
0xf: {  	[smem:$0x3FB1] =	sst s7  }
0x10: {  	[smem:$0x3FB2] =	sst s8  }
0x11: {  	[smem:$0x3FB3] =	sst s9;
	s0 =	simm.s32 @!p0 $0x0  }
0x12: {  	s1 =	sld [smem:$0x3F99];
	s0 =	simm.s32 @p0 $0x1  }
0x13: {  	[smem:$0x3FB4] =	sst s0;
	s0 =	simm.s32 @!p1 $0x0  }
0x14: {  	s2 =	sld [smem:$0x3F98];
	s0 =	simm.s32 @p1 $0x1  }
0x15: {  	[smem:$0x3FB5] =	sst s0;
	s0 =	simm.s32 @!p2 $0x0  }
0x16: {  	s3 =	sld [smem:$0x3FDB];
	s0 =	simm.s32 @p2 $0x1  }
0x17: {  	s4 =	simm.s32 $0x1BF5;
	[smem:$0x3FB7] =	sst s0  }
0x18: {  	s0 =	sld [smem:$0x3F9A];
	_ =	swait.ge [sflag:s4], $0x0  }
0x19: {  	s7 =	sld [smem:$0x3F9B]  }
0x1a: {  	s8 =	sadd.s32 $0xFFFFE003, lr  }
0x1b: {  	s9 =	sadd.s32 $0xFFFFFEF7, lr;
	s5 =	simm.s32 $0xFFFFFFFF;
	p2 =	slt.u32 s8, $0xFFFFF086  }
0x1c: {  	p1 =	slt.u32 s9, $0xF7A;
	s5 =	simm.s32 @!p2 $0x0  }
0x1d: {  	s5 =	simm.s32 @p1 $0x1;
	p0 =	seq.s32 s7, s2  }
0x1e: {  	s7 =	smul.u32 @!p0 $0xF7A, s2;
	p2 =	seq.s32 @!p0 s5, $0x0  }
0x1f: {  	s9 =	smul.u32 $0xF7A, s1;
	s8 =	simm.s32 @!p0 $0x1BF5;
	p2 =	por !p2, p0  }
0x20: {  	[sflag:s8] =	ssyncset.s32 @!p0 $0xFFFFF086;
	s6 =	sadd.s32 @!p0 s3, s7;
	s7 =	simm.s32 @!p0 $0x108  }
0x21: {  	s3 =	sadd.s32 s3, s9;
	s6 =	sadd.s32 @!p0 $0x88, s6;
	s7 =	simm.s32 @p2 $0x1082  }
0x22: {  	[simem:s7], [sflag:s8] =	dma.local @!p0 [hbm:s6], $0xF7A  }
0x23: {  	s9 =	sor.u32 $0xD0000000, s2;
	s6 =	simm.s32 $0x108;
	_ =	swait.ge @!p0 [sflag:s8], $0x0  }
0x24: {  	s3 =	sadd.s32 $0x88, s3;
	s6 =	simm.s32 @!p1 $0x1082;
	[sflag:s4] =	ssyncset.s32 $0xFFFFF086  }
0x25: {  	[simem:s6], [sflag:s4] =	dma.local [hbm:s3], $0xF7A  }
0x26: {  	[smem:$0x3F9B] =	sst s1;
	(tag) =	ssettag s2;
	_ =	strace s9  }
0x27: {  	s1 =	sld [smem:$0x3FAB]  }
0x28: {  	s2 =	sld [smem:$0x3FAC]  }
0x29: {  	s4 =	sld [smem:$0x3FAE]  }
0x2a: {  	p0 =	seq.s32 s5, $0x0;
	s5 =	sld [smem:$0x3FAF]  }
0x2b: {  	s6 =	sld [smem:$0x3FB0]  }
0x2c: {  	s7 =	sld [smem:$0x3FB1]  }
0x2d: {  	s3 =	simm.s32 $0x108;
	s8 =	sld [smem:$0x3FB2]  }
0x2e: {  	s3 =	simm.s32 @!p0 $0x1082;
	s9 =	sld [smem:$0x3FB3]  }
0x2f: {  	lr =	sadd.s32 s0, s3;
	s0 =	sld [smem:$0x3FAA]  }
0x30: {  	s3 =	sld [smem:$0x3FAD]  }
0x31: {  	[smem:$0x3FB6] =	sst s10  }
0x32: {  	s10 =	sld [smem:$0x3FB4];
	_ =	sdelay $0x3  }
0x33: {  	p0 =	seq.s32 s10, $0x1;
	s10 =	sld [smem:$0x3FB6];
	_ =	sdelay $0x3  }
0x34: {  	[smem:$0x3FB6] =	sst s10  }
0x35: {  	s10 =	sld [smem:$0x3FB5];
	_ =	sdelay $0x3  }
0x36: {  	p1 =	seq.s32 s10, $0x1;
	s10 =	sld [smem:$0x3FB6];
	_ =	sdelay $0x3  }
0x37: {  	[smem:$0x3FB6] =	sst s10  }
0x38: {  	s10 =	sld [smem:$0x3FB7]  }
0x39: {  	_ = 	snop;
	(pc) =	sbr.ind lr, $3  }
0x3a: {  	_ = 	snop  }
0x3b: {  	_ = 	snop  }
0x3c: {  	p2 =	seq.s32 s10, $0x1;
	s10 =	sld [smem:$0x3FB6]  }
0x3d: {  	_ =	shalt  }
0x3e: {  	_ =	shalt  }
0x3f: {  	_ =	shalt  }
0x40: {  	_ =	shalt  }
0x41: {  	_ =	shalt  }
0x42: {  	_ =	shalt  }
0x43: {  	_ =	shalt  }
0x44: {  	_ =	shalt  }
0x45: {  	_ =	shalt  }
0x46: {  	_ =	shalt  }
0x47: {  	_ =	shalt  }
0x48: {  	_ =	shalt  }
0x49: {  	_ =	shalt  }
0x4a: {  	_ =	shalt  }
0x4b: {  	_ =	shalt  }
0x4c: {  	_ =	shalt  }
0x4d: {  	_ =	shalt  }
0x4e: {  	_ =	shalt  }
0x4f: {  	_ =	shalt  }
0x50: {  	_ =	shalt  }
0x51: {  	_ =	shalt  }
0x52: {  	_ =	shalt  }
0x53: {  	_ =	shalt  }
0x54: {  	_ =	shalt  }
0x55: {  	_ =	shalt  }
0x56: {  	_ =	shalt  }
0x57: {  	_ =	shalt  }
0x58: {  	_ =	shalt  }
0x59: {  	_ =	shalt  }
0x5a: {  	_ =	shalt  }
0x5b: {  	_ =	shalt  }
0x5c: {  	_ =	shalt  }
0x5d: {  	_ =	shalt  }
0x5e: {  	_ =	shalt  }
0x5f: {  	_ =	shalt  }
0x60: {  	_ =	shalt  }
0x61: {  	_ =	shalt  }
0x62: {  	_ =	shalt  }
0x63: {  	_ =	shalt  }
0x64: {  	_ =	shalt  }
0x65: {  	_ =	shalt  }
0x66: {  	_ =	shalt  }
0x67: {  	_ =	shalt  }
0x68: {  	_ =	shalt  }
0x69: {  	_ =	shalt  }
0x6a: {  	_ =	shalt  }
0x6b: {  	_ =	shalt  }
0x6c: {  	_ =	shalt  }
0x6d: {  	_ =	shalt  }
0x6e: {  	_ =	shalt  }
0x6f: {  	_ =	shalt  }
0x70: {  	_ =	shalt  }
0x71: {  	_ =	shalt  }
0x72: {  	_ =	shalt  }
0x73: {  	_ =	shalt  }
0x74: {  	_ =	shalt  }
0x75: {  	_ =	shalt  }
0x76: {  	_ =	shalt  }
0x77: {  	_ =	shalt  }
0x78: {  	_ =	shalt  }
0x79: {  	_ =	shalt  }
0x7a: {  	_ =	shalt  }
0x7b: {  	_ =	shalt  }
0x7c: {  	_ =	shalt  }
0x7d: {  	_ =	shalt  }
0x7e: {  	_ =	shalt  }
0x7f: {  	_ =	shalt  }
0x80: {  	_ =	shalt  }
0x81: {  	_ =	shalt  }
0x82: {  	_ =	shalt  }
0x83: {  	_ =	shalt  }
0x84: {  	_ =	shalt  }
0x85: {  	_ =	shalt  }
0x86: {  	_ =	shalt  }
0x87: {  	_ =	shalt  }
.Lfunc_end0:
.L_simem_size_0:
called_computation.1_lowered:
.L_overlay_start_0:
0x88: {  	s2 =	sld [smem:$0x3FD9]  }
0x89: {  	s3 =	sld [smem:$0x3FFE];
	_ =	sdelay $0x1  }
0x8a: {  	s1 =	srdreg.scid  }
0x8b: {  	s0 =	sand.u32 $0x1, s1  }
0x8c: {  	s16 =	sshll.u32 s0, $0xA;
	s2 =	sadd.s32 s3, s2  }
0x8d: {  	s2 =	sadd.s32 s2, s16  }
0x8e: {  	[smem:$0x3FC2] =	sst s2  }
0x8f: {  	_ = 	snop  }
0x90: {  	(tm) =	ssettm $0x1  }
0x91: {  	s17 =	sld [smem:$0x3FFB];
	_ =	sdelay $0x3  }
0x92: {  	_ =	strace s17  }
0x93: {  	s2 =	sld [smem:$0x3FFC];
	_ =	sdelay $0x3  }
0x94: {  	_ =	strace s2  }
0x95: {  	s2 =	sld [smem:$0x3FFD];
	_ =	sdelay $0x3  }
0x96: {  	_ =	strace s2  }
0x97: {  	_ =	strace $0x8FFFFFFF  }
0x98: {  	s18 =	sld [smem:$0x3FDB];
	_ =	sdelay $0x1  }
0x99: {  	s19 =	simm.s32 $_scs_section_size  }
0x9a: {  	s4 =	simm.s32 $_size__tile_overlayer_lowered;
	s5 =	simm.s32 $_tile_overlayer_lowered  }
0x9b: {  	s22 =	simm.s32 $0x1BFF;
	s21 =	sshll.u32 s5, $0x1;
	s2 =	sadd.s32 s19, s18  }
0x9c: {  	s6 =	simm.s32 $0x0;
	s20 =	sshll.u32 s4, $0x1;
	s4 =	sadd.s32 s21, s2  }
0x9d: {  	[timem:s6], [sflag:s22] =	dma.local [hbm:s4], s20  }
0x9e: {  	_ =	swait.ge [sflag:s22], s20  }
0x9f: {  	s3 =	ssub.s32 $0x0, s20;
	[sflag:s22] =	ssyncset.done $0x0  }
0xa0: {  	[sflag:s22] =	ssyncadd.s32 s3;
	_ =	sdelay $0x1  }
0xa1: {  	s23 =	simm.s32 $0x1B8B  }
0xa2: {  	_ =	swait.ge [sflag:s23], $0x1  }
0xa3: {  	[sflag:s23] =	ssyncset.done $0x0  }
0xa4: {  	s25 =	simm.s32 $0x1B8E;
	s24 =	sld [smem:$0x3FFE];
	[sflag:s23] =	ssyncadd.s32 $0xFFFFFFFF  }
0xa5: {  	s26 =	simm.s32 $execute0_lowered;
	[smem:$0x3FD2] =	sst s25  }
0xa6: {  	s4 =	sshll.u32 s26, $0x1;
	_ =	strace $0x80000049;
	[dreg:$0x1] =	wrdreg $0xFFFFFFFF  }
0xa7: {  	s28 =	simm.s32 $_size_execute0_lowered;
	s2 =	sadd.s32 s2, s4;
	[dreg:$0x0] =	wrdreg $0x0  }
0xa8: {  	s4 =	sshll.u32 s28, $0x1;
	[dreg:$0x2] =	wrdreg s2  }
0xa9: {  	[dreg:$0x3] =	wrdreg s4  }
0xaa: {  	[dreg:$0x4] =	wrdreg $0xC0  }
0xab: {  	_ =	task [dreg:s6], $0x5FFFF  }
0xac: {  	[dreg:$0x1] =	wrdreg $0xFFFFFFFF  }
0xad: {  	[dreg:$0x0] =	wrdreg $0x60  }
0xae: {  	[dreg:$0x2] =	wrdreg s24  }
0xaf: {  	[dreg:$0x3] =	wrdreg $0xB4000  }
0xb0: {  	[dreg:$0x4] =	wrdreg $0x9  }
0xb1: {  	_ =	task.clear_ibuf [dreg:s6], $0x5FFFF;
	_ =	strace $0x90000049  }
0xb2: {  	s29 =	simm.s32 $0x9;
	_ =	strace $0x8000004B  }
0xb3: {  	_ =	swait.ge [sflag:s29], $0x1  }
0xb4: {  	[sflag:s29] =	ssyncadd.s32 $0xFFFFFFFF  }
0xb5: {  	_ =	strace $0x9000004B  }
0xb6: {  	_ =	sfence  }
0xb7: {  	s30 =	sld [smem:$0x0];
	_ =	sdelay $0x2  }
0xb8: {  	s31 =	sshll.u32 s1, $0xD;
	s1 =	sshrl.u32 s1, $0x2  }
0xb9: {  	s3 =	sand.u32 $0x4000, s31;
	s1 =	sadd.s32 s1, s30  }
0xba: {  	s0 =	sor.u32 s3, s0;
	s1 =	sshll.u32 s1, $0x11  }
0xbb: {  	s0 =	sor.u32 s1, s0  }
0xbc: {  	s0 =	sadd.s32 $0x8F2B, s0  }
0xbd: {  	[sflag:s0] =	ssyncadd.remote.s32 $0x1  }
0xbe: {  	_ =	sfence.sel $0xFFFF  }
0xbf: {  	[dreg:$0x0] =	wrdreg $0xFFFFFFFF;
	(pc) =	sbr.abs _section_cstart, $3  }
0xc0: {  	[dreg:$0x1] =	wrdreg $0xFFFFFFFF  }
0xc1: {  	_ =	task.clear_ibuf [dreg:s6], $0x2FFFF;
	_ =	strace $0x9FFFFFFF  }
0xc2: {  	(tm) =	ssettm $0x7FFFFFFF  }
0xc3: {  	_ =	shalt  }
tec
execute0_lowered:
.L_overlay_start_1:
0x0: {  	(tag) =	ssettag $0x1  }
0x1: {  	s0 =	srdreg.scid  }
0x2: {  	s4 =	stileid.u32;
	s5 =	rddreg [dreg:$0x0]  }
0x3: {  	s2 =	rddreg [dreg:$0x1];
	s3 =	simm.s32 $0x0;
	s18 =	simm.s32 $0x5400  }
0x4: {  	s19 =	simm.s32 $0xB;
	s20 =	simm.s32 $0xA;
	s21 =	simm.s32 $0x20  }
0x5: {  	s31 =	simm.s32 $0x40;
	s23 =	simm.s32 $0x7;
	s7 =	smul.u32 $0x14000, s4  }
0x6: {  	s0 =	sand.u32 $0x1, s0;
	[smem:$0x7FF] =	sst s3;
	s8 =	smul.u32 $0x50000, s4  }
0x7: {  	s1 =	sshll.u32 s0, $0x4;
	s6 =	smul.u32 $0x140000, s0;
	_ =	strace $0x8000004A  }
0x8: {  	s0 =	ssub.s32 $0x2, s0;
	s1 =	sor.u32 s4, s1;
	s4 =	sadd.s32 $0x1B600, s5  }
0x9: {  	s24 =	sshrl.u32 s0, $0x1;
	s1 =	smul.u32 $0xA00, s1;
	s6 =	sadd.s32 s7, s6  }
0xa: {  	s8 =	sshrl.u32 s8, $0x2;
	s0 =	ssub.s32 s0, s24;
	s6 =	sshrl.u32 s6, $0x3  }
0xb: {  	s1 =	sadd.s32 s1, s5;
	s16 =	sadd.s32 s6, s5;
	s5 =	sadd.s32 s8, s2  }
0xc: {  	[dreg:$0x3] =	wrdreg s31;
	s17 =	smax.u32 s0, $0x1;
	s25 =	sadd.s32 $0x2000, s5  }
0xd: {  	s26 =	sadd.s32 $0x4000, s5;
	s28 =	sadd.s32 $0x6000, s5;
	[dreg:$0x4] =	wrdreg s25  }
0xe: {  	s29 =	sadd.s32 $0x8000, s5;
	s30 =	sadd.s32 $0xA000, s5;
	[dreg:$0x5] =	wrdreg s26  }
0xf: {  	s11 =	sadd.s32 $0xC000, s5;
	s12 =	sadd.s32 $0xE000, s5;
	[dreg:$0x6] =	wrdreg s28  }
0x10: {  	s13 =	sadd.s32 $0x10000, s5;
	s14 =	sadd.s32 $0x12000, s5;
	[dreg:$0x7] =	wrdreg s29  }
0x11: {  	v0 =	vimm.f32 $0.0e+00;
	s15 =	sadd.s32 $0x7600, s1;
	s16 =	sadd.s32 $0x43600, s16;
	[dreg:$0x8] =	wrdreg s30  }
.LBB2_1:
0x12: {  	s0 =	simm.s32 $0x0;
	s24 =	simm.s32 $0x200  }
.LBB2_2:
0x13: {  	p0 =	sne.s32 s24, $0x7E00;
	[tilespmem:s0+$0x5470] =	vst v0  }
0x14: {  	[tilespmem:s0+$0x5400] =	vst v0  }
0x15: {  	[tilespmem:s0+$0x5410] =	vst v0  }
.Ltmp0:
0x16: {  	[tilespmem:s0+$0x5420] =	vst v0;
	(pc) =	sbr.rel @p0 .LBB2_2-.Ltmp0, $4  }
0x17: {  	[tilespmem:s0+$0x5430] =	vst v0  }
0x18: {  	[tilespmem:s0+$0x5440] =	vst v0  }
0x19: {  	[tilespmem:s0+$0x5450] =	vst v0  }
0x1a: {  	[tilespmem:s0+$0x5460] =	vst v0;
	s0 =	sshra.s32 s24, $0x2;
	s24 =	sadd.s32 $0x200, s24  }
0x1b: {  	[tilespmem:s0+$0x5470] =	vst v0  }
0x1c: {  	[tilespmem:s0+$0x5400] =	vst v0  }
0x1d: {  	[tilespmem:s0+$0x5410] =	vst v0  }
0x1e: {  	[tilespmem:s0+$0x5420] =	vst v0  }
0x1f: {  	[tilespmem:s0+$0x5430] =	vst v0  }
0x20: {  	[tilespmem:s0+$0x5440] =	vst v0  }
0x21: {  	[tilespmem:s0+$0x5450] =	vst v0  }
0x22: {  	[tilespmem:s0+$0x5460] =	vst v0  }
0x23: {  	[spmem:s5] =	stream.linear.scatter [tilespmem:s18], [sflag:$0xA], $0x2000, $0x38;
	[tilespmem:$0x1F400] =	vst v63  }
0x24: {  	s24 =	rddreg [dreg:$0x4]  }
0x25: {  	[spmem:s24] =	stream.linear.scatter [tilespmem:s18], [sflag:$0xA], $0x2000, $0x38;
	[tilespmem:$0x1F400] =	vst v63  }
0x26: {  	s25 =	rddreg [dreg:$0x5]  }
0x27: {  	[spmem:s25] =	stream.linear.scatter [tilespmem:s18], [sflag:$0xA], $0x2000, $0x38;
	[tilespmem:$0x1F400] =	vst v63  }
0x28: {  	s26 =	rddreg [dreg:$0x6]  }
0x29: {  	[spmem:s26] =	stream.linear.scatter [tilespmem:s18], [sflag:$0xA], $0x2000, $0x38;
	[tilespmem:$0x1F400] =	vst v63  }
0x2a: {  	s1 =	rddreg [dreg:$0x7]  }
0x2b: {  	[spmem:s1] =	stream.linear.scatter [tilespmem:s18], [sflag:$0xA], $0x2000, $0x38;
	[tilespmem:$0x1F400] =	vst v63  }
0x2c: {  	s6 =	rddreg [dreg:$0x8]  }
0x2d: {  	[spmem:s6] =	stream.linear.scatter [tilespmem:s18], [sflag:$0xA], $0x2000, $0x38;
	[tilespmem:$0x1F400] =	vst v63  }
0x2e: {  	_ = 	snop  }
0x2f: {  	[spmem:s11] =	stream.linear.scatter [tilespmem:s18], [sflag:$0xA], $0x2000, $0x38;
	[tilespmem:$0x1F400] =	vst v63  }
0x30: {  	_ = 	snop  }
0x31: {  	[spmem:s12] =	stream.linear.scatter [tilespmem:s18], [sflag:$0xA], $0x2000, $0x38;
	[tilespmem:$0x1F400] =	vst v63  }
0x32: {  	_ = 	snop  }
0x33: {  	[spmem:s13] =	stream.linear.scatter [tilespmem:s18], [sflag:$0xA], $0x2000, $0x38;
	[tilespmem:$0x1F400] =	vst v63  }
0x34: {  	_ = 	snop  }
0x35: {  	[spmem:s14] =	stream.linear.scatter [tilespmem:s18], [sflag:$0xA], $0x2000, $0x38;
	[tilespmem:$0x1F400] =	vst v63  }
0x36: {  	s7 =	simm.s32 $0x0  }
0x37: {  	[tilespmem:s7], [sflag:$0xB] =	stream.linear.gather [hbm4b:s15+s7], $0x5000, $0x38;
	[tilespmem:$0x1F400] =	vst v63  }
0x38: {  	_ =	swait.ge [sflag:s19], $0x5000  }
0x39: {  	[sflag:s19] =	ssyncset.done $0x0  }
0x3a: {  	[sflag:s19] =	ssyncadd.s32 $0xFFFFB000  }
0x3b: {  	_ =	swait.ge [sflag:s20], $0x2000  }
0x3c: {  	[sflag:s20] =	ssyncset.done $0x0  }
0x3d: {  	[sflag:s20] =	ssyncadd.s32 $0xFFFFE000  }
0x3e: {  	_ =	swait.ge [sflag:s20], $0x2000  }
0x3f: {  	[sflag:s20] =	ssyncset.done $0x0  }
0x40: {  	[sflag:s20] =	ssyncadd.s32 $0xFFFFE000  }
0x41: {  	_ =	swait.ge [sflag:s20], $0x2000  }
0x42: {  	[sflag:s20] =	ssyncset.done $0x0  }
0x43: {  	[sflag:s20] =	ssyncadd.s32 $0xFFFFE000  }
0x44: {  	_ =	swait.ge [sflag:s20], $0x2000  }
0x45: {  	[sflag:s20] =	ssyncset.done $0x0  }
0x46: {  	[sflag:s20] =	ssyncadd.s32 $0xFFFFE000  }
0x47: {  	_ =	swait.ge [sflag:s20], $0x2000  }
0x48: {  	[sflag:s20] =	ssyncset.done $0x0  }
0x49: {  	[sflag:s20] =	ssyncadd.s32 $0xFFFFE000  }
0x4a: {  	_ =	swait.ge [sflag:s20], $0x2000  }
0x4b: {  	[sflag:s20] =	ssyncset.done $0x0  }
0x4c: {  	[sflag:s20] =	ssyncadd.s32 $0xFFFFE000  }
0x4d: {  	_ =	swait.ge [sflag:s20], $0x2000  }
0x4e: {  	[sflag:s20] =	ssyncset.done $0x0  }
0x4f: {  	[sflag:s20] =	ssyncadd.s32 $0xFFFFE000  }
0x50: {  	_ =	swait.ge [sflag:s20], $0x2000  }
0x51: {  	[sflag:s20] =	ssyncset.done $0x0  }
0x52: {  	[sflag:s20] =	ssyncadd.s32 $0xFFFFE000  }
0x53: {  	_ =	swait.ge [sflag:s20], $0x2000  }
0x54: {  	[sflag:s20] =	ssyncset.done $0x0  }
0x55: {  	[sflag:s20] =	ssyncadd.s32 $0xFFFFE000  }
0x56: {  	_ =	swait.ge [sflag:s20], $0x2000  }
0x57: {  	[sflag:s20] =	ssyncset.done $0x0  }
0x58: {  	[sflag:s20] =	ssyncadd.s32 $0xFFFFE000  }
0x59: {  	v1 =	vld [tilespmem:$0x0];
	_ =	sdelay $0x1  }
0x5a: {  	v2 =	vld [tilespmem:$0x10];
	_ =	sdelay $0x1  }
0x5b: {  	v3 =	vld [tilespmem:$0x20]  }
0x5c: {  	v4 =	vshrl.u32 v1, $0x10  }
0x5d: {  	v59 =	vld [tilespmem:$0x30];
	v1 =	vand.u32 $0xFFFF, v1;
	[tilespmem:$0x5000] =	vst v4  }
0x5e: {  	[tilespmem:$0x5200] =	vst v1;
	v1 =	vshrl.u32 v2, $0x10  }
0x5f: {  	[tilespmem:$0x5010] =	vst v1;
	v1 =	vand.u32 $0xFFFF, v2  }
0x60: {  	[tilespmem:$0x5210] =	vst v1;
	v1 =	vshrl.u32 v3, $0x10  }
0x61: {  	[tilespmem:$0x5020] =	vst v1;
	v1 =	vand.u32 $0xFFFF, v3  }
0x62: {  	[tilespmem:$0x5220] =	vst v1;
	v1 =	vshrl.u32 v59, $0x10  }
0x63: {  	[tilespmem:$0x5030] =	vst v1;
	v1 =	vand.u32 $0xFFFF, v59  }
0x64: {  	s1 =	simm.s32 $0x5000;
	[tilespmem:$0x5230] =	vst v1  }
0x65: {  	[tilespmem:s18], [sflag:$0x1] =	stream.indirect.gather [hbm4b:s4+s21], $0x80, s1, s21, $0xb8;
	[tilespmem:$0x1F400] =	vst v63  }
0x66: {  	s8 =	simm.s32 $0x5020;
	s6 =	simm.s32 $0x6400  }
0x67: {  	[tilespmem:s6], [sflag:$0x4] =	stream.indirect.gather [hbm4b:s4+s21], $0x80, s8, s21, $0xb8;
	[tilespmem:$0x1F400] =	vst v63  }
0x68: {  	v1 =	vld [tilespmem:$0x80];
	_ =	sdelay $0x1  }
0x69: {  	v2 =	vld [tilespmem:$0x90];
	_ =	sdelay $0x1  }
0x6a: {  	v3 =	vld [tilespmem:$0xA0]  }
0x6b: {  	v60 =	vshrl.u32 v1, $0x10  }
0x6c: {  	v61 =	vld [tilespmem:$0xB0];
	v1 =	vand.u32 $0xFFFF, v1;
	[tilespmem:$0x5080] =	vst v60  }
0x6d: {  	[tilespmem:$0x5280] =	vst v1;
	v1 =	vshrl.u32 v2, $0x10  }
0x6e: {  	[tilespmem:$0x5090] =	vst v1;
	v1 =	vand.u32 $0xFFFF, v2  }
0x6f: {  	[tilespmem:$0x5290] =	vst v1;
	v1 =	vshrl.u32 v3, $0x10  }
0x70: {  	[tilespmem:$0x50A0] =	vst v1;
	v1 =	vand.u32 $0xFFFF, v3  }
0x71: {  	[tilespmem:$0x52A0] =	vst v1;
	v1 =	vshrl.u32 v61, $0x10  }
0x72: {  	[tilespmem:$0x50B0] =	vst v1;
	v1 =	vand.u32 $0xFFFF, v61  }
0x73: {  	s9 =	simm.s32 $0x5080;
	s10 =	simm.s32 $0x7400;
	[tilespmem:$0x52B0] =	vst v1  }
0x74: {  	[tilespmem:s10], [sflag:$0x2] =	stream.indirect.gather [hbm4b:s4+s21], $0x80, s9, s21, $0xb8;
	[tilespmem:$0x1F400] =	vst v63  }
0x75: {  	s22 =	simm.s32 $0x50A0;
	s24 =	simm.s32 $0x8400  }
0x76: {  	[tilespmem:s24], [sflag:$0x5] =	stream.indirect.gather [hbm4b:s4+s21], $0x80, s22, s21, $0xb8;
	[tilespmem:$0x1F400] =	vst v63  }
0x77: {  	v1 =	vld [tilespmem:$0x100];
	_ =	sdelay $0x1  }
0x78: {  	v2 =	vld [tilespmem:$0x110];
	_ =	sdelay $0x1  }
0x79: {  	v3 =	vld [tilespmem:$0x120]  }
0x7a: {  	v62 =	vshrl.u32 v1, $0x10  }
0x7b: {  	s0 =	smul.u32 $0xAB, s7;
	v63 =	vld [tilespmem:$0x130];
	v1 =	vand.u32 $0xFFFF, v1;
	[tilespmem:$0x5100] =	vst v62  }
0x7c: {  	[tilespmem:$0x5300] =	vst v1;
	v1 =	vshrl.u32 v2, $0x10  }
0x7d: {  	s0 =	sshrl.u32 s0, $0x9;
	[tilespmem:$0x5110] =	vst v1;
	v1 =	vand.u32 $0xFFFF, v2  }
0x7e: {  	s0 =	sand.u32 $0x7F, s0;
	[tilespmem:$0x5310] =	vst v1;
	v1 =	vshrl.u32 v3, $0x10  }
0x7f: {  	s0 =	smul.u32 $0x3, s0;
	[tilespmem:$0x5120] =	vst v1;
	v1 =	vand.u32 $0xFFFF, v3  }
0x80: {  	s8 =	simm.s32 $0x2;
	[tilespmem:$0x5320] =	vst v1;
	v1 =	vshrl.u32 v63, $0x10  }
0x81: {  	s25 =	simm.s32 $0x5100;
	s0 =	ssub.s32 $0x0, s0;
	s1 =	sand.u32 $0xFF, s8;
	[tilespmem:$0x5130] =	vst v1;
	v1 =	vand.u32 $0xFFFF, v63  }
0x82: {  	s26 =	simm.s32 $0x9400;
	s0 =	sand.u32 $0xFF, s0;
	s1 =	smul.u32 $0xAB, s1;
	[tilespmem:$0x5330] =	vst v1  }
0x83: {  	[tilespmem:s26], [sflag:$0x3] =	stream.indirect.gather [hbm4b:s4+s21], $0x80, s25, s21, $0xb8;
	[tilespmem:$0x1F400] =	vst v63  }
0x84: {  	s7 =	simm.s32 $0xA400;
	s6 =	simm.s32 $0x5120;
	s1 =	sshrl.u32 s1, $0x9  }
0x85: {  	[tilespmem:s7], [sflag:$0x6] =	stream.indirect.gather [hbm4b:s4+s21], $0x80, s6, s21, $0xb8;
	[tilespmem:$0x1F400] =	vst v63  }
0x86: {  	s1 =	smul.u32 $0x3, s1;
	s24 =	sadd.s32 $0x1, s0;
	[bflag:$0x0] =	sbarrier.arrive $0xFFFF  }
0x87: {  	p0 =	por $0x1, $0x1;
	_ =	swait.ge [sflag:s24], $0x1000  }
0x88: {  	s1 =	ssub.s32 $0x2, s1;
	s9 =	sor.u32 $0x4, s0;
	[sflag:s24] =	ssyncset.done $0x0  }
0x89: {  	s10 =	sshll.u32 s0, $0xD;
	s26 =	sshll.u32 s0, $0x7;
	[sflag:s24] =	ssyncadd.s32 $0xFFFFF000  }
0x8a: {  	s25 =	sand.u32 $0xFF, s1;
	s1 =	sadd.s32 $0x5400, s10;
	_ =	swait.ge [sflag:s9], $0x1000  }
0x8b: {  	s0 =	sadd.s32 $0x7, s0;
	s26 =	sor.u32 $0x5200, s26;
	[sflag:s9] =	ssyncset.done $0x0  }
0x8c: {  	s29 =	sadd.s32 @!p0 $0x7, s25;
	s28 =	rddreg [dreg:$0x3];
	[sflag:s9] =	ssyncadd.s32 $0xFFFFF000  }
0x8d: {  	[spmem:s2] =	stream.indirect.scatter.add.f32 [tilespmem:s1], [sflag:s0], $0x80, s26, s28, $0xb8;
	[tilespmem:$0x1F400] =	vst v63  }
0x8e: {  	p1 =	por @!p0 $0x0, $0x0;
	_ =	swait.ge @!p0 [sflag:s29], $0x2000  }
0x8f: {  	p1 =	por p1, p0;
	[sflag:s29] =	ssyncset.done @!p0 $0x0  }
0x90: {  	s24 =	simm.s32 $0x130;
	[sflag:s29] =	ssyncadd.s32 @!p0 $0xFFFFE000;
	p0 =	por p1, p1  }
0x91: {  	v1 =	vld @!p0 [tilespmem:s24+$0xFFFFFFD0];
	_ =	sdelay $0x4  }
0x92: {  	s0 =	sshll.u32 @!p0 s25, $0x7;
	v2 =	vand.u32 @!p0 $0xFFFF, v1  }
0x93: {  	v1 =	vshrl.u32 @!p0 v1, $0x10;
	[tilespmem:s0+$0x5200] =	vst @!p0 v2  }
0x94: {  	[tilespmem:s0+$0x5000] =	vst @!p0 v1  }
0x95: {  	v1 =	vld @!p0 [tilespmem:s24+$0xFFFFFFE0];
	_ =	sdelay $0x4  }
0x96: {  	v2 =	vshrl.u32 @!p0 v1, $0x10  }
0x97: {  	v1 =	vand.u32 @!p0 $0xFFFF, v1;
	[tilespmem:s0+$0x5010] =	vst @!p0 v2  }
0x98: {  	[tilespmem:s0+$0x5210] =	vst @!p0 v1  }
0x99: {  	v1 =	vld @!p0 [tilespmem:s24+$0xFFFFFFF0];
	_ =	sdelay $0x1  }
0x9a: {  	s26 =	simm.s32 $0x1  }
0x9b: {  	s22 =	smul.u32 $0xAB, s26  }
0x9c: {  	s28 =	sshll.u32 @!p1 s25, $0xD  }
0x9d: {  	s31 =	simm.s32 $0x130;
	s30 =	sadd.s32 @!p1 $0x5400, s28;
	s1 =	sshrl.u32 s22, $0x9;
	v2 =	vshrl.u32 @!p0 v1, $0x10  }
0x9e: {  	s28 =	sadd.s32 @!p1 $0x6400, s28;
	s29 =	simm.s32 $0x2;
	s1 =	sand.u32 $0x7F, s1;
	v1 =	vand.u32 @!p0 $0xFFFF, v1;
	[tilespmem:s0+$0x5020] =	vst @!p0 v2  }
.LBB2_4:
0x9f: {  	[tilespmem:s0+$0x5220] =	vst @!p0 v1  }
0xa0: {  	v1 =	vld @!p0 [tilespmem:s31+$0x0];
	_ =	sdelay $0x1  }
0xa1: {  	s6 =	sadd.s32 $0x2, s26  }
0xa2: {  	s1 =	smul.u32 $0x3, s1;
	s7 =	sand.u32 $0xFF, s6  }
0xa3: {  	s8 =	simm.s32 @!p0 $0x20;
	s7 =	smul.u32 $0xAB, s7  }
0xa4: {  	p2 =	seq.s32 s26, $0x0;
	s9 =	sadd.s32 @!p0 $0x1, s25;
	s25 =	sadd.s32 @!p0 $0x4, s25;
	v2 =	vshrl.u32 @!p0 v1, $0x10  }
0xa5: {  	p3 =	sgt.u32 @!p2 s26, $0x9A;
	s1 =	ssub.s32 s26, s1;
	s7 =	sshrl.u32 s7, $0x9;
	v1 =	vand.u32 @!p0 $0xFFFF, v1;
	[tilespmem:s0+$0x5030] =	vst @!p0 v2  }
0xa6: {  	s26 =	sadd.s32 @!p0 $0x5000, s0;
	s1 =	sand.u32 $0xFF, s1;
	s7 =	smul.u32 $0x3, s7;
	[tilespmem:s0+$0x5230] =	vst @!p0 v1  }
0xa7: {  	[tilespmem:s30], [sflag:s9] =	stream.indirect.gather @!p0 [hbm4b:s4+s8], $0x80, s26, s8, $0xb8;
	[tilespmem:$0x1F400] =	vst v63  }
0xa8: {  	s10 =	sadd.s32 @!p0 $0x5020, s0;
	s9 =	ssub.s32 s6, s7;
	s6 =	sadd.s32 $0x1, s1  }
0xa9: {  	[tilespmem:s28], [sflag:s25] =	stream.indirect.gather @!p0 [hbm4b:s4+s8], $0x80, s10, s8, $0xb8;
	[tilespmem:$0x1F400] =	vst v63  }
0xaa: {  	_ =	swait.ge [sflag:s6], $0x1000  }
0xab: {  	s26 =	sshll.u32 s1, $0x7;
	[sflag:s6] =	ssyncset.done $0x0  }
0xac: {  	s7 =	sor.u32 $0x5200, s26;
	[sflag:s6] =	ssyncadd.s32 $0xFFFFF000;
	s6 =	sor.u32 $0x4, s1  }
0xad: {  	s25 =	sand.u32 $0xFF, s9;
	s9 =	sshll.u32 s1, $0xD;
	_ =	swait.ge [sflag:s6], $0x1000  }
0xae: {  	s0 =	sadd.s32 $0x5400, s9;
	s9 =	sadd.s32 @!p2 $0x7, s25;
	[sflag:s6] =	ssyncset.done $0x0  }
0xaf: {  	s1 =	sadd.s32 $0x7, s1;
	s10 =	rddreg [dreg:$0x3];
	[sflag:s6] =	ssyncadd.s32 $0xFFFFF000  }
0xb0: {  	[spmem:s2] =	stream.indirect.scatter.add.f32 [tilespmem:s0], [sflag:s1], $0x80, s7, s10, $0xb8;
	[tilespmem:$0x1F400] =	vst v63  }
0xb1: {  	_ =	swait.ge @!p2 [sflag:s9], $0x2000  }
0xb2: {  	p3 =	por p3, p2;
	[sflag:s9] =	ssyncset.done @!p2 $0x0  }
0xb3: {  	s24 =	sadd.s32 $0x80, s24;
	p0 =	por p3, p3;
	[sflag:s9] =	ssyncadd.s32 @!p2 $0xFFFFE000  }
0xb4: {  	v1 =	vld @!p0 [tilespmem:s24+$0xFFFFFFD0];
	_ =	sdelay $0x4  }
0xb5: {  	s0 =	sshll.u32 @!p0 s25, $0x7;
	v2 =	vshrl.u32 @!p0 v1, $0x10;
	v1 =	vand.u32 @!p0 $0xFFFF, v1  }
0xb6: {  	[tilespmem:s0+$0x5200] =	vst @!p0 v1  }
0xb7: {  	[tilespmem:s0+$0x5000] =	vst @!p0 v2  }
0xb8: {  	v1 =	vld @!p0 [tilespmem:s24+$0xFFFFFFE0];
	_ =	sdelay $0x4  }
0xb9: {  	v2 =	vshrl.u32 @!p0 v1, $0x10  }
0xba: {  	v1 =	vand.u32 @!p0 $0xFFFF, v1;
	[tilespmem:s0+$0x5010] =	vst @!p0 v2  }
0xbb: {  	[tilespmem:s0+$0x5210] =	vst @!p0 v1  }
0xbc: {  	s22 =	smov.u32 s29;
	s29 =	sadd.s32 $0x1, s29;
	v1 =	vld @!p0 [tilespmem:s24+$0xFFFFFFF0]  }
0xbd: {  	p1 =	sne.s32 s29, $0x9D  }
.Ltmp1:
0xbe: {  	s26 =	smov.u32 s22;
	(pc) =	sbr.rel @p1 .LBB2_4-.Ltmp1, $3  }
0xbf: {  	s22 =	smul.u32 $0xAB, s26;
	_ =	sdelay $0x1  }
0xc0: {  	s31 =	smov.u32 s24;
	s8 =	sshll.u32 @!p3 s25, $0xD;
	s1 =	sshrl.u32 s22, $0x9;
	v2 =	vshrl.u32 @!p0 v1, $0x10  }
0xc1: {  	s30 =	sadd.s32 @!p3 $0x5400, s8;
	s28 =	sadd.s32 @!p3 $0x6400, s8;
	s1 =	sand.u32 $0x7F, s1;
	v1 =	vand.u32 @!p0 $0xFFFF, v1;
	[tilespmem:s0+$0x5020] =	vst @!p0 v2  }
0xc2: {  	[tilespmem:s0+$0x5220] =	vst @!p0 v1  }
0xc3: {  	v1 =	vld @!p0 [tilespmem:s31+$0x0];
	_ =	sdelay $0x3  }
0xc4: {  	s1 =	smul.u32 $0x3, s1  }
0xc5: {  	s6 =	sadd.s32 $0x2, s26;
	s8 =	simm.s32 @!p0 $0x20;
	s9 =	sadd.s32 @!p0 $0x1, s25;
	v2 =	vshrl.u32 @!p0 v1, $0x10  }
0xc6: {  	s10 =	sadd.s32 @!p0 $0x5000, s0;
	s7 =	sand.u32 $0xFF, s6;
	s1 =	ssub.s32 s26, s1;
	v1 =	vand.u32 @!p0 $0xFFFF, v1;
	[tilespmem:s0+$0x5030] =	vst @!p0 v2  }
0xc7: {  	p2 =	seq.s32 s26, $0x0;
	s7 =	smul.u32 $0xAB, s7;
	s1 =	sand.u32 $0xFF, s1;
	[tilespmem:s0+$0x5230] =	vst @!p0 v1  }
0xc8: {  	[tilespmem:s30], [sflag:s9] =	stream.indirect.gather @!p0 [hbm4b:s4+s8], $0x80, s10, s8, $0xb8;
	[tilespmem:$0x1F400] =	vst v63  }
0xc9: {  	s31 =	sadd.s32 $0x1, s1;
	s0 =	sadd.s32 @!p0 $0x5020, s0;
	s9 =	sadd.s32 @!p0 $0x4, s25  }
0xca: {  	[tilespmem:s28], [sflag:s9] =	stream.indirect.gather @!p0 [hbm4b:s4+s8], $0x80, s0, s8, $0xb8;
	[tilespmem:$0x1F400] =	vst v63  }
0xcb: {  	s22 =	sor.u32 $0x4, s1;
	s9 =	sshrl.u32 s7, $0x9;
	_ =	swait.ge [sflag:s31], $0x1000  }
0xcc: {  	s25 =	sshll.u32 s1, $0x7;
	s0 =	smul.u32 $0x3, s9;
	[sflag:s31] =	ssyncset.done $0x0  }
0xcd: {  	s28 =	sshll.u32 s1, $0xD;
	s1 =	sadd.s32 $0x7, s1;
	[sflag:s31] =	ssyncadd.s32 $0xFFFFF000  }
0xce: {  	s8 =	sadd.s32 $0x5400, s28;
	s0 =	ssub.s32 s6, s0;
	_ =	swait.ge [sflag:s22], $0x1000  }
0xcf: {  	s6 =	sor.u32 $0x5200, s25;
	s0 =	sand.u32 $0xFF, s0;
	[sflag:s22] =	ssyncset.done $0x0  }
0xd0: {  	s29 =	rddreg [dreg:$0x3];
	s10 =	sadd.s32 @!p2 $0x7, s0;
	[sflag:s22] =	ssyncadd.s32 $0xFFFFF000  }
0xd1: {  	[spmem:s2] =	stream.indirect.scatter.add.f32 [tilespmem:s8], [sflag:s1], $0x80, s6, s29, $0xb8;
	[tilespmem:$0x1F400] =	vst v63  }
0xd2: {  	p0 =	sgt.u32 @!p2 s26, $0x9A;
	_ =	swait.ge @!p2 [sflag:s10], $0x2000  }
0xd3: {  	p0 =	por p0, p2;
	[sflag:s10] =	ssyncset.done @!p2 $0x0  }
0xd4: {  	p1 =	por p0, p0;
	s1 =	sadd.s32 $0x80, s24;
	[sflag:s10] =	ssyncadd.s32 @!p2 $0xFFFFE000  }
0xd5: {  	v1 =	vld @!p1 [tilespmem:s1+$0xFFFFFFD0];
	_ =	sdelay $0x4  }
0xd6: {  	s6 =	sshll.u32 @!p1 s0, $0x7;
	v2 =	vand.u32 @!p1 $0xFFFF, v1  }
0xd7: {  	v1 =	vshrl.u32 @!p1 v1, $0x10;
	[tilespmem:s6+$0x5200] =	vst @!p1 v2  }
0xd8: {  	[tilespmem:s6+$0x5000] =	vst @!p1 v1  }
0xd9: {  	v1 =	vld @!p1 [tilespmem:s1+$0xFFFFFFE0];
	_ =	sdelay $0x4  }
0xda: {  	v2 =	vshrl.u32 @!p1 v1, $0x10  }
0xdb: {  	v1 =	vand.u32 @!p1 $0xFFFF, v1;
	[tilespmem:s6+$0x5010] =	vst @!p1 v2  }
0xdc: {  	[tilespmem:s6+$0x5210] =	vst @!p1 v1  }
0xdd: {  	v1 =	vld @!p1 [tilespmem:s1+$0xFFFFFFF0];
	_ =	sdelay $0x4  }
0xde: {  	v2 =	vshrl.u32 @!p1 v1, $0x10  }
0xdf: {  	v1 =	vand.u32 @!p1 $0xFFFF, v1;
	[tilespmem:s6+$0x5020] =	vst @!p1 v2  }
0xe0: {  	[tilespmem:s6+$0x5220] =	vst @!p1 v1  }
0xe1: {  	v1 =	vld @!p1 [tilespmem:s1+$0x0];
	_ =	sdelay $0x4  }
0xe2: {  	v2 =	vshrl.u32 @!p1 v1, $0x10  }
0xe3: {  	s9 =	sadd.s32 @!p1 $0x1, s0;
	s1 =	sshll.u32 @!p0 s0, $0xD;
	v1 =	vand.u32 @!p1 $0xFFFF, v1;
	[tilespmem:s6+$0x5030] =	vst @!p1 v2  }
0xe4: {  	s8 =	simm.s32 @!p1 $0x20;
	s10 =	sadd.s32 @!p1 $0x5000, s6;
	s7 =	sadd.s32 @!p0 $0x5400, s1;
	[tilespmem:s6+$0x5230] =	vst @!p1 v1  }
0xe5: {  	[tilespmem:s7], [sflag:s9] =	stream.indirect.gather @!p1 [hbm4b:s4+s8], $0x80, s10, s8, $0xb8;
	[tilespmem:$0x1F400] =	vst v63  }
0xe6: {  	s0 =	sadd.s32 @!p1 $0x4, s0;
	s1 =	sadd.s32 @!p0 $0x6400, s1;
	s6 =	sadd.s32 @!p1 $0x5020, s6  }
0xe7: {  	[tilespmem:s1], [sflag:s0] =	stream.indirect.gather @!p1 [hbm4b:s4+s8], $0x80, s6, s8, $0xb8;
	[tilespmem:$0x1F400] =	vst v63  }
0xe8: {  	s3 =	sadd.s32 $0x1, s3;
	_ =	swait.ge [sflag:s23], $0x2000  }
0xe9: {  	s30 =	stileid.u32;
	s31 =	sshrl.u32 s5, $0x3;
	[sflag:s23] =	ssyncset.done $0x0  }
0xea: {  	p0 =	sne.s32 s3, s17;
	s0 =	sshll.u32 s30, $0x6;
	[sflag:s23] =	ssyncadd.s32 $0xFFFFE000  }
.Ltmp2:
0xeb: {  	s0 =	sor.u32 $0x1C0B, s0;
	[bflag:$0x0] =	sbarrier.arrive $0xFFFF;
	(pc) =	sbr.rel @p0 .LBB2_1-.Ltmp2, $4  }
0xec: {  	[hbm:s16], [sflag:s0] =	dma.local [spmem:s31], $0x2800  }
0xed: {  	_ =	swait.ge [sflag:s19], $0x2800  }
0xee: {  	[sflag:s19] =	ssyncset.done $0x0  }
0xef: {  	[sflag:s19] =	ssyncadd.s32 $0xFFFFD800  }
0xf0: {  	_ =	sfence.sel $0x180000  }
0xf1: {  	[bflag:$0x0] =	sbarrier.arrive $0xFFFF  }
0xf2: {  	_ =	strace $0x9000004A  }
0xf3: {  	s0 =	stileid.u32;
	[bflag:$0x2] =	sbarrier.arrive $0xFFFF  }
0xf4: {  	p0 =	sne.s32 s0, $0x0;
	s0 =	rddreg [dreg:$0x2]  }
0xf5: {  	s0 =	sadd.s32 @!p0 $0x100000, s0  }
0xf6: {  	[sflag:s0] =	ssyncadd.tile.s32 @!p0 $0x1;
	_ =	shalt  }
.Lfunc_end2:
_tile_overlayer_lowered:
.L_overlay_start_2:
0xf7: {  	(tag) =	ssettag $0x2  }
0xf8: {  	s0 =	rddreg [dreg:$0x0];
	s2 =	stileid.u32  }
0xf9: {  	s1 =	rddreg [dreg:$0x1];
	p0 =	sne.s32 s2, $0x0  }
0xfa: {  	s3 =	rddreg [dreg:$0x2];
	[bflag:$0x3] =	sbarrier.arrive $0xFFFF;
	s2 =	simm.s32 @!p0 $0x1C0B  }
0xfb: {  	[timem:s3], [sflag:s2] =	dma.local @!p0 [hbm:s0], s1  }
0xfc: {  	s0 =	simm.s32 @!p0 $0xB  }
0xfd: {  	_ =	swait.ge @!p0 [sflag:s0], s1  }
0xfe: {  	s1 =	ssub.s32 @!p0 $0x0, s1;
	[sflag:s0] =	ssyncset.done @!p0 $0x0  }
0xff: {  	[sflag:s0] =	ssyncadd.s32 @!p0 s1  }
0x100: {  	[bflag:$0x3] =	sbarrier.arrive $0xFFFF  }
0x101: {  	_ =	shalt  }

// kernel: kernel.15.cloned.1.call-start
scs
__scs_entry_jumppad:
0x0: {  	(pc) =	sbr.rel $0x88, $3  }
0x1: {  	(tag) =	ssettag $0x0;
	lr =	simm.s32 $0x1  }
0x2: {  	[smem:$0x3F9B] =	sst lr;
	_ =	strace $0xD0000000  }
0x3: {  	_ = 	snop  }
0x4: {  	_ = 	snop  }
0x5: {  	_ = 	snop  }
0x6: {  	_ = 	snop  }
0x7: {  	_ = 	snop  }
__scs_overlays_trampoline_lowered:
0x8: {  	[smem:$0x3FAA] =	sst s0  }
0x9: {  	[smem:$0x3FAB] =	sst s1  }
0xa: {  	[smem:$0x3FAC] =	sst s2  }
0xb: {  	[smem:$0x3FAD] =	sst s3  }
0xc: {  	[smem:$0x3FAE] =	sst s4  }
0xd: {  	[smem:$0x3FAF] =	sst s5  }
0xe: {  	[smem:$0x3FB0] =	sst s6  }
0xf: {  	[smem:$0x3FB1] =	sst s7  }
0x10: {  	[smem:$0x3FB2] =	sst s8  }
0x11: {  	[smem:$0x3FB3] =	sst s9;
	s0 =	simm.s32 @!p0 $0x0  }
0x12: {  	s1 =	sld [smem:$0x3F99];
	s0 =	simm.s32 @p0 $0x1  }
0x13: {  	[smem:$0x3FB4] =	sst s0;
	s0 =	simm.s32 @!p1 $0x0  }
0x14: {  	s2 =	sld [smem:$0x3F98];
	s0 =	simm.s32 @p1 $0x1  }
0x15: {  	[smem:$0x3FB5] =	sst s0;
	s0 =	simm.s32 @!p2 $0x0  }
0x16: {  	s3 =	sld [smem:$0x3FDB];
	s0 =	simm.s32 @p2 $0x1  }
0x17: {  	s4 =	simm.s32 $0x1BF5;
	[smem:$0x3FB7] =	sst s0  }
0x18: {  	s0 =	sld [smem:$0x3F9A];
	_ =	swait.ge [sflag:s4], $0x0  }
0x19: {  	s7 =	sld [smem:$0x3F9B]  }
0x1a: {  	s8 =	sadd.s32 $0xFFFFE003, lr  }
0x1b: {  	s9 =	sadd.s32 $0xFFFFFEF7, lr;
	s5 =	simm.s32 $0xFFFFFFFF;
	p2 =	slt.u32 s8, $0xFFFFF086  }
0x1c: {  	p1 =	slt.u32 s9, $0xF7A;
	s5 =	simm.s32 @!p2 $0x0  }
0x1d: {  	s5 =	simm.s32 @p1 $0x1;
	p0 =	seq.s32 s7, s2  }
0x1e: {  	s7 =	smul.u32 @!p0 $0xF7A, s2;
	p2 =	seq.s32 @!p0 s5, $0x0  }
0x1f: {  	s9 =	smul.u32 $0xF7A, s1;
	s8 =	simm.s32 @!p0 $0x1BF5;
	p2 =	por !p2, p0  }
0x20: {  	[sflag:s8] =	ssyncset.s32 @!p0 $0xFFFFF086;
	s6 =	sadd.s32 @!p0 s3, s7;
	s7 =	simm.s32 @!p0 $0x108  }
0x21: {  	s3 =	sadd.s32 s3, s9;
	s6 =	sadd.s32 @!p0 $0x88, s6;
	s7 =	simm.s32 @p2 $0x1082  }
0x22: {  	[simem:s7], [sflag:s8] =	dma.local @!p0 [hbm:s6], $0xF7A  }
0x23: {  	s9 =	sor.u32 $0xD0000000, s2;
	s6 =	simm.s32 $0x108;
	_ =	swait.ge @!p0 [sflag:s8], $0x0  }
0x24: {  	s3 =	sadd.s32 $0x88, s3;
	s6 =	simm.s32 @!p1 $0x1082;
	[sflag:s4] =	ssyncset.s32 $0xFFFFF086  }
0x25: {  	[simem:s6], [sflag:s4] =	dma.local [hbm:s3], $0xF7A  }
0x26: {  	[smem:$0x3F9B] =	sst s1;
	(tag) =	ssettag s2;
	_ =	strace s9  }
0x27: {  	s1 =	sld [smem:$0x3FAB]  }
0x28: {  	s2 =	sld [smem:$0x3FAC]  }
0x29: {  	s4 =	sld [smem:$0x3FAE]  }
0x2a: {  	p0 =	seq.s32 s5, $0x0;
	s5 =	sld [smem:$0x3FAF]  }
0x2b: {  	s6 =	sld [smem:$0x3FB0]  }
0x2c: {  	s7 =	sld [smem:$0x3FB1]  }
0x2d: {  	s3 =	simm.s32 $0x108;
	s8 =	sld [smem:$0x3FB2]  }
0x2e: {  	s3 =	simm.s32 @!p0 $0x1082;
	s9 =	sld [smem:$0x3FB3]  }
0x2f: {  	lr =	sadd.s32 s0, s3;
	s0 =	sld [smem:$0x3FAA]  }
0x30: {  	s3 =	sld [smem:$0x3FAD]  }
0x31: {  	[smem:$0x3FB6] =	sst s10  }
0x32: {  	s10 =	sld [smem:$0x3FB4];
	_ =	sdelay $0x3  }
0x33: {  	p0 =	seq.s32 s10, $0x1;
	s10 =	sld [smem:$0x3FB6];
	_ =	sdelay $0x3  }
0x34: {  	[smem:$0x3FB6] =	sst s10  }
0x35: {  	s10 =	sld [smem:$0x3FB5];
	_ =	sdelay $0x3  }
0x36: {  	p1 =	seq.s32 s10, $0x1;
	s10 =	sld [smem:$0x3FB6];
	_ =	sdelay $0x3  }
0x37: {  	[smem:$0x3FB6] =	sst s10  }
0x38: {  	s10 =	sld [smem:$0x3FB7]  }
0x39: {  	_ = 	snop;
	(pc) =	sbr.ind lr, $3  }
0x3a: {  	_ = 	snop  }
0x3b: {  	_ = 	snop  }
0x3c: {  	p2 =	seq.s32 s10, $0x1;
	s10 =	sld [smem:$0x3FB6]  }
0x3d: {  	_ =	shalt  }
0x3e: {  	_ =	shalt  }
0x3f: {  	_ =	shalt  }
0x40: {  	_ =	shalt  }
0x41: {  	_ =	shalt  }
0x42: {  	_ =	shalt  }
0x43: {  	_ =	shalt  }
0x44: {  	_ =	shalt  }
0x45: {  	_ =	shalt  }
0x46: {  	_ =	shalt  }
0x47: {  	_ =	shalt  }
0x48: {  	_ =	shalt  }
0x49: {  	_ =	shalt  }
0x4a: {  	_ =	shalt  }
0x4b: {  	_ =	shalt  }
0x4c: {  	_ =	shalt  }
0x4d: {  	_ =	shalt  }
0x4e: {  	_ =	shalt  }
0x4f: {  	_ =	shalt  }
0x50: {  	_ =	shalt  }
0x51: {  	_ =	shalt  }
0x52: {  	_ =	shalt  }
0x53: {  	_ =	shalt  }
0x54: {  	_ =	shalt  }
0x55: {  	_ =	shalt  }
0x56: {  	_ =	shalt  }
0x57: {  	_ =	shalt  }
0x58: {  	_ =	shalt  }
0x59: {  	_ =	shalt  }
0x5a: {  	_ =	shalt  }
0x5b: {  	_ =	shalt  }
0x5c: {  	_ =	shalt  }
0x5d: {  	_ =	shalt  }
0x5e: {  	_ =	shalt  }
0x5f: {  	_ =	shalt  }
0x60: {  	_ =	shalt  }
0x61: {  	_ =	shalt  }
0x62: {  	_ =	shalt  }
0x63: {  	_ =	shalt  }
0x64: {  	_ =	shalt  }
0x65: {  	_ =	shalt  }
0x66: {  	_ =	shalt  }
0x67: {  	_ =	shalt  }
0x68: {  	_ =	shalt  }
0x69: {  	_ =	shalt  }
0x6a: {  	_ =	shalt  }
0x6b: {  	_ =	shalt  }
0x6c: {  	_ =	shalt  }
0x6d: {  	_ =	shalt  }
0x6e: {  	_ =	shalt  }
0x6f: {  	_ =	shalt  }
0x70: {  	_ =	shalt  }
0x71: {  	_ =	shalt  }
0x72: {  	_ =	shalt  }
0x73: {  	_ =	shalt  }
0x74: {  	_ =	shalt  }
0x75: {  	_ =	shalt  }
0x76: {  	_ =	shalt  }
0x77: {  	_ =	shalt  }
0x78: {  	_ =	shalt  }
0x79: {  	_ =	shalt  }
0x7a: {  	_ =	shalt  }
0x7b: {  	_ =	shalt  }
0x7c: {  	_ =	shalt  }
0x7d: {  	_ =	shalt  }
0x7e: {  	_ =	shalt  }
0x7f: {  	_ =	shalt  }
0x80: {  	_ =	shalt  }
0x81: {  	_ =	shalt  }
0x82: {  	_ =	shalt  }
0x83: {  	_ =	shalt  }
0x84: {  	_ =	shalt  }
0x85: {  	_ =	shalt  }
0x86: {  	_ =	shalt  }
0x87: {  	_ =	shalt  }
.Lfunc_end0:
.L_simem_size_0:
called_computation.2_lowered:
.L_overlay_start_0:
0x88: {  	s2 =	sld [smem:$0x3FD9]  }
0x89: {  	s3 =	sld [smem:$0x3FFE];
	_ =	sdelay $0x1  }
0x8a: {  	s1 =	srdreg.scid  }
0x8b: {  	s0 =	sand.u32 $0x1, s1  }
0x8c: {  	s16 =	sshll.u32 s0, $0xA;
	s2 =	sadd.s32 s3, s2  }
0x8d: {  	s2 =	sadd.s32 s2, s16  }
0x8e: {  	[smem:$0x3FC2] =	sst s2  }
0x8f: {  	_ = 	snop  }
0x90: {  	(tm) =	ssettm $0x1  }
0x91: {  	s17 =	sld [smem:$0x3FFB];
	_ =	sdelay $0x3  }
0x92: {  	_ =	strace s17  }
0x93: {  	s2 =	sld [smem:$0x3FFC];
	_ =	sdelay $0x3  }
0x94: {  	_ =	strace s2  }
0x95: {  	s2 =	sld [smem:$0x3FFD];
	_ =	sdelay $0x3  }
0x96: {  	_ =	strace s2  }
0x97: {  	_ =	strace $0x8FFFFFFF  }
0x98: {  	s18 =	sld [smem:$0x3FDB];
	_ =	sdelay $0x1  }
0x99: {  	s19 =	simm.s32 $_scs_section_size  }
0x9a: {  	s4 =	simm.s32 $_size__tile_overlayer_lowered;
	s5 =	simm.s32 $_tile_overlayer_lowered  }
0x9b: {  	s22 =	simm.s32 $0x1BFF;
	s21 =	sshll.u32 s5, $0x1;
	s2 =	sadd.s32 s19, s18  }
0x9c: {  	s6 =	simm.s32 $0x0;
	s20 =	sshll.u32 s4, $0x1;
	s4 =	sadd.s32 s21, s2  }
0x9d: {  	[timem:s6], [sflag:s22] =	dma.local [hbm:s4], s20  }
0x9e: {  	_ =	swait.ge [sflag:s22], s20  }
0x9f: {  	s3 =	ssub.s32 $0x0, s20;
	[sflag:s22] =	ssyncset.done $0x0  }
0xa0: {  	[sflag:s22] =	ssyncadd.s32 s3;
	_ =	sdelay $0x1  }
0xa1: {  	s23 =	simm.s32 $0x1B8B  }
0xa2: {  	_ =	swait.ge [sflag:s23], $0x1  }
0xa3: {  	[sflag:s23] =	ssyncset.done $0x0  }
0xa4: {  	s25 =	simm.s32 $0x1B8E;
	s24 =	sld [smem:$0x3FFE];
	[sflag:s23] =	ssyncadd.s32 $0xFFFFFFFF  }
0xa5: {  	s26 =	simm.s32 $execute0_lowered;
	[smem:$0x3FD2] =	sst s25  }
0xa6: {  	s4 =	sshll.u32 s26, $0x1;
	_ =	strace $0x8000004C;
	[dreg:$0x1] =	wrdreg $0xFFFFFFFF  }
0xa7: {  	s28 =	simm.s32 $_size_execute0_lowered;
	s2 =	sadd.s32 s2, s4;
	[dreg:$0x0] =	wrdreg $0x0  }
0xa8: {  	s4 =	sshll.u32 s28, $0x1;
	[dreg:$0x2] =	wrdreg s2  }
0xa9: {  	[dreg:$0x3] =	wrdreg s4  }
0xaa: {  	[dreg:$0x4] =	wrdreg $0xC0  }
0xab: {  	_ =	task [dreg:s6], $0x5FFFF  }
0xac: {  	[dreg:$0x1] =	wrdreg $0xFFFFFFFF  }
0xad: {  	[dreg:$0x0] =	wrdreg $0x60  }
0xae: {  	[dreg:$0x2] =	wrdreg s24  }
0xaf: {  	[dreg:$0x3] =	wrdreg $0xB4000  }
0xb0: {  	[dreg:$0x4] =	wrdreg $0x9  }
0xb1: {  	_ =	task.clear_ibuf [dreg:s6], $0x5FFFF;
	_ =	strace $0x9000004C  }
0xb2: {  	s29 =	simm.s32 $0x9;
	_ =	strace $0x8000004E  }
0xb3: {  	_ =	swait.ge [sflag:s29], $0x1  }
0xb4: {  	[sflag:s29] =	ssyncadd.s32 $0xFFFFFFFF  }
0xb5: {  	_ =	strace $0x9000004E  }
0xb6: {  	_ =	sfence  }
0xb7: {  	s30 =	sld [smem:$0x0];
	_ =	sdelay $0x2  }
0xb8: {  	s31 =	sshll.u32 s1, $0xD;
	s1 =	sshrl.u32 s1, $0x2  }
0xb9: {  	s3 =	sand.u32 $0x4000, s31;
	s1 =	sadd.s32 s1, s30  }
0xba: {  	s0 =	sor.u32 s3, s0;
	s1 =	sshll.u32 s1, $0x11  }
0xbb: {  	s0 =	sor.u32 s1, s0  }
0xbc: {  	s0 =	sadd.s32 $0x8F2B, s0  }
0xbd: {  	[sflag:s0] =	ssyncadd.remote.s32 $0x1  }
0xbe: {  	_ =	sfence.sel $0xFFFF  }
0xbf: {  	[dreg:$0x0] =	wrdreg $0xFFFFFFFF;
	(pc) =	sbr.abs _section_cstart, $3  }
0xc0: {  	[dreg:$0x1] =	wrdreg $0xFFFFFFFF  }
0xc1: {  	_ =	task.clear_ibuf [dreg:s6], $0x2FFFF;
	_ =	strace $0x9FFFFFFF  }
0xc2: {  	(tm) =	ssettm $0x7FFFFFFF  }
0xc3: {  	_ =	shalt  }
tec
execute0_lowered:
.L_overlay_start_1:
0x0: {  	(tag) =	ssettag $0x1  }
0x1: {  	s0 =	srdreg.scid  }
0x2: {  	s4 =	stileid.u32;
	s5 =	rddreg [dreg:$0x0]  }
0x3: {  	s2 =	rddreg [dreg:$0x1];
	s3 =	simm.s32 $0x0;
	s18 =	simm.s32 $0x5400  }
0x4: {  	s19 =	simm.s32 $0xB;
	s20 =	simm.s32 $0xA;
	s21 =	simm.s32 $0x20  }
0x5: {  	s31 =	simm.s32 $0x40;
	s23 =	simm.s32 $0x7;
	s7 =	smul.u32 $0x14000, s4  }
0x6: {  	s0 =	sand.u32 $0x1, s0;
	[smem:$0x7FF] =	sst s3;
	s8 =	smul.u32 $0x50000, s4  }
0x7: {  	s1 =	sshll.u32 s0, $0x4;
	s6 =	smul.u32 $0x140000, s0;
	_ =	strace $0x8000004D  }
0x8: {  	s0 =	ssub.s32 $0x2, s0;
	s1 =	sor.u32 s4, s1;
	s4 =	sadd.s32 $0x1B600, s5  }
0x9: {  	s24 =	sshrl.u32 s0, $0x1;
	s1 =	smul.u32 $0xA00, s1;
	s6 =	sadd.s32 s7, s6  }
0xa: {  	s8 =	sshrl.u32 s8, $0x2;
	s0 =	ssub.s32 s0, s24;
	s6 =	sshrl.u32 s6, $0x3  }
0xb: {  	s1 =	sadd.s32 s1, s5;
	s16 =	sadd.s32 s6, s5;
	s5 =	sadd.s32 s8, s2  }
0xc: {  	[dreg:$0x3] =	wrdreg s31;
	s17 =	smax.u32 s0, $0x1;
	s25 =	sadd.s32 $0x2000, s5  }
0xd: {  	s26 =	sadd.s32 $0x4000, s5;
	s28 =	sadd.s32 $0x6000, s5;
	[dreg:$0x4] =	wrdreg s25  }
0xe: {  	s29 =	sadd.s32 $0x8000, s5;
	s30 =	sadd.s32 $0xA000, s5;
	[dreg:$0x5] =	wrdreg s26  }
0xf: {  	s11 =	sadd.s32 $0xC000, s5;
	s12 =	sadd.s32 $0xE000, s5;
	[dreg:$0x6] =	wrdreg s28  }
0x10: {  	s13 =	sadd.s32 $0x10000, s5;
	s14 =	sadd.s32 $0x12000, s5;
	[dreg:$0x7] =	wrdreg s29  }
0x11: {  	v0 =	vimm.f32 $0.0e+00;
	s15 =	sadd.s32 $0x7600, s1;
	s16 =	sadd.s32 $0x43600, s16;
	[dreg:$0x8] =	wrdreg s30  }
.LBB2_1:
0x12: {  	s0 =	simm.s32 $0x0;
	s24 =	simm.s32 $0x200  }
.LBB2_2:
0x13: {  	p0 =	sne.s32 s24, $0x7E00;
	[tilespmem:s0+$0x5470] =	vst v0  }
0x14: {  	[tilespmem:s0+$0x5400] =	vst v0  }
0x15: {  	[tilespmem:s0+$0x5410] =	vst v0  }
.Ltmp0:
0x16: {  	[tilespmem:s0+$0x5420] =	vst v0;
	(pc) =	sbr.rel @p0 .LBB2_2-.Ltmp0, $4  }
0x17: {  	[tilespmem:s0+$0x5430] =	vst v0  }
0x18: {  	[tilespmem:s0+$0x5440] =	vst v0  }
0x19: {  	[tilespmem:s0+$0x5450] =	vst v0  }
0x1a: {  	[tilespmem:s0+$0x5460] =	vst v0;
	s0 =	sshra.s32 s24, $0x2;
	s24 =	sadd.s32 $0x200, s24  }
0x1b: {  	[tilespmem:s0+$0x5470] =	vst v0  }
0x1c: {  	[tilespmem:s0+$0x5400] =	vst v0  }
0x1d: {  	[tilespmem:s0+$0x5410] =	vst v0  }
0x1e: {  	[tilespmem:s0+$0x5420] =	vst v0  }
0x1f: {  	[tilespmem:s0+$0x5430] =	vst v0  }
0x20: {  	[tilespmem:s0+$0x5440] =	vst v0  }
0x21: {  	[tilespmem:s0+$0x5450] =	vst v0  }
0x22: {  	[tilespmem:s0+$0x5460] =	vst v0  }
0x23: {  	[spmem:s5] =	stream.linear.scatter [tilespmem:s18], [sflag:$0xA], $0x2000, $0x38;
	[tilespmem:$0x1F400] =	vst v63  }
0x24: {  	s24 =	rddreg [dreg:$0x4]  }
0x25: {  	[spmem:s24] =	stream.linear.scatter [tilespmem:s18], [sflag:$0xA], $0x2000, $0x38;
	[tilespmem:$0x1F400] =	vst v63  }
0x26: {  	s25 =	rddreg [dreg:$0x5]  }
0x27: {  	[spmem:s25] =	stream.linear.scatter [tilespmem:s18], [sflag:$0xA], $0x2000, $0x38;
	[tilespmem:$0x1F400] =	vst v63  }
0x28: {  	s26 =	rddreg [dreg:$0x6]  }
0x29: {  	[spmem:s26] =	stream.linear.scatter [tilespmem:s18], [sflag:$0xA], $0x2000, $0x38;
	[tilespmem:$0x1F400] =	vst v63  }
0x2a: {  	s1 =	rddreg [dreg:$0x7]  }
0x2b: {  	[spmem:s1] =	stream.linear.scatter [tilespmem:s18], [sflag:$0xA], $0x2000, $0x38;
	[tilespmem:$0x1F400] =	vst v63  }
0x2c: {  	s6 =	rddreg [dreg:$0x8]  }
0x2d: {  	[spmem:s6] =	stream.linear.scatter [tilespmem:s18], [sflag:$0xA], $0x2000, $0x38;
	[tilespmem:$0x1F400] =	vst v63  }
0x2e: {  	_ = 	snop  }
0x2f: {  	[spmem:s11] =	stream.linear.scatter [tilespmem:s18], [sflag:$0xA], $0x2000, $0x38;
	[tilespmem:$0x1F400] =	vst v63  }
0x30: {  	_ = 	snop  }
0x31: {  	[spmem:s12] =	stream.linear.scatter [tilespmem:s18], [sflag:$0xA], $0x2000, $0x38;
	[tilespmem:$0x1F400] =	vst v63  }
0x32: {  	_ = 	snop  }
0x33: {  	[spmem:s13] =	stream.linear.scatter [tilespmem:s18], [sflag:$0xA], $0x2000, $0x38;
	[tilespmem:$0x1F400] =	vst v63  }
0x34: {  	_ = 	snop  }
0x35: {  	[spmem:s14] =	stream.linear.scatter [tilespmem:s18], [sflag:$0xA], $0x2000, $0x38;
	[tilespmem:$0x1F400] =	vst v63  }
0x36: {  	s7 =	simm.s32 $0x0  }
0x37: {  	[tilespmem:s7], [sflag:$0xB] =	stream.linear.gather [hbm4b:s15+s7], $0x5000, $0x38;
	[tilespmem:$0x1F400] =	vst v63  }
0x38: {  	_ =	swait.ge [sflag:s19], $0x5000  }
0x39: {  	[sflag:s19] =	ssyncset.done $0x0  }
0x3a: {  	[sflag:s19] =	ssyncadd.s32 $0xFFFFB000  }
0x3b: {  	_ =	swait.ge [sflag:s20], $0x2000  }
0x3c: {  	[sflag:s20] =	ssyncset.done $0x0  }
0x3d: {  	[sflag:s20] =	ssyncadd.s32 $0xFFFFE000  }
0x3e: {  	_ =	swait.ge [sflag:s20], $0x2000  }
0x3f: {  	[sflag:s20] =	ssyncset.done $0x0  }
0x40: {  	[sflag:s20] =	ssyncadd.s32 $0xFFFFE000  }
0x41: {  	_ =	swait.ge [sflag:s20], $0x2000  }
0x42: {  	[sflag:s20] =	ssyncset.done $0x0  }
0x43: {  	[sflag:s20] =	ssyncadd.s32 $0xFFFFE000  }
0x44: {  	_ =	swait.ge [sflag:s20], $0x2000  }
0x45: {  	[sflag:s20] =	ssyncset.done $0x0  }
0x46: {  	[sflag:s20] =	ssyncadd.s32 $0xFFFFE000  }
0x47: {  	_ =	swait.ge [sflag:s20], $0x2000  }
0x48: {  	[sflag:s20] =	ssyncset.done $0x0  }
0x49: {  	[sflag:s20] =	ssyncadd.s32 $0xFFFFE000  }
0x4a: {  	_ =	swait.ge [sflag:s20], $0x2000  }
0x4b: {  	[sflag:s20] =	ssyncset.done $0x0  }
0x4c: {  	[sflag:s20] =	ssyncadd.s32 $0xFFFFE000  }
0x4d: {  	_ =	swait.ge [sflag:s20], $0x2000  }
0x4e: {  	[sflag:s20] =	ssyncset.done $0x0  }
0x4f: {  	[sflag:s20] =	ssyncadd.s32 $0xFFFFE000  }
0x50: {  	_ =	swait.ge [sflag:s20], $0x2000  }
0x51: {  	[sflag:s20] =	ssyncset.done $0x0  }
0x52: {  	[sflag:s20] =	ssyncadd.s32 $0xFFFFE000  }
0x53: {  	_ =	swait.ge [sflag:s20], $0x2000  }
0x54: {  	[sflag:s20] =	ssyncset.done $0x0  }
0x55: {  	[sflag:s20] =	ssyncadd.s32 $0xFFFFE000  }
0x56: {  	_ =	swait.ge [sflag:s20], $0x2000  }
0x57: {  	[sflag:s20] =	ssyncset.done $0x0  }
0x58: {  	[sflag:s20] =	ssyncadd.s32 $0xFFFFE000  }
0x59: {  	v1 =	vld [tilespmem:$0x0];
	_ =	sdelay $0x1  }
0x5a: {  	v2 =	vld [tilespmem:$0x10];
	_ =	sdelay $0x1  }
0x5b: {  	v3 =	vld [tilespmem:$0x20]  }
0x5c: {  	v4 =	vshrl.u32 v1, $0x10  }
0x5d: {  	v59 =	vld [tilespmem:$0x30];
	v1 =	vand.u32 $0xFFFF, v1;
	[tilespmem:$0x5000] =	vst v4  }
0x5e: {  	[tilespmem:$0x5200] =	vst v1;
	v1 =	vshrl.u32 v2, $0x10  }
0x5f: {  	[tilespmem:$0x5010] =	vst v1;
	v1 =	vand.u32 $0xFFFF, v2  }
0x60: {  	[tilespmem:$0x5210] =	vst v1;
	v1 =	vshrl.u32 v3, $0x10  }
0x61: {  	[tilespmem:$0x5020] =	vst v1;
	v1 =	vand.u32 $0xFFFF, v3  }
0x62: {  	[tilespmem:$0x5220] =	vst v1;
	v1 =	vshrl.u32 v59, $0x10  }
0x63: {  	[tilespmem:$0x5030] =	vst v1;
	v1 =	vand.u32 $0xFFFF, v59  }
0x64: {  	s1 =	simm.s32 $0x5000;
	[tilespmem:$0x5230] =	vst v1  }
0x65: {  	[tilespmem:s18], [sflag:$0x1] =	stream.indirect.gather [hbm4b:s4+s21], $0x80, s1, s21, $0xb8;
	[tilespmem:$0x1F400] =	vst v63  }
0x66: {  	s8 =	simm.s32 $0x5020;
	s6 =	simm.s32 $0x6400  }
0x67: {  	[tilespmem:s6], [sflag:$0x4] =	stream.indirect.gather [hbm4b:s4+s21], $0x80, s8, s21, $0xb8;
	[tilespmem:$0x1F400] =	vst v63  }
0x68: {  	v1 =	vld [tilespmem:$0x80];
	_ =	sdelay $0x1  }
0x69: {  	v2 =	vld [tilespmem:$0x90];
	_ =	sdelay $0x1  }
0x6a: {  	v3 =	vld [tilespmem:$0xA0]  }
0x6b: {  	v60 =	vshrl.u32 v1, $0x10  }
0x6c: {  	v61 =	vld [tilespmem:$0xB0];
	v1 =	vand.u32 $0xFFFF, v1;
	[tilespmem:$0x5080] =	vst v60  }
0x6d: {  	[tilespmem:$0x5280] =	vst v1;
	v1 =	vshrl.u32 v2, $0x10  }
0x6e: {  	[tilespmem:$0x5090] =	vst v1;
	v1 =	vand.u32 $0xFFFF, v2  }
0x6f: {  	[tilespmem:$0x5290] =	vst v1;
	v1 =	vshrl.u32 v3, $0x10  }
0x70: {  	[tilespmem:$0x50A0] =	vst v1;
	v1 =	vand.u32 $0xFFFF, v3  }
0x71: {  	[tilespmem:$0x52A0] =	vst v1;
	v1 =	vshrl.u32 v61, $0x10  }
0x72: {  	[tilespmem:$0x50B0] =	vst v1;
	v1 =	vand.u32 $0xFFFF, v61  }
0x73: {  	s9 =	simm.s32 $0x5080;
	s10 =	simm.s32 $0x7400;
	[tilespmem:$0x52B0] =	vst v1  }
0x74: {  	[tilespmem:s10], [sflag:$0x2] =	stream.indirect.gather [hbm4b:s4+s21], $0x80, s9, s21, $0xb8;
	[tilespmem:$0x1F400] =	vst v63  }
0x75: {  	s22 =	simm.s32 $0x50A0;
	s24 =	simm.s32 $0x8400  }
0x76: {  	[tilespmem:s24], [sflag:$0x5] =	stream.indirect.gather [hbm4b:s4+s21], $0x80, s22, s21, $0xb8;
	[tilespmem:$0x1F400] =	vst v63  }
0x77: {  	v1 =	vld [tilespmem:$0x100];
	_ =	sdelay $0x1  }
0x78: {  	v2 =	vld [tilespmem:$0x110];
	_ =	sdelay $0x1  }
0x79: {  	v3 =	vld [tilespmem:$0x120]  }
0x7a: {  	v62 =	vshrl.u32 v1, $0x10  }
0x7b: {  	s0 =	smul.u32 $0xAB, s7;
	v63 =	vld [tilespmem:$0x130];
	v1 =	vand.u32 $0xFFFF, v1;
	[tilespmem:$0x5100] =	vst v62  }
0x7c: {  	[tilespmem:$0x5300] =	vst v1;
	v1 =	vshrl.u32 v2, $0x10  }
0x7d: {  	s0 =	sshrl.u32 s0, $0x9;
	[tilespmem:$0x5110] =	vst v1;
	v1 =	vand.u32 $0xFFFF, v2  }
0x7e: {  	s0 =	sand.u32 $0x7F, s0;
	[tilespmem:$0x5310] =	vst v1;
	v1 =	vshrl.u32 v3, $0x10  }
0x7f: {  	s0 =	smul.u32 $0x3, s0;
	[tilespmem:$0x5120] =	vst v1;
	v1 =	vand.u32 $0xFFFF, v3  }
0x80: {  	s8 =	simm.s32 $0x2;
	[tilespmem:$0x5320] =	vst v1;
	v1 =	vshrl.u32 v63, $0x10  }
0x81: {  	s25 =	simm.s32 $0x5100;
	s0 =	ssub.s32 $0x0, s0;
	s1 =	sand.u32 $0xFF, s8;
	[tilespmem:$0x5130] =	vst v1;
	v1 =	vand.u32 $0xFFFF, v63  }
0x82: {  	s26 =	simm.s32 $0x9400;
	s0 =	sand.u32 $0xFF, s0;
	s1 =	smul.u32 $0xAB, s1;
	[tilespmem:$0x5330] =	vst v1  }
0x83: {  	[tilespmem:s26], [sflag:$0x3] =	stream.indirect.gather [hbm4b:s4+s21], $0x80, s25, s21, $0xb8;
	[tilespmem:$0x1F400] =	vst v63  }
0x84: {  	s7 =	simm.s32 $0xA400;
	s6 =	simm.s32 $0x5120;
	s1 =	sshrl.u32 s1, $0x9  }
0x85: {  	[tilespmem:s7], [sflag:$0x6] =	stream.indirect.gather [hbm4b:s4+s21], $0x80, s6, s21, $0xb8;
	[tilespmem:$0x1F400] =	vst v63  }
0x86: {  	s1 =	smul.u32 $0x3, s1;
	s24 =	sadd.s32 $0x1, s0;
	[bflag:$0x0] =	sbarrier.arrive $0xFFFF  }
0x87: {  	p0 =	por $0x1, $0x1;
	_ =	swait.ge [sflag:s24], $0x1000  }
0x88: {  	s1 =	ssub.s32 $0x2, s1;
	s9 =	sor.u32 $0x4, s0;
	[sflag:s24] =	ssyncset.done $0x0  }
0x89: {  	s10 =	sshll.u32 s0, $0xD;
	s26 =	sshll.u32 s0, $0x7;
	[sflag:s24] =	ssyncadd.s32 $0xFFFFF000  }
0x8a: {  	s25 =	sand.u32 $0xFF, s1;
	s1 =	sadd.s32 $0x5400, s10;
	_ =	swait.ge [sflag:s9], $0x1000  }
0x8b: {  	s0 =	sadd.s32 $0x7, s0;
	s26 =	sor.u32 $0x5200, s26;
	[sflag:s9] =	ssyncset.done $0x0  }
0x8c: {  	s29 =	sadd.s32 @!p0 $0x7, s25;
	s28 =	rddreg [dreg:$0x3];
	[sflag:s9] =	ssyncadd.s32 $0xFFFFF000  }
0x8d: {  	[spmem:s2] =	stream.indirect.scatter.add.f32 [tilespmem:s1], [sflag:s0], $0x80, s26, s28, $0xb8;
	[tilespmem:$0x1F400] =	vst v63  }
0x8e: {  	p1 =	por @!p0 $0x0, $0x0;
	_ =	swait.ge @!p0 [sflag:s29], $0x2000  }
0x8f: {  	p1 =	por p1, p0;
	[sflag:s29] =	ssyncset.done @!p0 $0x0  }
0x90: {  	s24 =	simm.s32 $0x130;
	[sflag:s29] =	ssyncadd.s32 @!p0 $0xFFFFE000;
	p0 =	por p1, p1  }
0x91: {  	v1 =	vld @!p0 [tilespmem:s24+$0xFFFFFFD0];
	_ =	sdelay $0x4  }
0x92: {  	s0 =	sshll.u32 @!p0 s25, $0x7;
	v2 =	vand.u32 @!p0 $0xFFFF, v1  }
0x93: {  	v1 =	vshrl.u32 @!p0 v1, $0x10;
	[tilespmem:s0+$0x5200] =	vst @!p0 v2  }
0x94: {  	[tilespmem:s0+$0x5000] =	vst @!p0 v1  }
0x95: {  	v1 =	vld @!p0 [tilespmem:s24+$0xFFFFFFE0];
	_ =	sdelay $0x4  }
0x96: {  	v2 =	vshrl.u32 @!p0 v1, $0x10  }
0x97: {  	v1 =	vand.u32 @!p0 $0xFFFF, v1;
	[tilespmem:s0+$0x5010] =	vst @!p0 v2  }
0x98: {  	[tilespmem:s0+$0x5210] =	vst @!p0 v1  }
0x99: {  	v1 =	vld @!p0 [tilespmem:s24+$0xFFFFFFF0];
	_ =	sdelay $0x1  }
0x9a: {  	s26 =	simm.s32 $0x1  }
0x9b: {  	s22 =	smul.u32 $0xAB, s26  }
0x9c: {  	s28 =	sshll.u32 @!p1 s25, $0xD  }
0x9d: {  	s31 =	simm.s32 $0x130;
	s30 =	sadd.s32 @!p1 $0x5400, s28;
	s1 =	sshrl.u32 s22, $0x9;
	v2 =	vshrl.u32 @!p0 v1, $0x10  }
0x9e: {  	s28 =	sadd.s32 @!p1 $0x6400, s28;
	s29 =	simm.s32 $0x2;
	s1 =	sand.u32 $0x7F, s1;
	v1 =	vand.u32 @!p0 $0xFFFF, v1;
	[tilespmem:s0+$0x5020] =	vst @!p0 v2  }
.LBB2_4:
0x9f: {  	[tilespmem:s0+$0x5220] =	vst @!p0 v1  }
0xa0: {  	v1 =	vld @!p0 [tilespmem:s31+$0x0];
	_ =	sdelay $0x1  }
0xa1: {  	s6 =	sadd.s32 $0x2, s26  }
0xa2: {  	s1 =	smul.u32 $0x3, s1;
	s7 =	sand.u32 $0xFF, s6  }
0xa3: {  	s8 =	simm.s32 @!p0 $0x20;
	s7 =	smul.u32 $0xAB, s7  }
0xa4: {  	p2 =	seq.s32 s26, $0x0;
	s9 =	sadd.s32 @!p0 $0x1, s25;
	s25 =	sadd.s32 @!p0 $0x4, s25;
	v2 =	vshrl.u32 @!p0 v1, $0x10  }
0xa5: {  	p3 =	sgt.u32 @!p2 s26, $0x9A;
	s1 =	ssub.s32 s26, s1;
	s7 =	sshrl.u32 s7, $0x9;
	v1 =	vand.u32 @!p0 $0xFFFF, v1;
	[tilespmem:s0+$0x5030] =	vst @!p0 v2  }
0xa6: {  	s26 =	sadd.s32 @!p0 $0x5000, s0;
	s1 =	sand.u32 $0xFF, s1;
	s7 =	smul.u32 $0x3, s7;
	[tilespmem:s0+$0x5230] =	vst @!p0 v1  }
0xa7: {  	[tilespmem:s30], [sflag:s9] =	stream.indirect.gather @!p0 [hbm4b:s4+s8], $0x80, s26, s8, $0xb8;
	[tilespmem:$0x1F400] =	vst v63  }
0xa8: {  	s10 =	sadd.s32 @!p0 $0x5020, s0;
	s9 =	ssub.s32 s6, s7;
	s6 =	sadd.s32 $0x1, s1  }
0xa9: {  	[tilespmem:s28], [sflag:s25] =	stream.indirect.gather @!p0 [hbm4b:s4+s8], $0x80, s10, s8, $0xb8;
	[tilespmem:$0x1F400] =	vst v63  }
0xaa: {  	_ =	swait.ge [sflag:s6], $0x1000  }
0xab: {  	s26 =	sshll.u32 s1, $0x7;
	[sflag:s6] =	ssyncset.done $0x0  }
0xac: {  	s7 =	sor.u32 $0x5200, s26;
	[sflag:s6] =	ssyncadd.s32 $0xFFFFF000;
	s6 =	sor.u32 $0x4, s1  }
0xad: {  	s25 =	sand.u32 $0xFF, s9;
	s9 =	sshll.u32 s1, $0xD;
	_ =	swait.ge [sflag:s6], $0x1000  }
0xae: {  	s0 =	sadd.s32 $0x5400, s9;
	s9 =	sadd.s32 @!p2 $0x7, s25;
	[sflag:s6] =	ssyncset.done $0x0  }
0xaf: {  	s1 =	sadd.s32 $0x7, s1;
	s10 =	rddreg [dreg:$0x3];
	[sflag:s6] =	ssyncadd.s32 $0xFFFFF000  }
0xb0: {  	[spmem:s2] =	stream.indirect.scatter.add.f32 [tilespmem:s0], [sflag:s1], $0x80, s7, s10, $0xb8;
	[tilespmem:$0x1F400] =	vst v63  }
0xb1: {  	_ =	swait.ge @!p2 [sflag:s9], $0x2000  }
0xb2: {  	p3 =	por p3, p2;
	[sflag:s9] =	ssyncset.done @!p2 $0x0  }
0xb3: {  	s24 =	sadd.s32 $0x80, s24;
	p0 =	por p3, p3;
	[sflag:s9] =	ssyncadd.s32 @!p2 $0xFFFFE000  }
0xb4: {  	v1 =	vld @!p0 [tilespmem:s24+$0xFFFFFFD0];
	_ =	sdelay $0x4  }
0xb5: {  	s0 =	sshll.u32 @!p0 s25, $0x7;
	v2 =	vshrl.u32 @!p0 v1, $0x10;
	v1 =	vand.u32 @!p0 $0xFFFF, v1  }
0xb6: {  	[tilespmem:s0+$0x5200] =	vst @!p0 v1  }
0xb7: {  	[tilespmem:s0+$0x5000] =	vst @!p0 v2  }
0xb8: {  	v1 =	vld @!p0 [tilespmem:s24+$0xFFFFFFE0];
	_ =	sdelay $0x4  }
0xb9: {  	v2 =	vshrl.u32 @!p0 v1, $0x10  }
0xba: {  	v1 =	vand.u32 @!p0 $0xFFFF, v1;
	[tilespmem:s0+$0x5010] =	vst @!p0 v2  }
0xbb: {  	[tilespmem:s0+$0x5210] =	vst @!p0 v1  }
0xbc: {  	s22 =	smov.u32 s29;
	s29 =	sadd.s32 $0x1, s29;
	v1 =	vld @!p0 [tilespmem:s24+$0xFFFFFFF0]  }
0xbd: {  	p1 =	sne.s32 s29, $0x9D  }
.Ltmp1:
0xbe: {  	s26 =	smov.u32 s22;
	(pc) =	sbr.rel @p1 .LBB2_4-.Ltmp1, $3  }
0xbf: {  	s22 =	smul.u32 $0xAB, s26;
	_ =	sdelay $0x1  }
0xc0: {  	s31 =	smov.u32 s24;
	s8 =	sshll.u32 @!p3 s25, $0xD;
	s1 =	sshrl.u32 s22, $0x9;
	v2 =	vshrl.u32 @!p0 v1, $0x10  }
0xc1: {  	s30 =	sadd.s32 @!p3 $0x5400, s8;
	s28 =	sadd.s32 @!p3 $0x6400, s8;
	s1 =	sand.u32 $0x7F, s1;
	v1 =	vand.u32 @!p0 $0xFFFF, v1;
	[tilespmem:s0+$0x5020] =	vst @!p0 v2  }
0xc2: {  	[tilespmem:s0+$0x5220] =	vst @!p0 v1  }
0xc3: {  	v1 =	vld @!p0 [tilespmem:s31+$0x0];
	_ =	sdelay $0x3  }
0xc4: {  	s1 =	smul.u32 $0x3, s1  }
0xc5: {  	s6 =	sadd.s32 $0x2, s26;
	s8 =	simm.s32 @!p0 $0x20;
	s9 =	sadd.s32 @!p0 $0x1, s25;
	v2 =	vshrl.u32 @!p0 v1, $0x10  }
0xc6: {  	s10 =	sadd.s32 @!p0 $0x5000, s0;
	s7 =	sand.u32 $0xFF, s6;
	s1 =	ssub.s32 s26, s1;
	v1 =	vand.u32 @!p0 $0xFFFF, v1;
	[tilespmem:s0+$0x5030] =	vst @!p0 v2  }
0xc7: {  	p2 =	seq.s32 s26, $0x0;
	s7 =	smul.u32 $0xAB, s7;
	s1 =	sand.u32 $0xFF, s1;
	[tilespmem:s0+$0x5230] =	vst @!p0 v1  }
0xc8: {  	[tilespmem:s30], [sflag:s9] =	stream.indirect.gather @!p0 [hbm4b:s4+s8], $0x80, s10, s8, $0xb8;
	[tilespmem:$0x1F400] =	vst v63  }
0xc9: {  	s31 =	sadd.s32 $0x1, s1;
	s0 =	sadd.s32 @!p0 $0x5020, s0;
	s9 =	sadd.s32 @!p0 $0x4, s25  }
0xca: {  	[tilespmem:s28], [sflag:s9] =	stream.indirect.gather @!p0 [hbm4b:s4+s8], $0x80, s0, s8, $0xb8;
	[tilespmem:$0x1F400] =	vst v63  }
0xcb: {  	s22 =	sor.u32 $0x4, s1;
	s9 =	sshrl.u32 s7, $0x9;
	_ =	swait.ge [sflag:s31], $0x1000  }
0xcc: {  	s25 =	sshll.u32 s1, $0x7;
	s0 =	smul.u32 $0x3, s9;
	[sflag:s31] =	ssyncset.done $0x0  }
0xcd: {  	s28 =	sshll.u32 s1, $0xD;
	s1 =	sadd.s32 $0x7, s1;
	[sflag:s31] =	ssyncadd.s32 $0xFFFFF000  }
0xce: {  	s8 =	sadd.s32 $0x5400, s28;
	s0 =	ssub.s32 s6, s0;
	_ =	swait.ge [sflag:s22], $0x1000  }
0xcf: {  	s6 =	sor.u32 $0x5200, s25;
	s0 =	sand.u32 $0xFF, s0;
	[sflag:s22] =	ssyncset.done $0x0  }
0xd0: {  	s29 =	rddreg [dreg:$0x3];
	s10 =	sadd.s32 @!p2 $0x7, s0;
	[sflag:s22] =	ssyncadd.s32 $0xFFFFF000  }
0xd1: {  	[spmem:s2] =	stream.indirect.scatter.add.f32 [tilespmem:s8], [sflag:s1], $0x80, s6, s29, $0xb8;
	[tilespmem:$0x1F400] =	vst v63  }
0xd2: {  	p0 =	sgt.u32 @!p2 s26, $0x9A;
	_ =	swait.ge @!p2 [sflag:s10], $0x2000  }
0xd3: {  	p0 =	por p0, p2;
	[sflag:s10] =	ssyncset.done @!p2 $0x0  }
0xd4: {  	p1 =	por p0, p0;
	s1 =	sadd.s32 $0x80, s24;
	[sflag:s10] =	ssyncadd.s32 @!p2 $0xFFFFE000  }
0xd5: {  	v1 =	vld @!p1 [tilespmem:s1+$0xFFFFFFD0];
	_ =	sdelay $0x4  }
0xd6: {  	s6 =	sshll.u32 @!p1 s0, $0x7;
	v2 =	vand.u32 @!p1 $0xFFFF, v1  }
0xd7: {  	v1 =	vshrl.u32 @!p1 v1, $0x10;
	[tilespmem:s6+$0x5200] =	vst @!p1 v2  }
0xd8: {  	[tilespmem:s6+$0x5000] =	vst @!p1 v1  }
0xd9: {  	v1 =	vld @!p1 [tilespmem:s1+$0xFFFFFFE0];
	_ =	sdelay $0x4  }
0xda: {  	v2 =	vshrl.u32 @!p1 v1, $0x10  }
0xdb: {  	v1 =	vand.u32 @!p1 $0xFFFF, v1;
	[tilespmem:s6+$0x5010] =	vst @!p1 v2  }
0xdc: {  	[tilespmem:s6+$0x5210] =	vst @!p1 v1  }
0xdd: {  	v1 =	vld @!p1 [tilespmem:s1+$0xFFFFFFF0];
	_ =	sdelay $0x4  }
0xde: {  	v2 =	vshrl.u32 @!p1 v1, $0x10  }
0xdf: {  	v1 =	vand.u32 @!p1 $0xFFFF, v1;
	[tilespmem:s6+$0x5020] =	vst @!p1 v2  }
0xe0: {  	[tilespmem:s6+$0x5220] =	vst @!p1 v1  }
0xe1: {  	v1 =	vld @!p1 [tilespmem:s1+$0x0];
	_ =	sdelay $0x4  }
0xe2: {  	v2 =	vshrl.u32 @!p1 v1, $0x10  }
0xe3: {  	s9 =	sadd.s32 @!p1 $0x1, s0;
	s1 =	sshll.u32 @!p0 s0, $0xD;
	v1 =	vand.u32 @!p1 $0xFFFF, v1;
	[tilespmem:s6+$0x5030] =	vst @!p1 v2  }
0xe4: {  	s8 =	simm.s32 @!p1 $0x20;
	s10 =	sadd.s32 @!p1 $0x5000, s6;
	s7 =	sadd.s32 @!p0 $0x5400, s1;
	[tilespmem:s6+$0x5230] =	vst @!p1 v1  }
0xe5: {  	[tilespmem:s7], [sflag:s9] =	stream.indirect.gather @!p1 [hbm4b:s4+s8], $0x80, s10, s8, $0xb8;
	[tilespmem:$0x1F400] =	vst v63  }
0xe6: {  	s0 =	sadd.s32 @!p1 $0x4, s0;
	s1 =	sadd.s32 @!p0 $0x6400, s1;
	s6 =	sadd.s32 @!p1 $0x5020, s6  }
0xe7: {  	[tilespmem:s1], [sflag:s0] =	stream.indirect.gather @!p1 [hbm4b:s4+s8], $0x80, s6, s8, $0xb8;
	[tilespmem:$0x1F400] =	vst v63  }
0xe8: {  	s3 =	sadd.s32 $0x1, s3;
	_ =	swait.ge [sflag:s23], $0x2000  }
0xe9: {  	s30 =	stileid.u32;
	s31 =	sshrl.u32 s5, $0x3;
	[sflag:s23] =	ssyncset.done $0x0  }
0xea: {  	p0 =	sne.s32 s3, s17;
	s0 =	sshll.u32 s30, $0x6;
	[sflag:s23] =	ssyncadd.s32 $0xFFFFE000  }
.Ltmp2:
0xeb: {  	s0 =	sor.u32 $0x1C0B, s0;
	[bflag:$0x0] =	sbarrier.arrive $0xFFFF;
	(pc) =	sbr.rel @p0 .LBB2_1-.Ltmp2, $4  }
0xec: {  	[hbm:s16], [sflag:s0] =	dma.local [spmem:s31], $0x2800  }
0xed: {  	_ =	swait.ge [sflag:s19], $0x2800  }
0xee: {  	[sflag:s19] =	ssyncset.done $0x0  }
0xef: {  	[sflag:s19] =	ssyncadd.s32 $0xFFFFD800  }
0xf0: {  	_ =	sfence.sel $0x180000  }
0xf1: {  	[bflag:$0x0] =	sbarrier.arrive $0xFFFF  }
0xf2: {  	_ =	strace $0x9000004D  }
0xf3: {  	s0 =	stileid.u32;
	[bflag:$0x2] =	sbarrier.arrive $0xFFFF  }
0xf4: {  	p0 =	sne.s32 s0, $0x0;
	s0 =	rddreg [dreg:$0x2]  }
0xf5: {  	s0 =	sadd.s32 @!p0 $0x100000, s0  }
0xf6: {  	[sflag:s0] =	ssyncadd.tile.s32 @!p0 $0x1;
	_ =	shalt  }
.Lfunc_end2:
_tile_overlayer_lowered:
.L_overlay_start_2:
0xf7: {  	(tag) =	ssettag $0x2  }
0xf8: {  	s0 =	rddreg [dreg:$0x0];
	s2 =	stileid.u32  }
0xf9: {  	s1 =	rddreg [dreg:$0x1];
	p0 =	sne.s32 s2, $0x0  }
0xfa: {  	s3 =	rddreg [dreg:$0x2];
	[bflag:$0x3] =	sbarrier.arrive $0xFFFF;
	s2 =	simm.s32 @!p0 $0x1C0B  }
0xfb: {  	[timem:s3], [sflag:s2] =	dma.local @!p0 [hbm:s0], s1  }
0xfc: {  	s0 =	simm.s32 @!p0 $0xB  }
0xfd: {  	_ =	swait.ge @!p0 [sflag:s0], s1  }
0xfe: {  	s1 =	ssub.s32 @!p0 $0x0, s1;
	[sflag:s0] =	ssyncset.done @!p0 $0x0  }
0xff: {  	[sflag:s0] =	ssyncadd.s32 @!p0 s1  }
0x100: {  	[bflag:$0x3] =	sbarrier.arrive $0xFFFF  }
0x101: {  	_ =	shalt  }

// kernel: kernel.9.cloned.1.call-start
scs
__scs_entry_jumppad:
0x0: {  	(pc) =	sbr.rel $0x88, $3  }
0x1: {  	(tag) =	ssettag $0x0;
	lr =	simm.s32 $0x1  }
0x2: {  	[smem:$0x3F9B] =	sst lr;
	_ =	strace $0xD0000000  }
0x3: {  	_ = 	snop  }
0x4: {  	_ = 	snop  }
0x5: {  	_ = 	snop  }
0x6: {  	_ = 	snop  }
0x7: {  	_ = 	snop  }
__scs_overlays_trampoline_lowered:
0x8: {  	[smem:$0x3FAA] =	sst s0  }
0x9: {  	[smem:$0x3FAB] =	sst s1  }
0xa: {  	[smem:$0x3FAC] =	sst s2  }
0xb: {  	[smem:$0x3FAD] =	sst s3  }
0xc: {  	[smem:$0x3FAE] =	sst s4  }
0xd: {  	[smem:$0x3FAF] =	sst s5  }
0xe: {  	[smem:$0x3FB0] =	sst s6  }
0xf: {  	[smem:$0x3FB1] =	sst s7  }
0x10: {  	[smem:$0x3FB2] =	sst s8  }
0x11: {  	[smem:$0x3FB3] =	sst s9;
	s0 =	simm.s32 @!p0 $0x0  }
0x12: {  	s1 =	sld [smem:$0x3F99];
	s0 =	simm.s32 @p0 $0x1  }
0x13: {  	[smem:$0x3FB4] =	sst s0;
	s0 =	simm.s32 @!p1 $0x0  }
0x14: {  	s2 =	sld [smem:$0x3F98];
	s0 =	simm.s32 @p1 $0x1  }
0x15: {  	[smem:$0x3FB5] =	sst s0;
	s0 =	simm.s32 @!p2 $0x0  }
0x16: {  	s3 =	sld [smem:$0x3FDB];
	s0 =	simm.s32 @p2 $0x1  }
0x17: {  	s4 =	simm.s32 $0x1BF5;
	[smem:$0x3FB7] =	sst s0  }
0x18: {  	s0 =	sld [smem:$0x3F9A];
	_ =	swait.ge [sflag:s4], $0x0  }
0x19: {  	s7 =	sld [smem:$0x3F9B]  }
0x1a: {  	s8 =	sadd.s32 $0xFFFFE003, lr  }
0x1b: {  	s9 =	sadd.s32 $0xFFFFFEF7, lr;
	s5 =	simm.s32 $0xFFFFFFFF;
	p2 =	slt.u32 s8, $0xFFFFF086  }
0x1c: {  	p1 =	slt.u32 s9, $0xF7A;
	s5 =	simm.s32 @!p2 $0x0  }
0x1d: {  	s5 =	simm.s32 @p1 $0x1;
	p0 =	seq.s32 s7, s2  }
0x1e: {  	s7 =	smul.u32 @!p0 $0xF7A, s2;
	p2 =	seq.s32 @!p0 s5, $0x0  }
0x1f: {  	s9 =	smul.u32 $0xF7A, s1;
	s8 =	simm.s32 @!p0 $0x1BF5;
	p2 =	por !p2, p0  }
0x20: {  	[sflag:s8] =	ssyncset.s32 @!p0 $0xFFFFF086;
	s6 =	sadd.s32 @!p0 s3, s7;
	s7 =	simm.s32 @!p0 $0x108  }
0x21: {  	s3 =	sadd.s32 s3, s9;
	s6 =	sadd.s32 @!p0 $0x88, s6;
	s7 =	simm.s32 @p2 $0x1082  }
0x22: {  	[simem:s7], [sflag:s8] =	dma.local @!p0 [hbm:s6], $0xF7A  }
0x23: {  	s9 =	sor.u32 $0xD0000000, s2;
	s6 =	simm.s32 $0x108;
	_ =	swait.ge @!p0 [sflag:s8], $0x0  }
0x24: {  	s3 =	sadd.s32 $0x88, s3;
	s6 =	simm.s32 @!p1 $0x1082;
	[sflag:s4] =	ssyncset.s32 $0xFFFFF086  }
0x25: {  	[simem:s6], [sflag:s4] =	dma.local [hbm:s3], $0xF7A  }
0x26: {  	[smem:$0x3F9B] =	sst s1;
	(tag) =	ssettag s2;
	_ =	strace s9  }
0x27: {  	s1 =	sld [smem:$0x3FAB]  }
0x28: {  	s2 =	sld [smem:$0x3FAC]  }
0x29: {  	s4 =	sld [smem:$0x3FAE]  }
0x2a: {  	p0 =	seq.s32 s5, $0x0;
	s5 =	sld [smem:$0x3FAF]  }
0x2b: {  	s6 =	sld [smem:$0x3FB0]  }
0x2c: {  	s7 =	sld [smem:$0x3FB1]  }
0x2d: {  	s3 =	simm.s32 $0x108;
	s8 =	sld [smem:$0x3FB2]  }
0x2e: {  	s3 =	simm.s32 @!p0 $0x1082;
	s9 =	sld [smem:$0x3FB3]  }
0x2f: {  	lr =	sadd.s32 s0, s3;
	s0 =	sld [smem:$0x3FAA]  }
0x30: {  	s3 =	sld [smem:$0x3FAD]  }
0x31: {  	[smem:$0x3FB6] =	sst s10  }
0x32: {  	s10 =	sld [smem:$0x3FB4];
	_ =	sdelay $0x3  }
0x33: {  	p0 =	seq.s32 s10, $0x1;
	s10 =	sld [smem:$0x3FB6];
	_ =	sdelay $0x3  }
0x34: {  	[smem:$0x3FB6] =	sst s10  }
0x35: {  	s10 =	sld [smem:$0x3FB5];
	_ =	sdelay $0x3  }
0x36: {  	p1 =	seq.s32 s10, $0x1;
	s10 =	sld [smem:$0x3FB6];
	_ =	sdelay $0x3  }
0x37: {  	[smem:$0x3FB6] =	sst s10  }
0x38: {  	s10 =	sld [smem:$0x3FB7]  }
0x39: {  	_ = 	snop;
	(pc) =	sbr.ind lr, $3  }
0x3a: {  	_ = 	snop  }
0x3b: {  	_ = 	snop  }
0x3c: {  	p2 =	seq.s32 s10, $0x1;
	s10 =	sld [smem:$0x3FB6]  }
0x3d: {  	_ =	shalt  }
0x3e: {  	_ =	shalt  }
0x3f: {  	_ =	shalt  }
0x40: {  	_ =	shalt  }
0x41: {  	_ =	shalt  }
0x42: {  	_ =	shalt  }
0x43: {  	_ =	shalt  }
0x44: {  	_ =	shalt  }
0x45: {  	_ =	shalt  }
0x46: {  	_ =	shalt  }
0x47: {  	_ =	shalt  }
0x48: {  	_ =	shalt  }
0x49: {  	_ =	shalt  }
0x4a: {  	_ =	shalt  }
0x4b: {  	_ =	shalt  }
0x4c: {  	_ =	shalt  }
0x4d: {  	_ =	shalt  }
0x4e: {  	_ =	shalt  }
0x4f: {  	_ =	shalt  }
0x50: {  	_ =	shalt  }
0x51: {  	_ =	shalt  }
0x52: {  	_ =	shalt  }
0x53: {  	_ =	shalt  }
0x54: {  	_ =	shalt  }
0x55: {  	_ =	shalt  }
0x56: {  	_ =	shalt  }
0x57: {  	_ =	shalt  }
0x58: {  	_ =	shalt  }
0x59: {  	_ =	shalt  }
0x5a: {  	_ =	shalt  }
0x5b: {  	_ =	shalt  }
0x5c: {  	_ =	shalt  }
0x5d: {  	_ =	shalt  }
0x5e: {  	_ =	shalt  }
0x5f: {  	_ =	shalt  }
0x60: {  	_ =	shalt  }
0x61: {  	_ =	shalt  }
0x62: {  	_ =	shalt  }
0x63: {  	_ =	shalt  }
0x64: {  	_ =	shalt  }
0x65: {  	_ =	shalt  }
0x66: {  	_ =	shalt  }
0x67: {  	_ =	shalt  }
0x68: {  	_ =	shalt  }
0x69: {  	_ =	shalt  }
0x6a: {  	_ =	shalt  }
0x6b: {  	_ =	shalt  }
0x6c: {  	_ =	shalt  }
0x6d: {  	_ =	shalt  }
0x6e: {  	_ =	shalt  }
0x6f: {  	_ =	shalt  }
0x70: {  	_ =	shalt  }
0x71: {  	_ =	shalt  }
0x72: {  	_ =	shalt  }
0x73: {  	_ =	shalt  }
0x74: {  	_ =	shalt  }
0x75: {  	_ =	shalt  }
0x76: {  	_ =	shalt  }
0x77: {  	_ =	shalt  }
0x78: {  	_ =	shalt  }
0x79: {  	_ =	shalt  }
0x7a: {  	_ =	shalt  }
0x7b: {  	_ =	shalt  }
0x7c: {  	_ =	shalt  }
0x7d: {  	_ =	shalt  }
0x7e: {  	_ =	shalt  }
0x7f: {  	_ =	shalt  }
0x80: {  	_ =	shalt  }
0x81: {  	_ =	shalt  }
0x82: {  	_ =	shalt  }
0x83: {  	_ =	shalt  }
0x84: {  	_ =	shalt  }
0x85: {  	_ =	shalt  }
0x86: {  	_ =	shalt  }
0x87: {  	_ =	shalt  }
.Lfunc_end0:
.L_simem_size_0:
called_computation_lowered:
.L_overlay_start_0:
0x88: {  	s2 =	sld [smem:$0x3FD9]  }
0x89: {  	s3 =	sld [smem:$0x3FFE];
	_ =	sdelay $0x1  }
0x8a: {  	s1 =	srdreg.scid  }
0x8b: {  	s0 =	sand.u32 $0x1, s1  }
0x8c: {  	s17 =	sshll.u32 s0, $0xA;
	s2 =	sadd.s32 s3, s2  }
0x8d: {  	s2 =	sadd.s32 s2, s17  }
0x8e: {  	[smem:$0x3FC2] =	sst s2  }
0x8f: {  	_ = 	snop  }
0x90: {  	s2 =	sld [smem:$0x3FD0];
	(tm) =	ssettm $0x1  }
0x91: {  	s18 =	sld [smem:$0x3FFB];
	_ =	sdelay $0x3  }
0x92: {  	_ =	strace s18  }
0x93: {  	s3 =	sld [smem:$0x3FFC];
	_ =	sdelay $0x3  }
0x94: {  	_ =	strace s3  }
0x95: {  	s3 =	sld [smem:$0x3FFD];
	_ =	sdelay $0x3  }
0x96: {  	_ =	strace s3  }
0x97: {  	_ =	strace $0x8FFFFFFF  }
0x98: {  	s19 =	sld [smem:$0x3FDB];
	_ =	sdelay $0x1  }
0x99: {  	s4 =	simm.s32 $_scs_section_size  }
0x9a: {  	s5 =	simm.s32 $_size__tile_overlayer_lowered;
	s6 =	simm.s32 $_tile_overlayer_lowered  }
0x9b: {  	s22 =	simm.s32 $0x1BFF;
	s21 =	sshll.u32 s6, $0x1;
	s3 =	sadd.s32 s4, s19  }
0x9c: {  	s7 =	simm.s32 $0x0;
	s20 =	sshll.u32 s5, $0x1;
	s5 =	sadd.s32 s21, s3  }
0x9d: {  	[timem:s7], [sflag:s22] =	dma.local [hbm:s5], s20  }
0x9e: {  	_ =	swait.ge [sflag:s22], s20  }
0x9f: {  	s4 =	ssub.s32 $0x0, s20;
	[sflag:s22] =	ssyncset.done $0x0  }
0xa0: {  	[sflag:s22] =	ssyncadd.s32 s4;
	_ =	sdelay $0x1  }
0xa1: {  	s23 =	simm.s32 $0x1B8B  }
0xa2: {  	_ =	swait.ge [sflag:s23], $0x1  }
0xa3: {  	[sflag:s23] =	ssyncset.done $0x0  }
0xa4: {  	s25 =	simm.s32 $0x1B8E;
	s24 =	sld [smem:$0x3FFE];
	[sflag:s23] =	ssyncadd.s32 $0xFFFFFFFF  }
0xa5: {  	s26 =	simm.s32 $execute0_lowered;
	[smem:$0x3FD2] =	sst s25  }
0xa6: {  	s5 =	sshll.u32 s26, $0x1;
	_ =	strace $0x80000046;
	[dreg:$0x1] =	wrdreg $0xFFFFFFFF  }
0xa7: {  	s28 =	simm.s32 $_size_execute0_lowered;
	s3 =	sadd.s32 s3, s5;
	[dreg:$0x0] =	wrdreg $0x0  }
0xa8: {  	s5 =	sshll.u32 s28, $0x1;
	[dreg:$0x2] =	wrdreg s3  }
0xa9: {  	[dreg:$0x3] =	wrdreg s5  }
0xaa: {  	[dreg:$0x4] =	wrdreg $0xC0  }
0xab: {  	_ =	task [dreg:s7], $0x5FFFF  }
0xac: {  	[dreg:$0x1] =	wrdreg $0xFFFFFFFF  }
0xad: {  	[dreg:$0x0] =	wrdreg $0x60  }
0xae: {  	[dreg:$0x2] =	wrdreg s2  }
0xaf: {  	[dreg:$0x3] =	wrdreg s24  }
0xb0: {  	[dreg:$0x4] =	wrdreg $0x2B000  }
0xb1: {  	[dreg:$0x5] =	wrdreg $0x9  }
0xb2: {  	_ =	task.clear_ibuf [dreg:s7], $0x6FFFF;
	_ =	strace $0x90000046  }
0xb3: {  	s29 =	simm.s32 $0x9;
	_ =	strace $0x80000048  }
0xb4: {  	_ =	swait.ge [sflag:s29], $0x1  }
0xb5: {  	[sflag:s29] =	ssyncadd.s32 $0xFFFFFFFF  }
0xb6: {  	_ =	strace $0x90000048  }
0xb7: {  	_ =	sfence  }
0xb8: {  	s30 =	sld [smem:$0x0];
	_ =	sdelay $0x2  }
0xb9: {  	s31 =	sshll.u32 s1, $0xD;
	s1 =	sshrl.u32 s1, $0x2  }
0xba: {  	s3 =	sand.u32 $0x4000, s31;
	s1 =	sadd.s32 s1, s30  }
0xbb: {  	s0 =	sor.u32 s3, s0;
	s1 =	sshll.u32 s1, $0x11  }
0xbc: {  	s0 =	sor.u32 s1, s0  }
0xbd: {  	s0 =	sadd.s32 $0x8F2B, s0  }
0xbe: {  	[sflag:s0] =	ssyncadd.remote.s32 $0x1  }
0xbf: {  	_ =	sfence.sel $0xFFFF  }
0xc0: {  	[dreg:$0x0] =	wrdreg $0xFFFFFFFF;
	(pc) =	sbr.abs _section_cstart, $3  }
0xc1: {  	[dreg:$0x1] =	wrdreg $0xFFFFFFFF  }
0xc2: {  	_ =	task.clear_ibuf [dreg:s7], $0x2FFFF;
	_ =	strace $0x9FFFFFFF  }
0xc3: {  	(tm) =	ssettm $0x7FFFFFFF  }
tec
execute0_lowered:
.L_overlay_start_1:
0x0: {  	(tag) =	ssettag $0x1  }
0x1: {  	s5 =	rddreg [dreg:$0x0]  }
0x2: {  	s4 =	rddreg [dreg:$0x1]  }
0x3: {  	s1 =	rddreg [dreg:$0x2]  }
0x4: {  	s2 =	srdreg.scid;
	s0 =	rddreg [dreg:$0x3];
	s3 =	simm.s32 $0x0  }
0x5: {  	s11 =	simm.s32 $0x2800;
	s6 =	sand.u32 $0x1, s2;
	s2 =	stileid.u32  }
0x6: {  	s14 =	simm.s32 $0x10;
	[smem:$0x7FF] =	sst s3;
	s7 =	smul.u32 $0x14000, s6  }
0x7: {  	s15 =	simm.s32 $0x0;
	s8 =	smul.u32 $0x1400, s2;
	_ =	strace $0x80000047  }
0x8: {  	s31 =	smul.u32 $0xA00, s2;
	s9 =	sshll.u32 s6, $0x4;
	s6 =	ssub.s32 $0x2, s6  }
0x9: {  	s12 =	sshll.u32 s2, $0x6;
	s9 =	sor.u32 s2, s9;
	s10 =	sshrl.u32 s6, $0x1  }
0xa: {  	s12 =	sor.u32 $0x1C01, s12;
	s7 =	sadd.s32 s8, s7;
	s9 =	smul.u32 $0x500, s9  }
0xb: {  	s8 =	sshrl.u32 s31, $0x2;
	s10 =	ssub.s32 s6, s10;
	s7 =	sshrl.u32 s7, $0x3  }
0xc: {  	s7 =	sadd.s32 s7, s4;
	s4 =	sadd.s32 s8, s1;
	s5 =	sadd.s32 s5, s9  }
0xd: {  	s8 =	simm.s32 $0x2880;
	s9 =	simm.s32 $0x1;
	s6 =	sadd.s32 $0x2600, s7  }
0xe: {  	v0 =	vimm.f32 $0.0e+00;
	v1 =	vimm.f32 $1.000000000e+00;
	s7 =	smax.u32 s10, $0x1;
	s10 =	simm.s32 $0x80;
	s13 =	sshrl.u32 s4, $0x3  }
.LBB2_1:
0xf: {  	[tilespmem:$0x2880] =	vst v0  }
0x10: {  	[tilespmem:$0x2890] =	vst v0  }
0x11: {  	[tilespmem:$0x28A0] =	vst v0  }
0x12: {  	[tilespmem:$0x28B0] =	vst v0  }
0x13: {  	[tilespmem:$0x28C0] =	vst v0  }
0x14: {  	[tilespmem:$0x28D0] =	vst v0  }
0x15: {  	[tilespmem:$0x28E0] =	vst v0  }
0x16: {  	[tilespmem:$0x28F0] =	vst v0  }
0x17: {  	[tilespmem:$0x2900] =	vst v0  }
0x18: {  	[tilespmem:$0x2910] =	vst v0  }
0x19: {  	[tilespmem:$0x2920] =	vst v0  }
0x1a: {  	[tilespmem:$0x2930] =	vst v0  }
0x1b: {  	[tilespmem:$0x2940] =	vst v0  }
0x1c: {  	[tilespmem:$0x2950] =	vst v0  }
0x1d: {  	[tilespmem:$0x2960] =	vst v0  }
0x1e: {  	[tilespmem:$0x2970] =	vst v0  }
0x1f: {  	[tilespmem:$0x2980] =	vst v0  }
0x20: {  	[tilespmem:$0x2990] =	vst v0  }
0x21: {  	[tilespmem:$0x29A0] =	vst v0  }
0x22: {  	[tilespmem:$0x29B0] =	vst v0  }
0x23: {  	[tilespmem:$0x29C0] =	vst v0  }
0x24: {  	[tilespmem:$0x29D0] =	vst v0  }
0x25: {  	[tilespmem:$0x29E0] =	vst v0  }
0x26: {  	[tilespmem:$0x29F0] =	vst v0  }
0x27: {  	[tilespmem:$0x2A00] =	vst v0  }
0x28: {  	[tilespmem:$0x2A10] =	vst v0  }
0x29: {  	[tilespmem:$0x2A20] =	vst v0  }
0x2a: {  	[tilespmem:$0x2A30] =	vst v0  }
0x2b: {  	[tilespmem:$0x2A40] =	vst v0  }
0x2c: {  	[tilespmem:$0x2A50] =	vst v0  }
0x2d: {  	[tilespmem:$0x2A60] =	vst v0  }
0x2e: {  	[tilespmem:$0x2A70] =	vst v0  }
0x2f: {  	[tilespmem:$0x2A80] =	vst v0  }
0x30: {  	[tilespmem:$0x2A90] =	vst v0  }
0x31: {  	[tilespmem:$0x2AA0] =	vst v0  }
0x32: {  	[tilespmem:$0x2AB0] =	vst v0  }
0x33: {  	[tilespmem:$0x2AC0] =	vst v0  }
0x34: {  	[tilespmem:$0x2AD0] =	vst v0  }
0x35: {  	[tilespmem:$0x2AE0] =	vst v0  }
0x36: {  	[tilespmem:$0x2AF0] =	vst v0  }
0x37: {  	[tilespmem:$0x2800] =	vst v1  }
0x38: {  	[tilespmem:$0x2810] =	vst v1  }
0x39: {  	[tilespmem:$0x2820] =	vst v1  }
0x3a: {  	[tilespmem:$0x2830] =	vst v1  }
0x3b: {  	[tilespmem:$0x2840] =	vst v1  }
0x3c: {  	[tilespmem:$0x2850] =	vst v1  }
0x3d: {  	[tilespmem:$0x2860] =	vst v1  }
0x3e: {  	[tilespmem:$0x2870] =	vst v1  }
0x3f: {  	[spmem:s4] =	stream.linear.scatter [tilespmem:s8], [sflag:$0x1], $0x280, $0x38;
	[tilespmem:$0x2D80] =	vst v63  }
0x40: {  	_ =	swait.ge [sflag:s9], $0x280  }
0x41: {  	[sflag:s9] =	ssyncset.done $0x0  }
0x42: {  	[sflag:s9] =	ssyncadd.s32 $0xFFFFFD80  }
0x43: {  	[bflag:$0x0] =	sbarrier.arrive $0xFFFF  }
0x44: {  	[tilespmem:s3], [sflag:$0x1] =	stream.linear.gather [hbm4b:s5+s3], $0x2800, $0x38;
	[tilespmem:$0x2D80] =	vst v63  }
0x45: {  	_ =	swait.ge [sflag:s9], $0x2800  }
0x46: {  	[sflag:s9] =	ssyncset.done $0x0  }
0x47: {  	s16 =	simm.s32 $0x0;
	[sflag:s9] =	ssyncadd.s32 $0xFFFFD800  }
0x48: {  	[spmem:s1] =	stream.indirect.scatter.add.f32 [tilespmem:s11], [sflag:$0x1], $0x1, s16, s10, $0xb8;
	[tilespmem:$0x2D80] =	vst v63  }
0x49: {  	_ =	swait.ge [sflag:s9], $0x80  }
0x4a: {  	s16 =	simm.s32 $0x200;
	[sflag:s9] =	ssyncset.done $0x0  }
.LBB2_2:
0x4b: {  	s17 =	sshra.s32 s16, $0x2;
	[sflag:s9] =	ssyncadd.s32 $0xFFFFFF80;
	p0 =	sne.s32 s16, $0x9C00  }
0x4c: {  	[spmem:s1] =	stream.indirect.scatter.add.f32 [tilespmem:s11], [sflag:$0x1], $0x1, s17, s10, $0xb8;
	[tilespmem:$0x2D80] =	vst v63  }
.Ltmp0:
0x4d: {  	_ = 	snop;
	(pc) =	sbr.rel @p0 .LBB2_2-.Ltmp0, $4  }
0x4e: {  	_ = 	snop  }
0x4f: {  	s16 =	sadd.s32 $0x200, s16  }
0x50: {  	_ =	swait.ge [sflag:s9], $0x80  }
0x51: {  	[sflag:s9] =	ssyncset.done $0x0  }
0x52: {  	s15 =	sadd.s32 $0x1, s15  }
0x53: {  	[sflag:s9] =	ssyncadd.s32 $0xFFFFFF80;
	p0 =	sne.s32 s15, s7  }
.Ltmp1:
0x54: {  	[bflag:$0x0] =	sbarrier.arrive $0xFFFF;
	(pc) =	sbr.rel @p0 .LBB2_1-.Ltmp1, $4  }
0x55: {  	[hbm:s6@s10], [sflag:s12] =	dma.strided [spmem:s13@s14], $0x50, s9, $0x10   }
0x56: {  	_ =	swait.ge [sflag:s9], $0x50  }
0x57: {  	[sflag:s9] =	ssyncset.done $0x0  }
0x58: {  	[sflag:s9] =	ssyncadd.s32 $0xFFFFFFB0  }
0x59: {  	_ =	sfence.sel $0x180000  }
0x5a: {  	[bflag:$0x0] =	sbarrier.arrive $0xFFFF  }
0x5b: {  	p0 =	sne.s32 s2, $0x0;
	_ =	strace $0x90000047  }
0x5c: {  	s0 =	sadd.s32 @!p0 $0x100000, s0;
	[bflag:$0x2] =	sbarrier.arrive $0xFFFF  }
0x5d: {  	[sflag:s0] =	ssyncadd.tile.s32 @!p0 $0x1;
	_ =	shalt  }
.Lfunc_end2:
_tile_overlayer_lowered:
.L_overlay_start_2:
0x5e: {  	(tag) =	ssettag $0x2  }
0x5f: {  	s0 =	rddreg [dreg:$0x0];
	s2 =	stileid.u32  }
0x60: {  	s1 =	rddreg [dreg:$0x1];
	p0 =	sne.s32 s2, $0x0  }
0x61: {  	s3 =	rddreg [dreg:$0x2];
	[bflag:$0x3] =	sbarrier.arrive $0xFFFF;
	s2 =	simm.s32 @!p0 $0x1C01  }
0x62: {  	[timem:s3], [sflag:s2] =	dma.local @!p0 [hbm:s0], s1  }
0x63: {  	s0 =	simm.s32 @!p0 $0x1  }
0x64: {  	_ =	swait.ge @!p0 [sflag:s0], s1  }
0x65: {  	s1 =	ssub.s32 @!p0 $0x0, s1;
	[sflag:s0] =	ssyncset.done @!p0 $0x0  }
0x66: {  	[sflag:s0] =	ssyncadd.s32 @!p0 s1  }
0x67: {  	[bflag:$0x3] =	sbarrier.arrive $0xFFFF  }
0x68: {  	_ =	shalt  }

</sc_bundles>
